<compile_context>
chip_gen: v7x
topology: tpu7x:2x2x1
jax: 0.10.2.dev20260603
libtpu: 0.0.44.dev20260713+nightly
codegen_flags: <defaults>
</compile_context>

<pallas_src>
import jax
import jax.numpy as jnp
from jax import lax
from jax.experimental import pallas as pl
from jax.experimental.pallas import tpu as pltpu
from jax.experimental.pallas import tpu_sc as plsc

N_PAD = 10112
K = 128
NW = 32
R = 632
H = 128


def _dist(nch):
  base, rem = nch // NW, nch % NW
  return base, rem, base + (1 if rem else 0)


def _mesh():
  return plsc.VectorSubcoreMesh(core_axis_name="c", subcore_axis_name="s",
                                num_cores=2, num_subcores=16)


def _make_sc_scatter_a(n_pad, nch):
  base, rem, trips = _dist(nch)
  rows_per = n_pad // 16
  nb = 4

  scratch = [
      pltpu.VMEM((trips, K), jnp.int32),
      pltpu.VMEM((trips, K), jnp.int32),
  ]
  scratch += [pltpu.VMEM((K, 16), jnp.float32) for _ in range(nb)]
  scratch += [pltpu.VMEM((K, 16), jnp.float32) for _ in range(nb)]
  scratch.append(pltpu.VMEM_SHARED((n_pad, 16), jnp.float32))
  scratch += [pltpu.SemaphoreType.DMA for _ in range(2 * nb)]

  def body(*refs):
    (tab_hbm, src_hbm, dst_hbm, ea_hbm, z_hbm, out_hbm,
     srcbuf, dstbuf, *rest) = refs
    rows = rest[:nb]
    ebuf = rest[nb:2 * nb]
    acc_sh = rest[2 * nb]
    gsem = rest[2 * nb + 1:3 * nb + 1]
    esem = rest[3 * nb + 1:]

    cid = lax.axis_index("c")
    sid = lax.axis_index("s")
    wid = sid * 2 + cid
    my_rows = pl.ds(sid * rows_per, rows_per)
    chunk0 = wid * base + jnp.minimum(wid, rem)
    mytrips = base + (wid < rem).astype(jnp.int32)

    pltpu.sync_copy(src_hbm.at[pl.ds(chunk0, base)],
                    srcbuf.at[pl.ds(0, base)])
    pltpu.sync_copy(dst_hbm.at[pl.ds(chunk0, base)],
                    dstbuf.at[pl.ds(0, base)])
    if rem:
      @pl.when(wid < rem)
      def _():
        pltpu.sync_copy(src_hbm.at[pl.ds(chunk0 + base, 1)],
                        srcbuf.at[pl.ds(base, 1)])
        pltpu.sync_copy(dst_hbm.at[pl.ds(chunk0 + base, 1)],
                        dstbuf.at[pl.ds(base, 1)])
    pltpu.sync_copy(z_hbm.at[my_rows], acc_sh.at[my_rows])
    plsc.subcore_barrier()

    for b in range(nb):
      pltpu.async_copy(tab_hbm.at[srcbuf.at[b]], rows[b], gsem[b])
      pltpu.async_copy(ea_hbm.at[chunk0 + b], ebuf[b], esem[b])

    @pl.loop(0, pl.cdiv(trips, nb))
    def _(g):
      for b in range(nb):
        t = g * nb + b

        @pl.when(t < mytrips)
        def _():
          pltpu.make_async_copy(tab_hbm.at[srcbuf.at[t]], rows[b],
                                gsem[b]).wait()
          pltpu.sync_copy(rows[b], acc_sh.at[dstbuf.at[t]], add=True)
          pltpu.make_async_copy(ea_hbm.at[0], ebuf[b], esem[b]).wait()
          pltpu.sync_copy(ebuf[b], acc_sh.at[dstbuf.at[t]], add=True)
          tn = t + nb

          @pl.when(tn < mytrips)
          def _():
            pltpu.async_copy(tab_hbm.at[srcbuf.at[tn]], rows[b], gsem[b])
            pltpu.async_copy(ea_hbm.at[chunk0 + tn], ebuf[b], esem[b])

    plsc.subcore_barrier()
    pltpu.sync_copy(acc_sh.at[my_rows], out_hbm.at[cid, my_rows])

  return pl.kernel(
      body,
      out_type=jax.ShapeDtypeStruct((2, n_pad, 16), jnp.float32),
      mesh=_mesh(),
      scratch_types=scratch,
      compiler_params=pltpu.CompilerParams(use_tc_tiling_on_sc=False),
  )


def _make_sc_scatter_b(n_pad, nch):
  base, rem, trips = _dist(nch)
  rows_per = n_pad // 16
  ib, gb = 4, 2

  scratch = [
      pltpu.VMEM((ib, K), jnp.int32),
      pltpu.VMEM((ib, K), jnp.int32),
  ]
  scratch += [pltpu.VMEM((K, H), jnp.float32) for _ in range(gb)]
  scratch.append(pltpu.VMEM_SHARED((n_pad, H), jnp.float32))
  scratch += [pltpu.SemaphoreType.DMA for _ in range(ib + gb)]

  def body(*refs):
    (tab_hbm, src_hbm, dst_hbm, z_hbm, out_hbm, srcring, dstring,
     *rest) = refs
    rows = rest[:gb]
    acc_sh = rest[gb]
    isem = rest[gb + 1:gb + 1 + ib]
    gsem = rest[gb + 1 + ib:]

    cid = lax.axis_index("c")
    sid = lax.axis_index("s")
    wid = sid * 2 + cid
    my_rows = pl.ds(sid * rows_per, rows_per)
    chunk0 = wid * base + jnp.minimum(wid, rem)
    mytrips = base + (wid < rem).astype(jnp.int32)

    pltpu.sync_copy(z_hbm.at[my_rows], acc_sh.at[my_rows])
    plsc.subcore_barrier()

    for j in range(ib):
      pltpu.async_copy(src_hbm.at[chunk0 + j], srcring.at[j], isem[j])
      pltpu.async_copy(dst_hbm.at[chunk0 + j], dstring.at[j], isem[j])
    for t in range(gb):
      pltpu.make_async_copy(src_hbm.at[0], srcring.at[t], isem[t]).wait()
      pltpu.make_async_copy(dst_hbm.at[0], dstring.at[t], isem[t]).wait()
      pltpu.async_copy(tab_hbm.at[srcring.at[t]], rows[t], gsem[t])

    @pl.loop(0, pl.cdiv(trips, ib))
    def _(g):
      for j in range(ib):
        t = g * ib + j
        b = j % gb

        @pl.when(t < mytrips)
        def _():
          pltpu.make_async_copy(tab_hbm.at[srcring.at[j]], rows[b],
                                gsem[b]).wait()
          pltpu.sync_copy(rows[b], acc_sh.at[dstring.at[j]], add=True)
          tn4 = t + ib

          @pl.when(tn4 < mytrips)
          def _():
            pltpu.async_copy(src_hbm.at[chunk0 + tn4], srcring.at[j],
                             isem[j])
            pltpu.async_copy(dst_hbm.at[chunk0 + tn4], dstring.at[j],
                             isem[j])
          tn2 = t + gb

          @pl.when(tn2 < mytrips)
          def _():
            jj = (j + gb) % ib
            pltpu.make_async_copy(src_hbm.at[0], srcring.at[jj],
                                  isem[jj]).wait()
            pltpu.make_async_copy(dst_hbm.at[0], dstring.at[jj],
                                  isem[jj]).wait()
            pltpu.async_copy(tab_hbm.at[srcring.at[jj]], rows[b], gsem[b])

    plsc.subcore_barrier()
    pltpu.sync_copy(acc_sh.at[my_rows], out_hbm.at[cid, my_rows])

  return pl.kernel(
      body,
      out_type=jax.ShapeDtypeStruct((2, n_pad, H), jnp.float32),
      mesh=_mesh(),
      scratch_types=scratch,
      compiler_params=pltpu.CompilerParams(use_tc_tiling_on_sc=False),
  )


def _fmt_body(ea16_ref, x32_ref, p_ref, q_ref, ones_ref, eap_ref, xp_ref):
  i = pl.program_id(0)
  eap_ref[...] = jnp.dot(ea16_ref[...], p_ref[...],
                         preferred_element_type=jnp.float32)

  @pl.when(i == 0)
  def _():
    xp_ref[...] = (jnp.dot(x32_ref[...], q_ref[...],
                           preferred_element_type=jnp.float32)
                   + ones_ref[...])


def _layer_tail(t, g, beta):
  t = jnp.maximum(t, 0.0) * g + beta
  nrm = jnp.sqrt(jnp.sum(t * t, axis=1, keepdims=True))
  return t / jnp.maximum(nrm, 1e-12)


def _tc1_body(xp_ref, acc_ref, winp_ref, m0_ref, wh0_ref,
              wself0_ref, b_in_ref, g0_ref, beta0_ref, o0_ref):
  xp = xp_ref[...]
  h0 = jnp.dot(xp, winp_ref[...], preferred_element_type=jnp.float32)
  h0 = h0 + b_in_ref[...]
  acc = acc_ref[0] + acc_ref[1]
  pre0 = (jnp.dot(acc, m0_ref[...], preferred_element_type=jnp.float32)
          + jnp.dot(h0, wh0_ref[...], preferred_element_type=jnp.float32))
  cnt = acc[:, 6:7] + 1.0
  t = pre0 / cnt + jnp.dot(h0, wself0_ref[...],
                           preferred_element_type=jnp.float32)
  o0_ref[...] = _layer_tail(t, g0_ref[...], beta0_ref[...])


def _tc2_body(o0_ref, s1_ref, acc_ref, idx_ref, wh1_ref, m1_ref,
              wself1_ref, g1_ref, beta1_ref, wja_ref, wjb_ref, bj_ref,
              ws1_ref, bs1_ref, ws2r_ref, bs2_ref, wa1_ref, ba1_ref, wa2_ref,
              ba2_ref, out_ref, nb_ref):
  i = pl.program_id(0)
  nblk = pl.num_programs(0)
  o0 = o0_ref[...]
  ssum = s1_ref[0] + s1_ref[1] + o0
  acc = acc_ref[0] + acc_ref[1]
  pre1 = (jnp.dot(ssum, wh1_ref[...], preferred_element_type=jnp.float32)
          + jnp.dot(acc, m1_ref[...], preferred_element_type=jnp.float32))
  cnt = acc[:, 6:7] + 1.0
  t = pre1 / cnt + jnp.dot(o0, wself1_ref[...],
                           preferred_element_type=jnp.float32)
  o1 = _layer_tail(t, g1_ref[...], beta1_ref[...])

  hj = jnp.dot(o0, wja_ref[...], preferred_element_type=jnp.float32)
  hj = hj + jnp.dot(o1, wjb_ref[...], preferred_element_type=jnp.float32)
  hj = jnp.maximum(hj + bj_ref[...], 0.0)
  hs = jnp.maximum(
      jnp.dot(hj, ws1_ref[...], preferred_element_type=jnp.float32)
      + bs1_ref[...], 0.0)
  s = jnp.sum(hs * ws2r_ref[...], axis=1, keepdims=True) + bs2_ref[0, 0]

  n_row = lax.broadcasted_iota(jnp.int32, (1, R), 1) + i * R
  eq = (idx_ref[...] == n_row).astype(jnp.float32)
  nbp = jnp.dot(eq, s, preferred_element_type=jnp.float32)

  @pl.when(i == 0)
  def _():
    nb_ref[...] = jnp.zeros_like(nb_ref)

  nb_ref[...] += nbp

  @pl.when(i == nblk - 1)
  def _():
    nb = nb_ref[...]
    jrow = lax.broadcasted_iota(jnp.int32, (128, 16), 0)
    mcol = lax.broadcasted_iota(jnp.int32, (128, 16), 1)
    cmat = (jrow % 16 == mcol).astype(jnp.float32)
    arow = lax.broadcasted_iota(jnp.int32, (8, 128), 0)
    jcol = lax.broadcasted_iota(jnp.int32, (8, 128), 1)
    rmat = (jcol // 16 == arow).astype(jnp.float32)
    nb816 = jnp.dot(rmat, nb * cmat,
                    preferred_element_type=jnp.float32)
    a1 = jnp.maximum(
        jnp.dot(nb816, wa1_ref[...], preferred_element_type=jnp.float32)
        + ba1_ref[...], 0.0)
    out_ref[...] = (jnp.dot(a1, wa2_ref[...],
                            preferred_element_type=jnp.float32)
                    + ba2_ref[...])


def _full(shape):
  return pl.BlockSpec(shape, lambda i: (0,) * len(shape))


def kernel(x, edge_index, edge_attr, agent_neighbor_idx, params):
  n, df = x.shape
  e = edge_index.shape[1]
  assert e % K == 0
  nch = e // K
  src2d = edge_index[0].reshape(nch, K)
  dst2d = edge_index[1].reshape(nch, K)

  w_in, b_in = params["W_in"], params["b_in"]
  p0, p1 = params["layer0"], params["layer1"]
  wh0, we0 = p0["W_nb"][:H], p0["W_nb"][H:]
  wh1, we1 = p1["W_nb"][:H], p1["W_nb"][H:]
  m0 = (jnp.zeros((16, H), jnp.float32)
        .at[:df].set(w_in @ wh0).at[df:df + 2].set(we0)
        .at[df + 2].set(b_in @ wh0))
  m1 = jnp.zeros((16, H), jnp.float32).at[df:df + 2].set(we1)
  winp = jnp.zeros((16, H), jnp.float32).at[:df].set(w_in)
  bn_scale = 1.0 / jnp.sqrt(jnp.float32(1.0 + 1e-5))
  g0 = (p0["gamma"] * bn_scale)[None, :]
  g1 = (p1["gamma"] * bn_scale)[None, :]
  beta0, beta1 = p0["beta"][None, :], p1["beta"][None, :]
  wj = params["W_j"]
  wja, wjb = wj[:H], wj[H:]
  bj = params["b_j"][None, :]
  ws1, bs1 = params["W_s1"], params["b_s1"][None, :]
  ws2r = params["W_s2"][:, 0][None, :]
  bs2 = params["b_s2"][None, :]
  wa1, ba1 = params["W_a1"], params["b_a1"][None, :]
  wa2, ba2 = params["W_a2"], params["b_a2"][None, :]
  idxf = agent_neighbor_idx.reshape(-1, 1)
  b_in2 = b_in[None, :]

  i16 = jnp.arange(16)
  i32r = jnp.arange(32)
  i128 = jnp.arange(128)
  pmat = (i128[None, :] == (16 * (i16 // 2) + df + (i16 & 1))[:, None]
          ).astype(jnp.float32)
  qmat = (i128[None, :] == (16 * (i32r // df) + (i32r % df))[:, None]
          ).astype(jnp.float32)
  ones_row = ((i128 % 16) == (df + 2)).astype(jnp.float32)[None, :]
  ea16 = edge_attr.reshape(e // 8, 16)
  x32 = jnp.pad(x, ((0, N_PAD - n), (0, 0))).reshape(N_PAD // 8, 8 * df)

  eb = e // 8 // 8
  eap2, xp2 = pl.pallas_call(
      _fmt_body,
      grid=(8,),
      in_specs=[
          pl.BlockSpec((eb, 16), lambda i: (i, 0)),
          _full((N_PAD // 8, 8 * df)),
          _full((16, 128)), _full((8 * df, 128)), _full((1, 128)),
      ],
      out_specs=[
          pl.BlockSpec((eb, 128), lambda i: (i, 0)),
          pl.BlockSpec((N_PAD // 8, 128), lambda i: (0, 0)),
      ],
      out_shape=[jax.ShapeDtypeStruct((e // 8, 128), jnp.float32),
                 jax.ShapeDtypeStruct((N_PAD // 8, 128), jnp.float32)],
  )(ea16, x32, pmat, qmat, ones_row)
  eap = eap2.reshape(nch, K, 16)
  xp = xp2.reshape(N_PAD, 16)
  z16 = jnp.zeros((N_PAD, 16), jnp.float32)
  z128 = jnp.zeros((N_PAD, H), jnp.float32)

  acc16 = _make_sc_scatter_a(N_PAD, nch)(xp, src2d, dst2d, eap, z16)

  nblk = N_PAD // R
  o0 = pl.pallas_call(
      _tc1_body,
      grid=(nblk,),
      in_specs=[
          pl.BlockSpec((R, 16), lambda i: (i, 0)),
          pl.BlockSpec((2, R, 16), lambda i: (0, i, 0)),
          _full((16, H)), _full((16, H)), _full((H, H)),
          _full((H, H)), _full((1, H)), _full((1, H)), _full((1, H)),
      ],
      out_specs=pl.BlockSpec((R, H), lambda i: (i, 0)),
      out_shape=jax.ShapeDtypeStruct((N_PAD, H), jnp.float32),
  )(xp, acc16, winp, m0, wh0, p0["W_self"], b_in2, g0, beta0)

  s1 = _make_sc_scatter_b(N_PAD, nch)(o0, src2d, dst2d, z128)

  logits = pl.pallas_call(
      _tc2_body,
      grid=(nblk,),
      in_specs=[
          pl.BlockSpec((R, H), lambda i: (i, 0)),
          pl.BlockSpec((2, R, H), lambda i: (0, i, 0)),
          pl.BlockSpec((2, R, 16), lambda i: (0, i, 0)),
          _full((128, 1)),
          _full((H, H)), _full((16, H)), _full((H, H)),
          _full((1, H)), _full((1, H)),
          _full((H, H)), _full((H, H)), _full((1, H)),
          _full((H, 64)), _full((1, 64)), _full((1, 64)), _full((1, 1)),
          _full((16, 64)), _full((1, 64)), _full((64, 16)), _full((1, 16)),
      ],
      out_specs=pl.BlockSpec((8, 16), lambda i: (0, 0)),
      out_shape=jax.ShapeDtypeStruct((8, 16), jnp.float32),
      scratch_shapes=[pltpu.VMEM((128, 1), jnp.float32)],
  )(o0, s1, acc16, idxf, wh1, m1, p1["W_self"], g1, beta1,
    wja, wjb, bj, ws1, bs1, ws2r, bs2, wa1, ba1, wa2, ba2)

  return logits

# --- scband reference (transcript-rebuilt; emitter-appended) ---
"""Pipeline reference for scband-optimized-magecactor-55267639165123 (READ-ONLY COPY).

The authoritative reference and input builder live on the scoring server;
editing this copy changes nothing except your own understanding.
"""

import jax, jax.numpy as jnp
import numpy as np

N = 10000
E = 320000
DF = 4
DE = 2
H = 128
MAXN = 16
A = 8
NUM_LAYERS = 2


def setup_inputs(seed: int = 0) -> dict:
    key = jax.random.key(seed)
    ks = jax.random.split(key, 32)
    x = jax.random.normal(ks[0], (N, DF), dtype=jnp.float32)
    edge_index = jax.random.randint(ks[1], (2, E), 0, N, dtype=jnp.int32)
    edge_attr = jax.random.normal(ks[2], (E, DE), dtype=jnp.float32)
    agent_neighbor_idx = jax.random.randint(ks[3], (A, MAXN), 0, N, dtype=jnp.int32)

    def w(k, shape):
        return jax.random.normal(k, shape, dtype=jnp.float32) * 0.05

    params = {
        "W_in": w(ks[4], (DF, H)),
        "b_in": jnp.zeros((H,), jnp.float32),
        "layer0": {
            "W_self": w(ks[5], (H, H)),
            "W_nb": w(ks[6], (H + DE, H)),
            "gamma": jnp.ones((H,), jnp.float32),
            "beta": jnp.zeros((H,), jnp.float32),
        },
        "layer1": {
            "W_self": w(ks[7], (H, H)),
            "W_nb": w(ks[8], (H + DE, H)),
            "gamma": jnp.ones((H,), jnp.float32),
            "beta": jnp.zeros((H,), jnp.float32),
        },
        "W_j": w(ks[9], (H * NUM_LAYERS, H)),
        "b_j": jnp.zeros((H,), jnp.float32),
        "W_s1": w(ks[10], (H, H // 2)),
        "b_s1": jnp.zeros((H // 2,), jnp.float32),
        "W_s2": w(ks[11], (H // 2, 1)),
        "b_s2": jnp.zeros((1,), jnp.float32),
        "W_a1": w(ks[12], (MAXN, H // 2)),
        "b_a1": jnp.zeros((H // 2,), jnp.float32),
        "W_a2": w(ks[13], (H // 2, MAXN)),
        "b_a2": jnp.zeros((MAXN,), jnp.float32),
    }
    return {
        "x": x,
        "edge_index": edge_index,
        "edge_attr": edge_attr,
        "agent_neighbor_idx": agent_neighbor_idx,
        "params": params,
    }


def _forward(x, edge_attr, params, edge_index, agent_neighbor_idx):
    n = x.shape[0]
    # _safe_add_self_loops
    loop = jnp.arange(n, dtype=edge_index.dtype)
    src = jnp.concatenate([edge_index[0], loop])
    dst = jnp.concatenate([edge_index[1], loop])
    ea = jnp.concatenate([edge_attr, jnp.zeros((n, edge_attr.shape[1]), x.dtype)], axis=0)

    h = x @ params["W_in"] + params["b_in"]
    outs = []
    for l in range(NUM_LAYERS):
        p = params[f"layer{l}"]
        # message: lin_neighbor(cat(x_j, edge_attr)); aggr='mean' over dst
        msg = jnp.concatenate([h[src], ea], axis=-1) @ p["W_nb"]
        summed = jax.ops.segment_sum(msg, dst, num_segments=n)
        cnt = jax.ops.segment_sum(jnp.ones((dst.shape[0],), x.dtype), dst, num_segments=n)
        mean = summed / jnp.maximum(cnt, 1.0)[:, None]
        o = mean + h @ p["W_self"]
        o = jax.nn.relu(o)
        # BatchNorm1d in eval mode (running_mean=0, running_var=1)
        o = o / jnp.sqrt(1.0 + 1e-5) * p["gamma"] + p["beta"]
        # F.normalize(p=2, dim=-1)
        nrm = jnp.maximum(jnp.linalg.norm(o, axis=-1, keepdims=True), 1e-12)
        o = o / nrm
        h = o
        outs.append(o)

    # jump connection over concatenated layer outputs
    hj = jax.nn.relu(jnp.concatenate(outs, axis=-1) @ params["W_j"] + params["b_j"])
    # neighbor_scorer -> per-node score
    sc = jax.nn.relu(hj @ params["W_s1"] + params["b_s1"]) @ params["W_s2"] + params["b_s2"]
    # gather neighbor scores for each agent, feed action_selector
    nb = sc[:, 0][agent_neighbor_idx]  # [A, MAXN]
    logits = jax.nn.relu(nb @ params["W_a1"] + params["b_a1"]) @ params["W_a2"] + params["b_a2"]
    return logits


def reference(x, edge_index, edge_attr, agent_neighbor_idx, params):
    return _forward(x, edge_attr, params, edge_index, agent_neighbor_idx)

if __name__ == "__main__":
    import jax
    _d = setup_inputs()
    print(jax.jit(kernel)(*tuple(_d.values())))

</pallas_src>

<mosaic_0001>
#map = affine_map<(d0, d1) -> (0, 0)>
#map1 = affine_map<(d0, d1) -> (0, 0, 0)>
module attributes {stable_mosaic.version = 14 : i64} {
  func.func @body(%arg0: i32, %arg1: i32, %arg2: memref<10112x16xf32, #tpu.memory_space<hbm>>, %arg3: memref<2500x128xi32, #tpu.memory_space<hbm>>, %arg4: memref<2500x128xi32, #tpu.memory_space<hbm>>, %arg5: memref<2500x128x16xf32, #tpu.memory_space<hbm>>, %arg6: memref<10112x16xf32, #tpu.memory_space<hbm>>, %arg7: memref<2x10112x16xf32, #tpu.memory_space<hbm>>, %arg8: memref<79x128xi32, #tpu.memory_space<vmem>>, %arg9: memref<79x128xi32, #tpu.memory_space<vmem>>, %arg10: memref<128x16xf32, #tpu.memory_space<vmem>>, %arg11: memref<128x16xf32, #tpu.memory_space<vmem>>, %arg12: memref<128x16xf32, #tpu.memory_space<vmem>>, %arg13: memref<128x16xf32, #tpu.memory_space<vmem>>, %arg14: memref<128x16xf32, #tpu.memory_space<vmem>>, %arg15: memref<128x16xf32, #tpu.memory_space<vmem>>, %arg16: memref<128x16xf32, #tpu.memory_space<vmem>>, %arg17: memref<128x16xf32, #tpu.memory_space<vmem>>, %arg18: memref<10112x16xf32, #tpu.memory_space<vmem_shared>>, %arg19: memref<!tpu.dma_semaphore, #tpu.memory_space<semaphore_mem>>, %arg20: memref<!tpu.dma_semaphore, #tpu.memory_space<semaphore_mem>>, %arg21: memref<!tpu.dma_semaphore, #tpu.memory_space<semaphore_mem>>, %arg22: memref<!tpu.dma_semaphore, #tpu.memory_space<semaphore_mem>>, %arg23: memref<!tpu.dma_semaphore, #tpu.memory_space<semaphore_mem>>, %arg24: memref<!tpu.dma_semaphore, #tpu.memory_space<semaphore_mem>>, %arg25: memref<!tpu.dma_semaphore, #tpu.memory_space<semaphore_mem>>, %arg26: memref<!tpu.dma_semaphore, #tpu.memory_space<semaphore_mem>>) attributes {dimension_semantics = [#tpu.dimension_semantics<core_parallel>, #tpu.dimension_semantics<subcore_parallel>], iteration_bounds = array<i64: 2, 16>, scalar_prefetch = 0 : i64, scratch_operands = 19 : i64, tpu.core_type = #tpu.core_type<sc_vector_subcore>, window_params = [{transform_indices = #map}, {transform_indices = #map}, {transform_indices = #map}, {transform_indices = #map1}, {transform_indices = #map}, {transform_indices = #map1}]} {
    %mul3A = arith.constant 2 : i32
    %mul3A_0 = arith.muli %arg1, %mul3A : i32
    %add3A = arith.addi %mul3A_0, %arg0 : i32
    %mul3A_1 = arith.constant 632 : i32
    %mul3A_2 = arith.muli %arg1, %mul3A_1 : i32
    %mul3A_3 = arith.constant 78 : i32
    %mul3A_4 = arith.muli %add3A, %mul3A_3 : i32
    %min3A = arith.constant 4 : i32
    %min3A_5 = arith.minsi %add3A, %min3A : i32
    %add3A_6 = arith.addi %mul3A_4, %min3A_5 : i32
    %lt3A = arith.constant 4 : i32
    %lt3A_7 = arith.cmpi slt, %add3A, %lt3A : i32
    %convert_element_type3A = arith.extui %lt3A_7 : i1 to i32
    %add3A_8 = arith.constant 78 : i32
    %add3A_9 = arith.addi %add3A_8, %convert_element_type3A : i32
    "tpu.region"() ({
      %run_scoped3A = tpu.sem_alloc : memref<!tpu.dma_semaphore, #tpu.memory_space<semaphore_mem>>
      %dma_start3A_86 = arith.constant 0 : i32
      %dma_start3A_87 = arith.constant 0 : i32
      %dma_start3A_88 = tpu.memref_slice %arg8[%dma_start3A_86, %dma_start3A_87] : memref<79x128xi32, #tpu.memory_space<vmem>> -> memref<78x128xi32, #tpu.memory_space<vmem>>
      %dma_start3A_89 = arith.constant 0 : i32
      %dma_start3A_90 = tpu.memref_slice %arg3[%add3A_6, %dma_start3A_89] : memref<2500x128xi32, #tpu.memory_space<hbm>> -> memref<78x128xi32, #tpu.memory_space<hbm>>
      %dma_start3A_91 = arith.constant 0 : i32
      %dma_start3A_92 = arith.constant 0 : i32
      %dma_start3A_93 = tpu.memref_slice %arg8[%dma_start3A_91, %dma_start3A_92] : memref<79x128xi32, #tpu.memory_space<vmem>> -> memref<78x128xi32, #tpu.memory_space<vmem>>
      %dma_start3A_94 = arith.constant 0 : i32
      %dma_start3A_95 = tpu.memref_slice %arg3[%add3A_6, %dma_start3A_94] : memref<2500x128xi32, #tpu.memory_space<hbm>> -> memref<78x128xi32, #tpu.memory_space<hbm>>
      tpu.enqueue_dma source(%dma_start3A_95 : memref<78x128xi32, #tpu.memory_space<hbm>>) target(%dma_start3A_93 : memref<78x128xi32, #tpu.memory_space<vmem>>) target_semaphore(%run_scoped3A : memref<!tpu.dma_semaphore, #tpu.memory_space<semaphore_mem>>)
      %dma_wait3A = arith.constant 0 : i32
      %dma_wait3A_96 = arith.constant 0 : i32
      %dma_wait3A_97 = tpu.memref_slice %arg8[%dma_wait3A, %dma_wait3A_96] : memref<79x128xi32, #tpu.memory_space<vmem>> -> memref<78x128xi32, #tpu.memory_space<vmem>>
      %dma_wait3A_98 = arith.constant 0 : i32
      %dma_wait3A_99 = tpu.memref_slice %arg3[%add3A_6, %dma_wait3A_98] : memref<2500x128xi32, #tpu.memory_space<hbm>> -> memref<78x128xi32, #tpu.memory_space<hbm>>
      %dma_wait3A_100 = arith.constant 0 : i32
      %dma_wait3A_101 = arith.constant 0 : i32
      %dma_wait3A_102 = tpu.memref_slice %arg8[%dma_wait3A_100, %dma_wait3A_101] : memref<79x128xi32, #tpu.memory_space<vmem>> -> memref<78x128xi32, #tpu.memory_space<vmem>>
      %dma_wait3A_103 = arith.constant 0 : i32
      %dma_wait3A_104 = tpu.memref_slice %arg3[%add3A_6, %dma_wait3A_103] : memref<2500x128xi32, #tpu.memory_space<hbm>> -> memref<78x128xi32, #tpu.memory_space<hbm>>
      tpu.wait_dma2 semaphore(%run_scoped3A : memref<!tpu.dma_semaphore, #tpu.memory_space<semaphore_mem>>) src(%dma_wait3A_104 : memref<78x128xi32, #tpu.memory_space<hbm>>) dst(%dma_wait3A_102 : memref<78x128xi32, #tpu.memory_space<vmem>>)
      tpu.yield
    }) : () -> ()
    "tpu.region"() ({
      %run_scoped3A = tpu.sem_alloc : memref<!tpu.dma_semaphore, #tpu.memory_space<semaphore_mem>>
      %dma_start3A_86 = arith.constant 0 : i32
      %dma_start3A_87 = arith.constant 0 : i32
      %dma_start3A_88 = tpu.memref_slice %arg9[%dma_start3A_86, %dma_start3A_87] : memref<79x128xi32, #tpu.memory_space<vmem>> -> memref<78x128xi32, #tpu.memory_space<vmem>>
      %dma_start3A_89 = arith.constant 0 : i32
      %dma_start3A_90 = tpu.memref_slice %arg4[%add3A_6, %dma_start3A_89] : memref<2500x128xi32, #tpu.memory_space<hbm>> -> memref<78x128xi32, #tpu.memory_space<hbm>>
      %dma_start3A_91 = arith.constant 0 : i32
      %dma_start3A_92 = arith.constant 0 : i32
      %dma_start3A_93 = tpu.memref_slice %arg9[%dma_start3A_91, %dma_start3A_92] : memref<79x128xi32, #tpu.memory_space<vmem>> -> memref<78x128xi32, #tpu.memory_space<vmem>>
      %dma_start3A_94 = arith.constant 0 : i32
      %dma_start3A_95 = tpu.memref_slice %arg4[%add3A_6, %dma_start3A_94] : memref<2500x128xi32, #tpu.memory_space<hbm>> -> memref<78x128xi32, #tpu.memory_space<hbm>>
      tpu.enqueue_dma source(%dma_start3A_95 : memref<78x128xi32, #tpu.memory_space<hbm>>) target(%dma_start3A_93 : memref<78x128xi32, #tpu.memory_space<vmem>>) target_semaphore(%run_scoped3A : memref<!tpu.dma_semaphore, #tpu.memory_space<semaphore_mem>>)
      %dma_wait3A = arith.constant 0 : i32
      %dma_wait3A_96 = arith.constant 0 : i32
      %dma_wait3A_97 = tpu.memref_slice %arg9[%dma_wait3A, %dma_wait3A_96] : memref<79x128xi32, #tpu.memory_space<vmem>> -> memref<78x128xi32, #tpu.memory_space<vmem>>
      %dma_wait3A_98 = arith.constant 0 : i32
      %dma_wait3A_99 = tpu.memref_slice %arg4[%add3A_6, %dma_wait3A_98] : memref<2500x128xi32, #tpu.memory_space<hbm>> -> memref<78x128xi32, #tpu.memory_space<hbm>>
      %dma_wait3A_100 = arith.constant 0 : i32
      %dma_wait3A_101 = arith.constant 0 : i32
      %dma_wait3A_102 = tpu.memref_slice %arg9[%dma_wait3A_100, %dma_wait3A_101] : memref<79x128xi32, #tpu.memory_space<vmem>> -> memref<78x128xi32, #tpu.memory_space<vmem>>
      %dma_wait3A_103 = arith.constant 0 : i32
      %dma_wait3A_104 = tpu.memref_slice %arg4[%add3A_6, %dma_wait3A_103] : memref<2500x128xi32, #tpu.memory_space<hbm>> -> memref<78x128xi32, #tpu.memory_space<hbm>>
      tpu.wait_dma2 semaphore(%run_scoped3A : memref<!tpu.dma_semaphore, #tpu.memory_space<semaphore_mem>>) src(%dma_wait3A_104 : memref<78x128xi32, #tpu.memory_space<hbm>>) dst(%dma_wait3A_102 : memref<78x128xi32, #tpu.memory_space<vmem>>)
      tpu.yield
    }) : () -> ()
    %lt3A_10 = arith.constant 4 : i32
    %lt3A_11 = arith.cmpi slt, %add3A, %lt3A_10 : i32
    %convert_element_type3A_12 = arith.extui %lt3A_11 : i1 to i32
    %cond3A = arith.constant 0 : i32
    %cond3A_13 = arith.cmpi ne, %convert_element_type3A_12, %cond3A : i32
    scf.if %cond3A_13 {
      %add3A_86 = arith.constant 78 : i32
      %add3A_87 = arith.addi %add3A_6, %add3A_86 : i32
      "tpu.region"() ({
        %run_scoped3A = tpu.sem_alloc : memref<!tpu.dma_semaphore, #tpu.memory_space<semaphore_mem>>
        %dma_start3A_90 = arith.constant 78 : i32
        %dma_start3A_91 = arith.constant 0 : i32
        %dma_start3A_92 = tpu.memref_slice %arg8[%dma_start3A_90, %dma_start3A_91] : memref<79x128xi32, #tpu.memory_space<vmem>> -> memref<1x128xi32, #tpu.memory_space<vmem>>
        %dma_start3A_93 = arith.constant 0 : i32
        %dma_start3A_94 = tpu.memref_slice %arg3[%add3A_87, %dma_start3A_93] : memref<2500x128xi32, #tpu.memory_space<hbm>> -> memref<1x128xi32, #tpu.memory_space<hbm>>
        %dma_start3A_95 = arith.constant 78 : i32
        %dma_start3A_96 = arith.constant 0 : i32
        %dma_start3A_97 = tpu.memref_slice %arg8[%dma_start3A_95, %dma_start3A_96] : memref<79x128xi32, #tpu.memory_space<vmem>> -> memref<1x128xi32, #tpu.memory_space<vmem>>
        %dma_start3A_98 = arith.constant 0 : i32
        %dma_start3A_99 = tpu.memref_slice %arg3[%add3A_87, %dma_start3A_98] : memref<2500x128xi32, #tpu.memory_space<hbm>> -> memref<1x128xi32, #tpu.memory_space<hbm>>
        tpu.enqueue_dma source(%dma_start3A_99 : memref<1x128xi32, #tpu.memory_space<hbm>>) target(%dma_start3A_97 : memref<1x128xi32, #tpu.memory_space<vmem>>) target_semaphore(%run_scoped3A : memref<!tpu.dma_semaphore, #tpu.memory_space<semaphore_mem>>)
        %dma_wait3A = arith.constant 78 : i32
        %dma_wait3A_100 = arith.constant 0 : i32
        %dma_wait3A_101 = tpu.memref_slice %arg8[%dma_wait3A, %dma_wait3A_100] : memref<79x128xi32, #tpu.memory_space<vmem>> -> memref<1x128xi32, #tpu.memory_space<vmem>>
        %dma_wait3A_102 = arith.constant 0 : i32
        %dma_wait3A_103 = tpu.memref_slice %arg3[%add3A_87, %dma_wait3A_102] : memref<2500x128xi32, #tpu.memory_space<hbm>> -> memref<1x128xi32, #tpu.memory_space<hbm>>
        %dma_wait3A_104 = arith.constant 78 : i32
        %dma_wait3A_105 = arith.constant 0 : i32
        %dma_wait3A_106 = tpu.memref_slice %arg8[%dma_wait3A_104, %dma_wait3A_105] : memref<79x128xi32, #tpu.memory_space<vmem>> -> memref<1x128xi32, #tpu.memory_space<vmem>>
        %dma_wait3A_107 = arith.constant 0 : i32
        %dma_wait3A_108 = tpu.memref_slice %arg3[%add3A_87, %dma_wait3A_107] : memref<2500x128xi32, #tpu.memory_space<hbm>> -> memref<1x128xi32, #tpu.memory_space<hbm>>
        tpu.wait_dma2 semaphore(%run_scoped3A : memref<!tpu.dma_semaphore, #tpu.memory_space<semaphore_mem>>) src(%dma_wait3A_108 : memref<1x128xi32, #tpu.memory_space<hbm>>) dst(%dma_wait3A_106 : memref<1x128xi32, #tpu.memory_space<vmem>>)
        tpu.yield
      }) : () -> ()
      %add3A_88 = arith.constant 78 : i32
      %add3A_89 = arith.addi %add3A_6, %add3A_88 : i32
      "tpu.region"() ({
        %run_scoped3A = tpu.sem_alloc : memref<!tpu.dma_semaphore, #tpu.memory_space<semaphore_mem>>
        %dma_start3A_90 = arith.constant 78 : i32
        %dma_start3A_91 = arith.constant 0 : i32
        %dma_start3A_92 = tpu.memref_slice %arg9[%dma_start3A_90, %dma_start3A_91] : memref<79x128xi32, #tpu.memory_space<vmem>> -> memref<1x128xi32, #tpu.memory_space<vmem>>
        %dma_start3A_93 = arith.constant 0 : i32
        %dma_start3A_94 = tpu.memref_slice %arg4[%add3A_89, %dma_start3A_93] : memref<2500x128xi32, #tpu.memory_space<hbm>> -> memref<1x128xi32, #tpu.memory_space<hbm>>
        %dma_start3A_95 = arith.constant 78 : i32
        %dma_start3A_96 = arith.constant 0 : i32
        %dma_start3A_97 = tpu.memref_slice %arg9[%dma_start3A_95, %dma_start3A_96] : memref<79x128xi32, #tpu.memory_space<vmem>> -> memref<1x128xi32, #tpu.memory_space<vmem>>
        %dma_start3A_98 = arith.constant 0 : i32
        %dma_start3A_99 = tpu.memref_slice %arg4[%add3A_89, %dma_start3A_98] : memref<2500x128xi32, #tpu.memory_space<hbm>> -> memref<1x128xi32, #tpu.memory_space<hbm>>
        tpu.enqueue_dma source(%dma_start3A_99 : memref<1x128xi32, #tpu.memory_space<hbm>>) target(%dma_start3A_97 : memref<1x128xi32, #tpu.memory_space<vmem>>) target_semaphore(%run_scoped3A : memref<!tpu.dma_semaphore, #tpu.memory_space<semaphore_mem>>)
        %dma_wait3A = arith.constant 78 : i32
        %dma_wait3A_100 = arith.constant 0 : i32
        %dma_wait3A_101 = tpu.memref_slice %arg9[%dma_wait3A, %dma_wait3A_100] : memref<79x128xi32, #tpu.memory_space<vmem>> -> memref<1x128xi32, #tpu.memory_space<vmem>>
        %dma_wait3A_102 = arith.constant 0 : i32
        %dma_wait3A_103 = tpu.memref_slice %arg4[%add3A_89, %dma_wait3A_102] : memref<2500x128xi32, #tpu.memory_space<hbm>> -> memref<1x128xi32, #tpu.memory_space<hbm>>
        %dma_wait3A_104 = arith.constant 78 : i32
        %dma_wait3A_105 = arith.constant 0 : i32
        %dma_wait3A_106 = tpu.memref_slice %arg9[%dma_wait3A_104, %dma_wait3A_105] : memref<79x128xi32, #tpu.memory_space<vmem>> -> memref<1x128xi32, #tpu.memory_space<vmem>>
        %dma_wait3A_107 = arith.constant 0 : i32
        %dma_wait3A_108 = tpu.memref_slice %arg4[%add3A_89, %dma_wait3A_107] : memref<2500x128xi32, #tpu.memory_space<hbm>> -> memref<1x128xi32, #tpu.memory_space<hbm>>
        tpu.wait_dma2 semaphore(%run_scoped3A : memref<!tpu.dma_semaphore, #tpu.memory_space<semaphore_mem>>) src(%dma_wait3A_108 : memref<1x128xi32, #tpu.memory_space<hbm>>) dst(%dma_wait3A_106 : memref<1x128xi32, #tpu.memory_space<vmem>>)
        tpu.yield
      }) : () -> ()
    } else {
    }
    "tpu.region"() ({
      %run_scoped3A = tpu.sem_alloc : memref<!tpu.dma_semaphore, #tpu.memory_space<semaphore_mem>>
      %dma_start3A_86 = arith.constant 0 : i32
      %dma_start3A_87 = tpu.memref_slice %arg18[%mul3A_2, %dma_start3A_86] : memref<10112x16xf32, #tpu.memory_space<vmem_shared>> -> memref<632x16xf32, #tpu.memory_space<vmem_shared>>
      %dma_start3A_88 = arith.constant 0 : i32
      %dma_start3A_89 = tpu.memref_slice %arg6[%mul3A_2, %dma_start3A_88] : memref<10112x16xf32, #tpu.memory_space<hbm>> -> memref<632x16xf32, #tpu.memory_space<hbm>>
      tpu.enqueue_dma source(%dma_start3A_89 : memref<632x16xf32, #tpu.memory_space<hbm>>) target(%dma_start3A_87 : memref<632x16xf32, #tpu.memory_space<vmem_shared>>) target_semaphore(%run_scoped3A : memref<!tpu.dma_semaphore, #tpu.memory_space<semaphore_mem>>)
      %dma_wait3A = arith.constant 0 : i32
      %dma_wait3A_90 = tpu.memref_slice %arg18[%mul3A_2, %dma_wait3A] : memref<10112x16xf32, #tpu.memory_space<vmem_shared>> -> memref<632x16xf32, #tpu.memory_space<vmem_shared>>
      %dma_wait3A_91 = arith.constant 0 : i32
      %dma_wait3A_92 = tpu.memref_slice %arg6[%mul3A_2, %dma_wait3A_91] : memref<10112x16xf32, #tpu.memory_space<hbm>> -> memref<632x16xf32, #tpu.memory_space<hbm>>
      tpu.wait_dma2 semaphore(%run_scoped3A : memref<!tpu.dma_semaphore, #tpu.memory_space<semaphore_mem>>) src(%dma_wait3A_92 : memref<632x16xf32, #tpu.memory_space<hbm>>) dst(%dma_wait3A_90 : memref<632x16xf32, #tpu.memory_space<vmem_shared>>)
      tpu.yield
    }) : () -> ()
    %barrier3A = arith.constant 0 : index
    tpu.barrier barrier_id(%barrier3A)
    %dma_start3A = arith.constant 0 : i32
    %dma_start3A_14 = arith.constant 0 : i32
    %dma_start3A_15 = tpu.memref_slice %arg8[%dma_start3A, %dma_start3A_14] : memref<79x128xi32, #tpu.memory_space<vmem>> -> memref<1x128xi32, #tpu.memory_space<vmem>>
    %dma_start3A_16 = tpu.memref_squeeze %dma_start3A_15 : memref<1x128xi32, #tpu.memory_space<vmem>> -> memref<128xi32, #tpu.memory_space<vmem>>
    %dma_start3A_17 = arith.constant 0 : i32
    %dma_start3A_18 = arith.constant 0 : i32
    %dma_start3A_19 = tpu.memref_slice %arg2[%dma_start3A_17, %dma_start3A_18] : memref<10112x16xf32, #tpu.memory_space<hbm>> -> memref<10112x16xf32, #tpu.memory_space<hbm>>
    tpu.enqueue_indirect_dma source(%dma_start3A_19 : memref<10112x16xf32, #tpu.memory_space<hbm>>) target(%arg10 : memref<128x16xf32, #tpu.memory_space<vmem>>) offsets(%dma_start3A_16 : memref<128xi32, #tpu.memory_space<vmem>>) semaphore(%arg19 : memref<!tpu.dma_semaphore, #tpu.memory_space<semaphore_mem>>)
    %add3A_20 = arith.constant 0 : i32
    %add3A_21 = arith.addi %add3A_6, %add3A_20 : i32
    %dma_start3A_22 = arith.constant 0 : i32
    %dma_start3A_23 = arith.constant 0 : i32
    %dma_start3A_24 = tpu.memref_slice %arg5[%add3A_21, %dma_start3A_22, %dma_start3A_23] : memref<2500x128x16xf32, #tpu.memory_space<hbm>> -> memref<1x128x16xf32, #tpu.memory_space<hbm>>
    %dma_start3A_25 = tpu.memref_squeeze %dma_start3A_24 : memref<1x128x16xf32, #tpu.memory_space<hbm>> -> memref<128x16xf32, #tpu.memory_space<hbm>>
    %dma_start3A_26 = arith.constant 0 : i32
    %dma_start3A_27 = arith.constant 0 : i32
    %dma_start3A_28 = tpu.memref_slice %arg5[%add3A_21, %dma_start3A_26, %dma_start3A_27] : memref<2500x128x16xf32, #tpu.memory_space<hbm>> -> memref<1x128x16xf32, #tpu.memory_space<hbm>>
    %dma_start3A_29 = tpu.memref_squeeze %dma_start3A_28 : memref<1x128x16xf32, #tpu.memory_space<hbm>> -> memref<128x16xf32, #tpu.memory_space<hbm>>
    tpu.enqueue_dma source(%dma_start3A_29 : memref<128x16xf32, #tpu.memory_space<hbm>>) target(%arg14 : memref<128x16xf32, #tpu.memory_space<vmem>>) target_semaphore(%arg23 : memref<!tpu.dma_semaphore, #tpu.memory_space<semaphore_mem>>)
    %dma_start3A_30 = arith.constant 1 : i32
    %dma_start3A_31 = arith.constant 0 : i32
    %dma_start3A_32 = tpu.memref_slice %arg8[%dma_start3A_30, %dma_start3A_31] : memref<79x128xi32, #tpu.memory_space<vmem>> -> memref<1x128xi32, #tpu.memory_space<vmem>>
    %dma_start3A_33 = tpu.memref_squeeze %dma_start3A_32 : memref<1x128xi32, #tpu.memory_space<vmem>> -> memref<128xi32, #tpu.memory_space<vmem>>
    %dma_start3A_34 = arith.constant 0 : i32
    %dma_start3A_35 = arith.constant 0 : i32
    %dma_start3A_36 = tpu.memref_slice %arg2[%dma_start3A_34, %dma_start3A_35] : memref<10112x16xf32, #tpu.memory_space<hbm>> -> memref<10112x16xf32, #tpu.memory_space<hbm>>
    tpu.enqueue_indirect_dma source(%dma_start3A_36 : memref<10112x16xf32, #tpu.memory_space<hbm>>) target(%arg11 : memref<128x16xf32, #tpu.memory_space<vmem>>) offsets(%dma_start3A_33 : memref<128xi32, #tpu.memory_space<vmem>>) semaphore(%arg20 : memref<!tpu.dma_semaphore, #tpu.memory_space<semaphore_mem>>)
    %add3A_37 = arith.constant 1 : i32
    %add3A_38 = arith.addi %add3A_6, %add3A_37 : i32
    %dma_start3A_39 = arith.constant 0 : i32
    %dma_start3A_40 = arith.constant 0 : i32
    %dma_start3A_41 = tpu.memref_slice %arg5[%add3A_38, %dma_start3A_39, %dma_start3A_40] : memref<2500x128x16xf32, #tpu.memory_space<hbm>> -> memref<1x128x16xf32, #tpu.memory_space<hbm>>
    %dma_start3A_42 = tpu.memref_squeeze %dma_start3A_41 : memref<1x128x16xf32, #tpu.memory_space<hbm>> -> memref<128x16xf32, #tpu.memory_space<hbm>>
    %dma_start3A_43 = arith.constant 0 : i32
    %dma_start3A_44 = arith.constant 0 : i32
    %dma_start3A_45 = tpu.memref_slice %arg5[%add3A_38, %dma_start3A_43, %dma_start3A_44] : memref<2500x128x16xf32, #tpu.memory_space<hbm>> -> memref<1x128x16xf32, #tpu.memory_space<hbm>>
    %dma_start3A_46 = tpu.memref_squeeze %dma_start3A_45 : memref<1x128x16xf32, #tpu.memory_space<hbm>> -> memref<128x16xf32, #tpu.memory_space<hbm>>
    tpu.enqueue_dma source(%dma_start3A_46 : memref<128x16xf32, #tpu.memory_space<hbm>>) target(%arg15 : memref<128x16xf32, #tpu.memory_space<vmem>>) target_semaphore(%arg24 : memref<!tpu.dma_semaphore, #tpu.memory_space<semaphore_mem>>)
    %dma_start3A_47 = arith.constant 2 : i32
    %dma_start3A_48 = arith.constant 0 : i32
    %dma_start3A_49 = tpu.memref_slice %arg8[%dma_start3A_47, %dma_start3A_48] : memref<79x128xi32, #tpu.memory_space<vmem>> -> memref<1x128xi32, #tpu.memory_space<vmem>>
    %dma_start3A_50 = tpu.memref_squeeze %dma_start3A_49 : memref<1x128xi32, #tpu.memory_space<vmem>> -> memref<128xi32, #tpu.memory_space<vmem>>
    %dma_start3A_51 = arith.constant 0 : i32
    %dma_start3A_52 = arith.constant 0 : i32
    %dma_start3A_53 = tpu.memref_slice %arg2[%dma_start3A_51, %dma_start3A_52] : memref<10112x16xf32, #tpu.memory_space<hbm>> -> memref<10112x16xf32, #tpu.memory_space<hbm>>
    tpu.enqueue_indirect_dma source(%dma_start3A_53 : memref<10112x16xf32, #tpu.memory_space<hbm>>) target(%arg12 : memref<128x16xf32, #tpu.memory_space<vmem>>) offsets(%dma_start3A_50 : memref<128xi32, #tpu.memory_space<vmem>>) semaphore(%arg21 : memref<!tpu.dma_semaphore, #tpu.memory_space<semaphore_mem>>)
    %add3A_54 = arith.constant 2 : i32
    %add3A_55 = arith.addi %add3A_6, %add3A_54 : i32
    %dma_start3A_56 = arith.constant 0 : i32
    %dma_start3A_57 = arith.constant 0 : i32
    %dma_start3A_58 = tpu.memref_slice %arg5[%add3A_55, %dma_start3A_56, %dma_start3A_57] : memref<2500x128x16xf32, #tpu.memory_space<hbm>> -> memref<1x128x16xf32, #tpu.memory_space<hbm>>
    %dma_start3A_59 = tpu.memref_squeeze %dma_start3A_58 : memref<1x128x16xf32, #tpu.memory_space<hbm>> -> memref<128x16xf32, #tpu.memory_space<hbm>>
    %dma_start3A_60 = arith.constant 0 : i32
    %dma_start3A_61 = arith.constant 0 : i32
    %dma_start3A_62 = tpu.memref_slice %arg5[%add3A_55, %dma_start3A_60, %dma_start3A_61] : memref<2500x128x16xf32, #tpu.memory_space<hbm>> -> memref<1x128x16xf32, #tpu.memory_space<hbm>>
    %dma_start3A_63 = tpu.memref_squeeze %dma_start3A_62 : memref<1x128x16xf32, #tpu.memory_space<hbm>> -> memref<128x16xf32, #tpu.memory_space<hbm>>
    tpu.enqueue_dma source(%dma_start3A_63 : memref<128x16xf32, #tpu.memory_space<hbm>>) target(%arg16 : memref<128x16xf32, #tpu.memory_space<vmem>>) target_semaphore(%arg25 : memref<!tpu.dma_semaphore, #tpu.memory_space<semaphore_mem>>)
    %dma_start3A_64 = arith.constant 3 : i32
    %dma_start3A_65 = arith.constant 0 : i32
    %dma_start3A_66 = tpu.memref_slice %arg8[%dma_start3A_64, %dma_start3A_65] : memref<79x128xi32, #tpu.memory_space<vmem>> -> memref<1x128xi32, #tpu.memory_space<vmem>>
    %dma_start3A_67 = tpu.memref_squeeze %dma_start3A_66 : memref<1x128xi32, #tpu.memory_space<vmem>> -> memref<128xi32, #tpu.memory_space<vmem>>
    %dma_start3A_68 = arith.constant 0 : i32
    %dma_start3A_69 = arith.constant 0 : i32
    %dma_start3A_70 = tpu.memref_slice %arg2[%dma_start3A_68, %dma_start3A_69] : memref<10112x16xf32, #tpu.memory_space<hbm>> -> memref<10112x16xf32, #tpu.memory_space<hbm>>
    tpu.enqueue_indirect_dma source(%dma_start3A_70 : memref<10112x16xf32, #tpu.memory_space<hbm>>) target(%arg13 : memref<128x16xf32, #tpu.memory_space<vmem>>) offsets(%dma_start3A_67 : memref<128xi32, #tpu.memory_space<vmem>>) semaphore(%arg22 : memref<!tpu.dma_semaphore, #tpu.memory_space<semaphore_mem>>)
    %add3A_71 = arith.constant 3 : i32
    %add3A_72 = arith.addi %add3A_6, %add3A_71 : i32
    %dma_start3A_73 = arith.constant 0 : i32
    %dma_start3A_74 = arith.constant 0 : i32
    %dma_start3A_75 = tpu.memref_slice %arg5[%add3A_72, %dma_start3A_73, %dma_start3A_74] : memref<2500x128x16xf32, #tpu.memory_space<hbm>> -> memref<1x128x16xf32, #tpu.memory_space<hbm>>
    %dma_start3A_76 = tpu.memref_squeeze %dma_start3A_75 : memref<1x128x16xf32, #tpu.memory_space<hbm>> -> memref<128x16xf32, #tpu.memory_space<hbm>>
    %dma_start3A_77 = arith.constant 0 : i32
    %dma_start3A_78 = arith.constant 0 : i32
    %dma_start3A_79 = tpu.memref_slice %arg5[%add3A_72, %dma_start3A_77, %dma_start3A_78] : memref<2500x128x16xf32, #tpu.memory_space<hbm>> -> memref<1x128x16xf32, #tpu.memory_space<hbm>>
    %dma_start3A_80 = tpu.memref_squeeze %dma_start3A_79 : memref<1x128x16xf32, #tpu.memory_space<hbm>> -> memref<128x16xf32, #tpu.memory_space<hbm>>
    tpu.enqueue_dma source(%dma_start3A_80 : memref<128x16xf32, #tpu.memory_space<hbm>>) target(%arg17 : memref<128x16xf32, #tpu.memory_space<vmem>>) target_semaphore(%arg26 : memref<!tpu.dma_semaphore, #tpu.memory_space<semaphore_mem>>)
    %scan3A = arith.constant 0 : i32
    %scan3A_81 = arith.constant 20 : i32
    %scan3A_82 = arith.addi %scan3A, %scan3A_81 : i32
    %scan3A_83 = arith.constant 1 : i32
    scf.for %scan3A_86 = %scan3A to %scan3A_82 step %scan3A_83  : i32 {
      %mul3A_87 = arith.constant 1 : i32
      %mul3A_88 = arith.muli %scan3A_86, %mul3A_87 : i32
      %add3A_89 = arith.constant 0 : i32
      %add3A_90 = arith.addi %add3A_89, %mul3A_88 : i32
      %mul3A_91 = arith.constant 4 : i32
      %mul3A_92 = arith.muli %add3A_90, %mul3A_91 : i32
      %add3A_93 = arith.constant 0 : i32
      %add3A_94 = arith.addi %mul3A_92, %add3A_93 : i32
      %lt3A_95 = arith.cmpi slt, %add3A_94, %add3A_9 : i32
      %convert_element_type3A_96 = arith.extui %lt3A_95 : i1 to i32
      %cond3A_97 = arith.constant 0 : i32
      %cond3A_98 = arith.cmpi ne, %convert_element_type3A_96, %cond3A_97 : i32
      scf.if %cond3A_98 {
        %dma_wait3A = arith.constant 0 : i32
        %dma_wait3A_123 = tpu.memref_slice %arg8[%add3A_94, %dma_wait3A] : memref<79x128xi32, #tpu.memory_space<vmem>> -> memref<1x128xi32, #tpu.memory_space<vmem>>
        %dma_wait3A_124 = tpu.memref_squeeze %dma_wait3A_123 : memref<1x128xi32, #tpu.memory_space<vmem>> -> memref<128xi32, #tpu.memory_space<vmem>>
        %dma_wait3A_125 = arith.constant 0 : i32
        %dma_wait3A_126 = arith.constant 0 : i32
        %dma_wait3A_127 = tpu.memref_slice %arg2[%dma_wait3A_125, %dma_wait3A_126] : memref<10112x16xf32, #tpu.memory_space<hbm>> -> memref<10112x16xf32, #tpu.memory_space<hbm>>
        tpu.wait_indirect_dma semaphore(%arg19 : memref<!tpu.dma_semaphore, #tpu.memory_space<semaphore_mem>>) src(%dma_wait3A_127 : memref<10112x16xf32, #tpu.memory_space<hbm>>) dst(%arg10 : memref<128x16xf32, #tpu.memory_space<vmem>>)
        "tpu.region"() ({
          %run_scoped3A = tpu.sem_alloc : memref<!tpu.dma_semaphore, #tpu.memory_space<semaphore_mem>>
          %dma_start3A_143 = arith.constant 0 : i32
          %dma_start3A_144 = tpu.memref_slice %arg9[%add3A_94, %dma_start3A_143] : memref<79x128xi32, #tpu.memory_space<vmem>> -> memref<1x128xi32, #tpu.memory_space<vmem>>
          %dma_start3A_145 = tpu.memref_squeeze %dma_start3A_144 : memref<1x128xi32, #tpu.memory_space<vmem>> -> memref<128xi32, #tpu.memory_space<vmem>>
          %dma_start3A_146 = arith.constant 0 : i32
          %dma_start3A_147 = arith.constant 0 : i32
          %dma_start3A_148 = tpu.memref_slice %arg18[%dma_start3A_146, %dma_start3A_147] : memref<10112x16xf32, #tpu.memory_space<vmem_shared>> -> memref<10112x16xf32, #tpu.memory_space<vmem_shared>>
          tpu.enqueue_indirect_dma source(%arg10 : memref<128x16xf32, #tpu.memory_space<vmem>>) target(%dma_start3A_148 : memref<10112x16xf32, #tpu.memory_space<vmem_shared>>) offsets(%dma_start3A_145 : memref<128xi32, #tpu.memory_space<vmem>>) semaphore(%run_scoped3A : memref<!tpu.dma_semaphore, #tpu.memory_space<semaphore_mem>>) {add = true}
          %dma_wait3A_149 = arith.constant 0 : i32
          %dma_wait3A_150 = tpu.memref_slice %arg9[%add3A_94, %dma_wait3A_149] : memref<79x128xi32, #tpu.memory_space<vmem>> -> memref<1x128xi32, #tpu.memory_space<vmem>>
          %dma_wait3A_151 = tpu.memref_squeeze %dma_wait3A_150 : memref<1x128xi32, #tpu.memory_space<vmem>> -> memref<128xi32, #tpu.memory_space<vmem>>
          %dma_wait3A_152 = arith.constant 0 : i32
          %dma_wait3A_153 = arith.constant 0 : i32
          %dma_wait3A_154 = tpu.memref_slice %arg18[%dma_wait3A_152, %dma_wait3A_153] : memref<10112x16xf32, #tpu.memory_space<vmem_shared>> -> memref<10112x16xf32, #tpu.memory_space<vmem_shared>>
          tpu.wait_indirect_dma semaphore(%run_scoped3A : memref<!tpu.dma_semaphore, #tpu.memory_space<semaphore_mem>>) src(%arg10 : memref<128x16xf32, #tpu.memory_space<vmem>>) dst(%dma_wait3A_154 : memref<10112x16xf32, #tpu.memory_space<vmem_shared>>)
          tpu.yield
        }) : () -> ()
        %dma_wait3A_128 = arith.constant 0 : i32
        %dma_wait3A_129 = arith.constant 0 : i32
        %dma_wait3A_130 = arith.constant 0 : i32
        %dma_wait3A_131 = tpu.memref_slice %arg5[%dma_wait3A_128, %dma_wait3A_129, %dma_wait3A_130] : memref<2500x128x16xf32, #tpu.memory_space<hbm>> -> memref<1x128x16xf32, #tpu.memory_space<hbm>>
        %dma_wait3A_132 = tpu.memref_squeeze %dma_wait3A_131 : memref<1x128x16xf32, #tpu.memory_space<hbm>> -> memref<128x16xf32, #tpu.memory_space<hbm>>
        %dma_wait3A_133 = arith.constant 0 : i32
        %dma_wait3A_134 = arith.constant 0 : i32
        %dma_wait3A_135 = tpu.memref_slice %arg5[%dma_wait3A_128, %dma_wait3A_133, %dma_wait3A_134] : memref<2500x128x16xf32, #tpu.memory_space<hbm>> -> memref<1x128x16xf32, #tpu.memory_space<hbm>>
        %dma_wait3A_136 = tpu.memref_squeeze %dma_wait3A_135 : memref<1x128x16xf32, #tpu.memory_space<hbm>> -> memref<128x16xf32, #tpu.memory_space<hbm>>
        tpu.wait_dma2 semaphore(%arg23 : memref<!tpu.dma_semaphore, #tpu.memory_space<semaphore_mem>>) src(%dma_wait3A_136 : memref<128x16xf32, #tpu.memory_space<hbm>>) dst(%arg14 : memref<128x16xf32, #tpu.memory_space<vmem>>)
        "tpu.region"() ({
          %run_scoped3A = tpu.sem_alloc : memref<!tpu.dma_semaphore, #tpu.memory_space<semaphore_mem>>
          %dma_start3A_143 = arith.constant 0 : i32
          %dma_start3A_144 = tpu.memref_slice %arg9[%add3A_94, %dma_start3A_143] : memref<79x128xi32, #tpu.memory_space<vmem>> -> memref<1x128xi32, #tpu.memory_space<vmem>>
          %dma_start3A_145 = tpu.memref_squeeze %dma_start3A_144 : memref<1x128xi32, #tpu.memory_space<vmem>> -> memref<128xi32, #tpu.memory_space<vmem>>
          %dma_start3A_146 = arith.constant 0 : i32
          %dma_start3A_147 = arith.constant 0 : i32
          %dma_start3A_148 = tpu.memref_slice %arg18[%dma_start3A_146, %dma_start3A_147] : memref<10112x16xf32, #tpu.memory_space<vmem_shared>> -> memref<10112x16xf32, #tpu.memory_space<vmem_shared>>
          tpu.enqueue_indirect_dma source(%arg14 : memref<128x16xf32, #tpu.memory_space<vmem>>) target(%dma_start3A_148 : memref<10112x16xf32, #tpu.memory_space<vmem_shared>>) offsets(%dma_start3A_145 : memref<128xi32, #tpu.memory_space<vmem>>) semaphore(%run_scoped3A : memref<!tpu.dma_semaphore, #tpu.memory_space<semaphore_mem>>) {add = true}
          %dma_wait3A_149 = arith.constant 0 : i32
          %dma_wait3A_150 = tpu.memref_slice %arg9[%add3A_94, %dma_wait3A_149] : memref<79x128xi32, #tpu.memory_space<vmem>> -> memref<1x128xi32, #tpu.memory_space<vmem>>
          %dma_wait3A_151 = tpu.memref_squeeze %dma_wait3A_150 : memref<1x128xi32, #tpu.memory_space<vmem>> -> memref<128xi32, #tpu.memory_space<vmem>>
          %dma_wait3A_152 = arith.constant 0 : i32
          %dma_wait3A_153 = arith.constant 0 : i32
          %dma_wait3A_154 = tpu.memref_slice %arg18[%dma_wait3A_152, %dma_wait3A_153] : memref<10112x16xf32, #tpu.memory_space<vmem_shared>> -> memref<10112x16xf32, #tpu.memory_space<vmem_shared>>
          tpu.wait_indirect_dma semaphore(%run_scoped3A : memref<!tpu.dma_semaphore, #tpu.memory_space<semaphore_mem>>) src(%arg14 : memref<128x16xf32, #tpu.memory_space<vmem>>) dst(%dma_wait3A_154 : memref<10112x16xf32, #tpu.memory_space<vmem_shared>>)
          tpu.yield
        }) : () -> ()
        %add3A_137 = arith.constant 4 : i32
        %add3A_138 = arith.addi %add3A_94, %add3A_137 : i32
        %lt3A_139 = arith.cmpi slt, %add3A_138, %add3A_9 : i32
        %convert_element_type3A_140 = arith.extui %lt3A_139 : i1 to i32
        %cond3A_141 = arith.constant 0 : i32
        %cond3A_142 = arith.cmpi ne, %convert_element_type3A_140, %cond3A_141 : i32
        scf.if %cond3A_142 {
          %dma_start3A_143 = arith.constant 0 : i32
          %dma_start3A_144 = tpu.memref_slice %arg8[%add3A_138, %dma_start3A_143] : memref<79x128xi32, #tpu.memory_space<vmem>> -> memref<1x128xi32, #tpu.memory_space<vmem>>
          %dma_start3A_145 = tpu.memref_squeeze %dma_start3A_144 : memref<1x128xi32, #tpu.memory_space<vmem>> -> memref<128xi32, #tpu.memory_space<vmem>>
          %dma_start3A_146 = arith.constant 0 : i32
          %dma_start3A_147 = arith.constant 0 : i32
          %dma_start3A_148 = tpu.memref_slice %arg2[%dma_start3A_146, %dma_start3A_147] : memref<10112x16xf32, #tpu.memory_space<hbm>> -> memref<10112x16xf32, #tpu.memory_space<hbm>>
          tpu.enqueue_indirect_dma source(%dma_start3A_148 : memref<10112x16xf32, #tpu.memory_space<hbm>>) target(%arg10 : memref<128x16xf32, #tpu.memory_space<vmem>>) offsets(%dma_start3A_145 : memref<128xi32, #tpu.memory_space<vmem>>) semaphore(%arg19 : memref<!tpu.dma_semaphore, #tpu.memory_space<semaphore_mem>>)
          %add3A_149 = arith.addi %add3A_6, %add3A_138 : i32
          %dma_start3A_150 = arith.constant 0 : i32
          %dma_start3A_151 = arith.constant 0 : i32
          %dma_start3A_152 = tpu.memref_slice %arg5[%add3A_149, %dma_start3A_150, %dma_start3A_151] : memref<2500x128x16xf32, #tpu.memory_space<hbm>> -> memref<1x128x16xf32, #tpu.memory_space<hbm>>
          %dma_start3A_153 = tpu.memref_squeeze %dma_start3A_152 : memref<1x128x16xf32, #tpu.memory_space<hbm>> -> memref<128x16xf32, #tpu.memory_space<hbm>>
          %dma_start3A_154 = arith.constant 0 : i32
          %dma_start3A_155 = arith.constant 0 : i32
          %dma_start3A_156 = tpu.memref_slice %arg5[%add3A_149, %dma_start3A_154, %dma_start3A_155] : memref<2500x128x16xf32, #tpu.memory_space<hbm>> -> memref<1x128x16xf32, #tpu.memory_space<hbm>>
          %dma_start3A_157 = tpu.memref_squeeze %dma_start3A_156 : memref<1x128x16xf32, #tpu.memory_space<hbm>> -> memref<128x16xf32, #tpu.memory_space<hbm>>
          tpu.enqueue_dma source(%dma_start3A_157 : memref<128x16xf32, #tpu.memory_space<hbm>>) target(%arg14 : memref<128x16xf32, #tpu.memory_space<vmem>>) target_semaphore(%arg23 : memref<!tpu.dma_semaphore, #tpu.memory_space<semaphore_mem>>)
        } else {
        }
      } else {
      }
      %mul3A_99 = arith.constant 4 : i32
      %mul3A_100 = arith.muli %add3A_90, %mul3A_99 : i32
      %add3A_101 = arith.constant 1 : i32
      %add3A_102 = arith.addi %mul3A_100, %add3A_101 : i32
      %lt3A_103 = arith.cmpi slt, %add3A_102, %add3A_9 : i32
      %convert_element_type3A_104 = arith.extui %lt3A_103 : i1 to i32
      %cond3A_105 = arith.constant 0 : i32
      %cond3A_106 = arith.cmpi ne, %convert_element_type3A_104, %cond3A_105 : i32
      scf.if %cond3A_106 {
        %dma_wait3A = arith.constant 0 : i32
        %dma_wait3A_123 = tpu.memref_slice %arg8[%add3A_102, %dma_wait3A] : memref<79x128xi32, #tpu.memory_space<vmem>> -> memref<1x128xi32, #tpu.memory_space<vmem>>
        %dma_wait3A_124 = tpu.memref_squeeze %dma_wait3A_123 : memref<1x128xi32, #tpu.memory_space<vmem>> -> memref<128xi32, #tpu.memory_space<vmem>>
        %dma_wait3A_125 = arith.constant 0 : i32
        %dma_wait3A_126 = arith.constant 0 : i32
        %dma_wait3A_127 = tpu.memref_slice %arg2[%dma_wait3A_125, %dma_wait3A_126] : memref<10112x16xf32, #tpu.memory_space<hbm>> -> memref<10112x16xf32, #tpu.memory_space<hbm>>
        tpu.wait_indirect_dma semaphore(%arg20 : memref<!tpu.dma_semaphore, #tpu.memory_space<semaphore_mem>>) src(%dma_wait3A_127 : memref<10112x16xf32, #tpu.memory_space<hbm>>) dst(%arg11 : memref<128x16xf32, #tpu.memory_space<vmem>>)
        "tpu.region"() ({
          %run_scoped3A = tpu.sem_alloc : memref<!tpu.dma_semaphore, #tpu.memory_space<semaphore_mem>>
          %dma_start3A_143 = arith.constant 0 : i32
          %dma_start3A_144 = tpu.memref_slice %arg9[%add3A_102, %dma_start3A_143] : memref<79x128xi32, #tpu.memory_space<vmem>> -> memref<1x128xi32, #tpu.memory_space<vmem>>
          %dma_start3A_145 = tpu.memref_squeeze %dma_start3A_144 : memref<1x128xi32, #tpu.memory_space<vmem>> -> memref<128xi32, #tpu.memory_space<vmem>>
          %dma_start3A_146 = arith.constant 0 : i32
          %dma_start3A_147 = arith.constant 0 : i32
          %dma_start3A_148 = tpu.memref_slice %arg18[%dma_start3A_146, %dma_start3A_147] : memref<10112x16xf32, #tpu.memory_space<vmem_shared>> -> memref<10112x16xf32, #tpu.memory_space<vmem_shared>>
          tpu.enqueue_indirect_dma source(%arg11 : memref<128x16xf32, #tpu.memory_space<vmem>>) target(%dma_start3A_148 : memref<10112x16xf32, #tpu.memory_space<vmem_shared>>) offsets(%dma_start3A_145 : memref<128xi32, #tpu.memory_space<vmem>>) semaphore(%run_scoped3A : memref<!tpu.dma_semaphore, #tpu.memory_space<semaphore_mem>>) {add = true}
          %dma_wait3A_149 = arith.constant 0 : i32
          %dma_wait3A_150 = tpu.memref_slice %arg9[%add3A_102, %dma_wait3A_149] : memref<79x128xi32, #tpu.memory_space<vmem>> -> memref<1x128xi32, #tpu.memory_space<vmem>>
          %dma_wait3A_151 = tpu.memref_squeeze %dma_wait3A_150 : memref<1x128xi32, #tpu.memory_space<vmem>> -> memref<128xi32, #tpu.memory_space<vmem>>
          %dma_wait3A_152 = arith.constant 0 : i32
          %dma_wait3A_153 = arith.constant 0 : i32
          %dma_wait3A_154 = tpu.memref_slice %arg18[%dma_wait3A_152, %dma_wait3A_153] : memref<10112x16xf32, #tpu.memory_space<vmem_shared>> -> memref<10112x16xf32, #tpu.memory_space<vmem_shared>>
          tpu.wait_indirect_dma semaphore(%run_scoped3A : memref<!tpu.dma_semaphore, #tpu.memory_space<semaphore_mem>>) src(%arg11 : memref<128x16xf32, #tpu.memory_space<vmem>>) dst(%dma_wait3A_154 : memref<10112x16xf32, #tpu.memory_space<vmem_shared>>)
          tpu.yield
        }) : () -> ()
        %dma_wait3A_128 = arith.constant 0 : i32
        %dma_wait3A_129 = arith.constant 0 : i32
        %dma_wait3A_130 = arith.constant 0 : i32
        %dma_wait3A_131 = tpu.memref_slice %arg5[%dma_wait3A_128, %dma_wait3A_129, %dma_wait3A_130] : memref<2500x128x16xf32, #tpu.memory_space<hbm>> -> memref<1x128x16xf32, #tpu.memory_space<hbm>>
        %dma_wait3A_132 = tpu.memref_squeeze %dma_wait3A_131 : memref<1x128x16xf32, #tpu.memory_space<hbm>> -> memref<128x16xf32, #tpu.memory_space<hbm>>
        %dma_wait3A_133 = arith.constant 0 : i32
        %dma_wait3A_134 = arith.constant 0 : i32
        %dma_wait3A_135 = tpu.memref_slice %arg5[%dma_wait3A_128, %dma_wait3A_133, %dma_wait3A_134] : memref<2500x128x16xf32, #tpu.memory_space<hbm>> -> memref<1x128x16xf32, #tpu.memory_space<hbm>>
        %dma_wait3A_136 = tpu.memref_squeeze %dma_wait3A_135 : memref<1x128x16xf32, #tpu.memory_space<hbm>> -> memref<128x16xf32, #tpu.memory_space<hbm>>
        tpu.wait_dma2 semaphore(%arg24 : memref<!tpu.dma_semaphore, #tpu.memory_space<semaphore_mem>>) src(%dma_wait3A_136 : memref<128x16xf32, #tpu.memory_space<hbm>>) dst(%arg15 : memref<128x16xf32, #tpu.memory_space<vmem>>)
        "tpu.region"() ({
          %run_scoped3A = tpu.sem_alloc : memref<!tpu.dma_semaphore, #tpu.memory_space<semaphore_mem>>
          %dma_start3A_143 = arith.constant 0 : i32
          %dma_start3A_144 = tpu.memref_slice %arg9[%add3A_102, %dma_start3A_143] : memref<79x128xi32, #tpu.memory_space<vmem>> -> memref<1x128xi32, #tpu.memory_space<vmem>>
          %dma_start3A_145 = tpu.memref_squeeze %dma_start3A_144 : memref<1x128xi32, #tpu.memory_space<vmem>> -> memref<128xi32, #tpu.memory_space<vmem>>
          %dma_start3A_146 = arith.constant 0 : i32
          %dma_start3A_147 = arith.constant 0 : i32
          %dma_start3A_148 = tpu.memref_slice %arg18[%dma_start3A_146, %dma_start3A_147] : memref<10112x16xf32, #tpu.memory_space<vmem_shared>> -> memref<10112x16xf32, #tpu.memory_space<vmem_shared>>
          tpu.enqueue_indirect_dma source(%arg15 : memref<128x16xf32, #tpu.memory_space<vmem>>) target(%dma_start3A_148 : memref<10112x16xf32, #tpu.memory_space<vmem_shared>>) offsets(%dma_start3A_145 : memref<128xi32, #tpu.memory_space<vmem>>) semaphore(%run_scoped3A : memref<!tpu.dma_semaphore, #tpu.memory_space<semaphore_mem>>) {add = true}
          %dma_wait3A_149 = arith.constant 0 : i32
          %dma_wait3A_150 = tpu.memref_slice %arg9[%add3A_102, %dma_wait3A_149] : memref<79x128xi32, #tpu.memory_space<vmem>> -> memref<1x128xi32, #tpu.memory_space<vmem>>
          %dma_wait3A_151 = tpu.memref_squeeze %dma_wait3A_150 : memref<1x128xi32, #tpu.memory_space<vmem>> -> memref<128xi32, #tpu.memory_space<vmem>>
          %dma_wait3A_152 = arith.constant 0 : i32
          %dma_wait3A_153 = arith.constant 0 : i32
          %dma_wait3A_154 = tpu.memref_slice %arg18[%dma_wait3A_152, %dma_wait3A_153] : memref<10112x16xf32, #tpu.memory_space<vmem_shared>> -> memref<10112x16xf32, #tpu.memory_space<vmem_shared>>
          tpu.wait_indirect_dma semaphore(%run_scoped3A : memref<!tpu.dma_semaphore, #tpu.memory_space<semaphore_mem>>) src(%arg15 : memref<128x16xf32, #tpu.memory_space<vmem>>) dst(%dma_wait3A_154 : memref<10112x16xf32, #tpu.memory_space<vmem_shared>>)
          tpu.yield
        }) : () -> ()
        %add3A_137 = arith.constant 4 : i32
        %add3A_138 = arith.addi %add3A_102, %add3A_137 : i32
        %lt3A_139 = arith.cmpi slt, %add3A_138, %add3A_9 : i32
        %convert_element_type3A_140 = arith.extui %lt3A_139 : i1 to i32
        %cond3A_141 = arith.constant 0 : i32
        %cond3A_142 = arith.cmpi ne, %convert_element_type3A_140, %cond3A_141 : i32
        scf.if %cond3A_142 {
          %dma_start3A_143 = arith.constant 0 : i32
          %dma_start3A_144 = tpu.memref_slice %arg8[%add3A_138, %dma_start3A_143] : memref<79x128xi32, #tpu.memory_space<vmem>> -> memref<1x128xi32, #tpu.memory_space<vmem>>
          %dma_start3A_145 = tpu.memref_squeeze %dma_start3A_144 : memref<1x128xi32, #tpu.memory_space<vmem>> -> memref<128xi32, #tpu.memory_space<vmem>>
          %dma_start3A_146 = arith.constant 0 : i32
          %dma_start3A_147 = arith.constant 0 : i32
          %dma_start3A_148 = tpu.memref_slice %arg2[%dma_start3A_146, %dma_start3A_147] : memref<10112x16xf32, #tpu.memory_space<hbm>> -> memref<10112x16xf32, #tpu.memory_space<hbm>>
          tpu.enqueue_indirect_dma source(%dma_start3A_148 : memref<10112x16xf32, #tpu.memory_space<hbm>>) target(%arg11 : memref<128x16xf32, #tpu.memory_space<vmem>>) offsets(%dma_start3A_145 : memref<128xi32, #tpu.memory_space<vmem>>) semaphore(%arg20 : memref<!tpu.dma_semaphore, #tpu.memory_space<semaphore_mem>>)
          %add3A_149 = arith.addi %add3A_6, %add3A_138 : i32
          %dma_start3A_150 = arith.constant 0 : i32
          %dma_start3A_151 = arith.constant 0 : i32
          %dma_start3A_152 = tpu.memref_slice %arg5[%add3A_149, %dma_start3A_150, %dma_start3A_151] : memref<2500x128x16xf32, #tpu.memory_space<hbm>> -> memref<1x128x16xf32, #tpu.memory_space<hbm>>
          %dma_start3A_153 = tpu.memref_squeeze %dma_start3A_152 : memref<1x128x16xf32, #tpu.memory_space<hbm>> -> memref<128x16xf32, #tpu.memory_space<hbm>>
          %dma_start3A_154 = arith.constant 0 : i32
          %dma_start3A_155 = arith.constant 0 : i32
          %dma_start3A_156 = tpu.memref_slice %arg5[%add3A_149, %dma_start3A_154, %dma_start3A_155] : memref<2500x128x16xf32, #tpu.memory_space<hbm>> -> memref<1x128x16xf32, #tpu.memory_space<hbm>>
          %dma_start3A_157 = tpu.memref_squeeze %dma_start3A_156 : memref<1x128x16xf32, #tpu.memory_space<hbm>> -> memref<128x16xf32, #tpu.memory_space<hbm>>
          tpu.enqueue_dma source(%dma_start3A_157 : memref<128x16xf32, #tpu.memory_space<hbm>>) target(%arg15 : memref<128x16xf32, #tpu.memory_space<vmem>>) target_semaphore(%arg24 : memref<!tpu.dma_semaphore, #tpu.memory_space<semaphore_mem>>)
        } else {
        }
      } else {
      }
      %mul3A_107 = arith.constant 4 : i32
      %mul3A_108 = arith.muli %add3A_90, %mul3A_107 : i32
      %add3A_109 = arith.constant 2 : i32
      %add3A_110 = arith.addi %mul3A_108, %add3A_109 : i32
      %lt3A_111 = arith.cmpi slt, %add3A_110, %add3A_9 : i32
      %convert_element_type3A_112 = arith.extui %lt3A_111 : i1 to i32
      %cond3A_113 = arith.constant 0 : i32
      %cond3A_114 = arith.cmpi ne, %convert_element_type3A_112, %cond3A_113 : i32
      scf.if %cond3A_114 {
        %dma_wait3A = arith.constant 0 : i32
        %dma_wait3A_123 = tpu.memref_slice %arg8[%add3A_110, %dma_wait3A] : memref<79x128xi32, #tpu.memory_space<vmem>> -> memref<1x128xi32, #tpu.memory_space<vmem>>
        %dma_wait3A_124 = tpu.memref_squeeze %dma_wait3A_123 : memref<1x128xi32, #tpu.memory_space<vmem>> -> memref<128xi32, #tpu.memory_space<vmem>>
        %dma_wait3A_125 = arith.constant 0 : i32
        %dma_wait3A_126 = arith.constant 0 : i32
        %dma_wait3A_127 = tpu.memref_slice %arg2[%dma_wait3A_125, %dma_wait3A_126] : memref<10112x16xf32, #tpu.memory_space<hbm>> -> memref<10112x16xf32, #tpu.memory_space<hbm>>
        tpu.wait_indirect_dma semaphore(%arg21 : memref<!tpu.dma_semaphore, #tpu.memory_space<semaphore_mem>>) src(%dma_wait3A_127 : memref<10112x16xf32, #tpu.memory_space<hbm>>) dst(%arg12 : memref<128x16xf32, #tpu.memory_space<vmem>>)
        "tpu.region"() ({
          %run_scoped3A = tpu.sem_alloc : memref<!tpu.dma_semaphore, #tpu.memory_space<semaphore_mem>>
          %dma_start3A_143 = arith.constant 0 : i32
          %dma_start3A_144 = tpu.memref_slice %arg9[%add3A_110, %dma_start3A_143] : memref<79x128xi32, #tpu.memory_space<vmem>> -> memref<1x128xi32, #tpu.memory_space<vmem>>
          %dma_start3A_145 = tpu.memref_squeeze %dma_start3A_144 : memref<1x128xi32, #tpu.memory_space<vmem>> -> memref<128xi32, #tpu.memory_space<vmem>>
          %dma_start3A_146 = arith.constant 0 : i32
          %dma_start3A_147 = arith.constant 0 : i32
          %dma_start3A_148 = tpu.memref_slice %arg18[%dma_start3A_146, %dma_start3A_147] : memref<10112x16xf32, #tpu.memory_space<vmem_shared>> -> memref<10112x16xf32, #tpu.memory_space<vmem_shared>>
          tpu.enqueue_indirect_dma source(%arg12 : memref<128x16xf32, #tpu.memory_space<vmem>>) target(%dma_start3A_148 : memref<10112x16xf32, #tpu.memory_space<vmem_shared>>) offsets(%dma_start3A_145 : memref<128xi32, #tpu.memory_space<vmem>>) semaphore(%run_scoped3A : memref<!tpu.dma_semaphore, #tpu.memory_space<semaphore_mem>>) {add = true}
          %dma_wait3A_149 = arith.constant 0 : i32
          %dma_wait3A_150 = tpu.memref_slice %arg9[%add3A_110, %dma_wait3A_149] : memref<79x128xi32, #tpu.memory_space<vmem>> -> memref<1x128xi32, #tpu.memory_space<vmem>>
          %dma_wait3A_151 = tpu.memref_squeeze %dma_wait3A_150 : memref<1x128xi32, #tpu.memory_space<vmem>> -> memref<128xi32, #tpu.memory_space<vmem>>
          %dma_wait3A_152 = arith.constant 0 : i32
          %dma_wait3A_153 = arith.constant 0 : i32
          %dma_wait3A_154 = tpu.memref_slice %arg18[%dma_wait3A_152, %dma_wait3A_153] : memref<10112x16xf32, #tpu.memory_space<vmem_shared>> -> memref<10112x16xf32, #tpu.memory_space<vmem_shared>>
          tpu.wait_indirect_dma semaphore(%run_scoped3A : memref<!tpu.dma_semaphore, #tpu.memory_space<semaphore_mem>>) src(%arg12 : memref<128x16xf32, #tpu.memory_space<vmem>>) dst(%dma_wait3A_154 : memref<10112x16xf32, #tpu.memory_space<vmem_shared>>)
          tpu.yield
        }) : () -> ()
        %dma_wait3A_128 = arith.constant 0 : i32
        %dma_wait3A_129 = arith.constant 0 : i32
        %dma_wait3A_130 = arith.constant 0 : i32
        %dma_wait3A_131 = tpu.memref_slice %arg5[%dma_wait3A_128, %dma_wait3A_129, %dma_wait3A_130] : memref<2500x128x16xf32, #tpu.memory_space<hbm>> -> memref<1x128x16xf32, #tpu.memory_space<hbm>>
        %dma_wait3A_132 = tpu.memref_squeeze %dma_wait3A_131 : memref<1x128x16xf32, #tpu.memory_space<hbm>> -> memref<128x16xf32, #tpu.memory_space<hbm>>
        %dma_wait3A_133 = arith.constant 0 : i32
        %dma_wait3A_134 = arith.constant 0 : i32
        %dma_wait3A_135 = tpu.memref_slice %arg5[%dma_wait3A_128, %dma_wait3A_133, %dma_wait3A_134] : memref<2500x128x16xf32, #tpu.memory_space<hbm>> -> memref<1x128x16xf32, #tpu.memory_space<hbm>>
        %dma_wait3A_136 = tpu.memref_squeeze %dma_wait3A_135 : memref<1x128x16xf32, #tpu.memory_space<hbm>> -> memref<128x16xf32, #tpu.memory_space<hbm>>
        tpu.wait_dma2 semaphore(%arg25 : memref<!tpu.dma_semaphore, #tpu.memory_space<semaphore_mem>>) src(%dma_wait3A_136 : memref<128x16xf32, #tpu.memory_space<hbm>>) dst(%arg16 : memref<128x16xf32, #tpu.memory_space<vmem>>)
        "tpu.region"() ({
          %run_scoped3A = tpu.sem_alloc : memref<!tpu.dma_semaphore, #tpu.memory_space<semaphore_mem>>
          %dma_start3A_143 = arith.constant 0 : i32
          %dma_start3A_144 = tpu.memref_slice %arg9[%add3A_110, %dma_start3A_143] : memref<79x128xi32, #tpu.memory_space<vmem>> -> memref<1x128xi32, #tpu.memory_space<vmem>>
          %dma_start3A_145 = tpu.memref_squeeze %dma_start3A_144 : memref<1x128xi32, #tpu.memory_space<vmem>> -> memref<128xi32, #tpu.memory_space<vmem>>
          %dma_start3A_146 = arith.constant 0 : i32
          %dma_start3A_147 = arith.constant 0 : i32
          %dma_start3A_148 = tpu.memref_slice %arg18[%dma_start3A_146, %dma_start3A_147] : memref<10112x16xf32, #tpu.memory_space<vmem_shared>> -> memref<10112x16xf32, #tpu.memory_space<vmem_shared>>
          tpu.enqueue_indirect_dma source(%arg16 : memref<128x16xf32, #tpu.memory_space<vmem>>) target(%dma_start3A_148 : memref<10112x16xf32, #tpu.memory_space<vmem_shared>>) offsets(%dma_start3A_145 : memref<128xi32, #tpu.memory_space<vmem>>) semaphore(%run_scoped3A : memref<!tpu.dma_semaphore, #tpu.memory_space<semaphore_mem>>) {add = true}
          %dma_wait3A_149 = arith.constant 0 : i32
          %dma_wait3A_150 = tpu.memref_slice %arg9[%add3A_110, %dma_wait3A_149] : memref<79x128xi32, #tpu.memory_space<vmem>> -> memref<1x128xi32, #tpu.memory_space<vmem>>
          %dma_wait3A_151 = tpu.memref_squeeze %dma_wait3A_150 : memref<1x128xi32, #tpu.memory_space<vmem>> -> memref<128xi32, #tpu.memory_space<vmem>>
          %dma_wait3A_152 = arith.constant 0 : i32
          %dma_wait3A_153 = arith.constant 0 : i32
          %dma_wait3A_154 = tpu.memref_slice %arg18[%dma_wait3A_152, %dma_wait3A_153] : memref<10112x16xf32, #tpu.memory_space<vmem_shared>> -> memref<10112x16xf32, #tpu.memory_space<vmem_shared>>
          tpu.wait_indirect_dma semaphore(%run_scoped3A : memref<!tpu.dma_semaphore, #tpu.memory_space<semaphore_mem>>) src(%arg16 : memref<128x16xf32, #tpu.memory_space<vmem>>) dst(%dma_wait3A_154 : memref<10112x16xf32, #tpu.memory_space<vmem_shared>>)
          tpu.yield
        }) : () -> ()
        %add3A_137 = arith.constant 4 : i32
        %add3A_138 = arith.addi %add3A_110, %add3A_137 : i32
        %lt3A_139 = arith.cmpi slt, %add3A_138, %add3A_9 : i32
        %convert_element_type3A_140 = arith.extui %lt3A_139 : i1 to i32
        %cond3A_141 = arith.constant 0 : i32
        %cond3A_142 = arith.cmpi ne, %convert_element_type3A_140, %cond3A_141 : i32
        scf.if %cond3A_142 {
          %dma_start3A_143 = arith.constant 0 : i32
          %dma_start3A_144 = tpu.memref_slice %arg8[%add3A_138, %dma_start3A_143] : memref<79x128xi32, #tpu.memory_space<vmem>> -> memref<1x128xi32, #tpu.memory_space<vmem>>
          %dma_start3A_145 = tpu.memref_squeeze %dma_start3A_144 : memref<1x128xi32, #tpu.memory_space<vmem>> -> memref<128xi32, #tpu.memory_space<vmem>>
          %dma_start3A_146 = arith.constant 0 : i32
          %dma_start3A_147 = arith.constant 0 : i32
          %dma_start3A_148 = tpu.memref_slice %arg2[%dma_start3A_146, %dma_start3A_147] : memref<10112x16xf32, #tpu.memory_space<hbm>> -> memref<10112x16xf32, #tpu.memory_space<hbm>>
          tpu.enqueue_indirect_dma source(%dma_start3A_148 : memref<10112x16xf32, #tpu.memory_space<hbm>>) target(%arg12 : memref<128x16xf32, #tpu.memory_space<vmem>>) offsets(%dma_start3A_145 : memref<128xi32, #tpu.memory_space<vmem>>) semaphore(%arg21 : memref<!tpu.dma_semaphore, #tpu.memory_space<semaphore_mem>>)
          %add3A_149 = arith.addi %add3A_6, %add3A_138 : i32
          %dma_start3A_150 = arith.constant 0 : i32
          %dma_start3A_151 = arith.constant 0 : i32
          %dma_start3A_152 = tpu.memref_slice %arg5[%add3A_149, %dma_start3A_150, %dma_start3A_151] : memref<2500x128x16xf32, #tpu.memory_space<hbm>> -> memref<1x128x16xf32, #tpu.memory_space<hbm>>
          %dma_start3A_153 = tpu.memref_squeeze %dma_start3A_152 : memref<1x128x16xf32, #tpu.memory_space<hbm>> -> memref<128x16xf32, #tpu.memory_space<hbm>>
          %dma_start3A_154 = arith.constant 0 : i32
          %dma_start3A_155 = arith.constant 0 : i32
          %dma_start3A_156 = tpu.memref_slice %arg5[%add3A_149, %dma_start3A_154, %dma_start3A_155] : memref<2500x128x16xf32, #tpu.memory_space<hbm>> -> memref<1x128x16xf32, #tpu.memory_space<hbm>>
          %dma_start3A_157 = tpu.memref_squeeze %dma_start3A_156 : memref<1x128x16xf32, #tpu.memory_space<hbm>> -> memref<128x16xf32, #tpu.memory_space<hbm>>
          tpu.enqueue_dma source(%dma_start3A_157 : memref<128x16xf32, #tpu.memory_space<hbm>>) target(%arg16 : memref<128x16xf32, #tpu.memory_space<vmem>>) target_semaphore(%arg25 : memref<!tpu.dma_semaphore, #tpu.memory_space<semaphore_mem>>)
        } else {
        }
      } else {
      }
      %mul3A_115 = arith.constant 4 : i32
      %mul3A_116 = arith.muli %add3A_90, %mul3A_115 : i32
      %add3A_117 = arith.constant 3 : i32
      %add3A_118 = arith.addi %mul3A_116, %add3A_117 : i32
      %lt3A_119 = arith.cmpi slt, %add3A_118, %add3A_9 : i32
      %convert_element_type3A_120 = arith.extui %lt3A_119 : i1 to i32
      %cond3A_121 = arith.constant 0 : i32
      %cond3A_122 = arith.cmpi ne, %convert_element_type3A_120, %cond3A_121 : i32
      scf.if %cond3A_122 {
        %dma_wait3A = arith.constant 0 : i32
        %dma_wait3A_123 = tpu.memref_slice %arg8[%add3A_118, %dma_wait3A] : memref<79x128xi32, #tpu.memory_space<vmem>> -> memref<1x128xi32, #tpu.memory_space<vmem>>
        %dma_wait3A_124 = tpu.memref_squeeze %dma_wait3A_123 : memref<1x128xi32, #tpu.memory_space<vmem>> -> memref<128xi32, #tpu.memory_space<vmem>>
        %dma_wait3A_125 = arith.constant 0 : i32
        %dma_wait3A_126 = arith.constant 0 : i32
        %dma_wait3A_127 = tpu.memref_slice %arg2[%dma_wait3A_125, %dma_wait3A_126] : memref<10112x16xf32, #tpu.memory_space<hbm>> -> memref<10112x16xf32, #tpu.memory_space<hbm>>
        tpu.wait_indirect_dma semaphore(%arg22 : memref<!tpu.dma_semaphore, #tpu.memory_space<semaphore_mem>>) src(%dma_wait3A_127 : memref<10112x16xf32, #tpu.memory_space<hbm>>) dst(%arg13 : memref<128x16xf32, #tpu.memory_space<vmem>>)
        "tpu.region"() ({
          %run_scoped3A = tpu.sem_alloc : memref<!tpu.dma_semaphore, #tpu.memory_space<semaphore_mem>>
          %dma_start3A_143 = arith.constant 0 : i32
          %dma_start3A_144 = tpu.memref_slice %arg9[%add3A_118, %dma_start3A_143] : memref<79x128xi32, #tpu.memory_space<vmem>> -> memref<1x128xi32, #tpu.memory_space<vmem>>
          %dma_start3A_145 = tpu.memref_squeeze %dma_start3A_144 : memref<1x128xi32, #tpu.memory_space<vmem>> -> memref<128xi32, #tpu.memory_space<vmem>>
          %dma_start3A_146 = arith.constant 0 : i32
          %dma_start3A_147 = arith.constant 0 : i32
          %dma_start3A_148 = tpu.memref_slice %arg18[%dma_start3A_146, %dma_start3A_147] : memref<10112x16xf32, #tpu.memory_space<vmem_shared>> -> memref<10112x16xf32, #tpu.memory_space<vmem_shared>>
          tpu.enqueue_indirect_dma source(%arg13 : memref<128x16xf32, #tpu.memory_space<vmem>>) target(%dma_start3A_148 : memref<10112x16xf32, #tpu.memory_space<vmem_shared>>) offsets(%dma_start3A_145 : memref<128xi32, #tpu.memory_space<vmem>>) semaphore(%run_scoped3A : memref<!tpu.dma_semaphore, #tpu.memory_space<semaphore_mem>>) {add = true}
          %dma_wait3A_149 = arith.constant 0 : i32
          %dma_wait3A_150 = tpu.memref_slice %arg9[%add3A_118, %dma_wait3A_149] : memref<79x128xi32, #tpu.memory_space<vmem>> -> memref<1x128xi32, #tpu.memory_space<vmem>>
          %dma_wait3A_151 = tpu.memref_squeeze %dma_wait3A_150 : memref<1x128xi32, #tpu.memory_space<vmem>> -> memref<128xi32, #tpu.memory_space<vmem>>
          %dma_wait3A_152 = arith.constant 0 : i32
          %dma_wait3A_153 = arith.constant 0 : i32
          %dma_wait3A_154 = tpu.memref_slice %arg18[%dma_wait3A_152, %dma_wait3A_153] : memref<10112x16xf32, #tpu.memory_space<vmem_shared>> -> memref<10112x16xf32, #tpu.memory_space<vmem_shared>>
          tpu.wait_indirect_dma semaphore(%run_scoped3A : memref<!tpu.dma_semaphore, #tpu.memory_space<semaphore_mem>>) src(%arg13 : memref<128x16xf32, #tpu.memory_space<vmem>>) dst(%dma_wait3A_154 : memref<10112x16xf32, #tpu.memory_space<vmem_shared>>)
          tpu.yield
        }) : () -> ()
        %dma_wait3A_128 = arith.constant 0 : i32
        %dma_wait3A_129 = arith.constant 0 : i32
        %dma_wait3A_130 = arith.constant 0 : i32
        %dma_wait3A_131 = tpu.memref_slice %arg5[%dma_wait3A_128, %dma_wait3A_129, %dma_wait3A_130] : memref<2500x128x16xf32, #tpu.memory_space<hbm>> -> memref<1x128x16xf32, #tpu.memory_space<hbm>>
        %dma_wait3A_132 = tpu.memref_squeeze %dma_wait3A_131 : memref<1x128x16xf32, #tpu.memory_space<hbm>> -> memref<128x16xf32, #tpu.memory_space<hbm>>
        %dma_wait3A_133 = arith.constant 0 : i32
        %dma_wait3A_134 = arith.constant 0 : i32
        %dma_wait3A_135 = tpu.memref_slice %arg5[%dma_wait3A_128, %dma_wait3A_133, %dma_wait3A_134] : memref<2500x128x16xf32, #tpu.memory_space<hbm>> -> memref<1x128x16xf32, #tpu.memory_space<hbm>>
        %dma_wait3A_136 = tpu.memref_squeeze %dma_wait3A_135 : memref<1x128x16xf32, #tpu.memory_space<hbm>> -> memref<128x16xf32, #tpu.memory_space<hbm>>
        tpu.wait_dma2 semaphore(%arg26 : memref<!tpu.dma_semaphore, #tpu.memory_space<semaphore_mem>>) src(%dma_wait3A_136 : memref<128x16xf32, #tpu.memory_space<hbm>>) dst(%arg17 : memref<128x16xf32, #tpu.memory_space<vmem>>)
        "tpu.region"() ({
          %run_scoped3A = tpu.sem_alloc : memref<!tpu.dma_semaphore, #tpu.memory_space<semaphore_mem>>
          %dma_start3A_143 = arith.constant 0 : i32
          %dma_start3A_144 = tpu.memref_slice %arg9[%add3A_118, %dma_start3A_143] : memref<79x128xi32, #tpu.memory_space<vmem>> -> memref<1x128xi32, #tpu.memory_space<vmem>>
          %dma_start3A_145 = tpu.memref_squeeze %dma_start3A_144 : memref<1x128xi32, #tpu.memory_space<vmem>> -> memref<128xi32, #tpu.memory_space<vmem>>
          %dma_start3A_146 = arith.constant 0 : i32
          %dma_start3A_147 = arith.constant 0 : i32
          %dma_start3A_148 = tpu.memref_slice %arg18[%dma_start3A_146, %dma_start3A_147] : memref<10112x16xf32, #tpu.memory_space<vmem_shared>> -> memref<10112x16xf32, #tpu.memory_space<vmem_shared>>
          tpu.enqueue_indirect_dma source(%arg17 : memref<128x16xf32, #tpu.memory_space<vmem>>) target(%dma_start3A_148 : memref<10112x16xf32, #tpu.memory_space<vmem_shared>>) offsets(%dma_start3A_145 : memref<128xi32, #tpu.memory_space<vmem>>) semaphore(%run_scoped3A : memref<!tpu.dma_semaphore, #tpu.memory_space<semaphore_mem>>) {add = true}
          %dma_wait3A_149 = arith.constant 0 : i32
          %dma_wait3A_150 = tpu.memref_slice %arg9[%add3A_118, %dma_wait3A_149] : memref<79x128xi32, #tpu.memory_space<vmem>> -> memref<1x128xi32, #tpu.memory_space<vmem>>
          %dma_wait3A_151 = tpu.memref_squeeze %dma_wait3A_150 : memref<1x128xi32, #tpu.memory_space<vmem>> -> memref<128xi32, #tpu.memory_space<vmem>>
          %dma_wait3A_152 = arith.constant 0 : i32
          %dma_wait3A_153 = arith.constant 0 : i32
          %dma_wait3A_154 = tpu.memref_slice %arg18[%dma_wait3A_152, %dma_wait3A_153] : memref<10112x16xf32, #tpu.memory_space<vmem_shared>> -> memref<10112x16xf32, #tpu.memory_space<vmem_shared>>
          tpu.wait_indirect_dma semaphore(%run_scoped3A : memref<!tpu.dma_semaphore, #tpu.memory_space<semaphore_mem>>) src(%arg17 : memref<128x16xf32, #tpu.memory_space<vmem>>) dst(%dma_wait3A_154 : memref<10112x16xf32, #tpu.memory_space<vmem_shared>>)
          tpu.yield
        }) : () -> ()
        %add3A_137 = arith.constant 4 : i32
        %add3A_138 = arith.addi %add3A_118, %add3A_137 : i32
        %lt3A_139 = arith.cmpi slt, %add3A_138, %add3A_9 : i32
        %convert_element_type3A_140 = arith.extui %lt3A_139 : i1 to i32
        %cond3A_141 = arith.constant 0 : i32
        %cond3A_142 = arith.cmpi ne, %convert_element_type3A_140, %cond3A_141 : i32
        scf.if %cond3A_142 {
          %dma_start3A_143 = arith.constant 0 : i32
          %dma_start3A_144 = tpu.memref_slice %arg8[%add3A_138, %dma_start3A_143] : memref<79x128xi32, #tpu.memory_space<vmem>> -> memref<1x128xi32, #tpu.memory_space<vmem>>
          %dma_start3A_145 = tpu.memref_squeeze %dma_start3A_144 : memref<1x128xi32, #tpu.memory_space<vmem>> -> memref<128xi32, #tpu.memory_space<vmem>>
          %dma_start3A_146 = arith.constant 0 : i32
          %dma_start3A_147 = arith.constant 0 : i32
          %dma_start3A_148 = tpu.memref_slice %arg2[%dma_start3A_146, %dma_start3A_147] : memref<10112x16xf32, #tpu.memory_space<hbm>> -> memref<10112x16xf32, #tpu.memory_space<hbm>>
          tpu.enqueue_indirect_dma source(%dma_start3A_148 : memref<10112x16xf32, #tpu.memory_space<hbm>>) target(%arg13 : memref<128x16xf32, #tpu.memory_space<vmem>>) offsets(%dma_start3A_145 : memref<128xi32, #tpu.memory_space<vmem>>) semaphore(%arg22 : memref<!tpu.dma_semaphore, #tpu.memory_space<semaphore_mem>>)
          %add3A_149 = arith.addi %add3A_6, %add3A_138 : i32
          %dma_start3A_150 = arith.constant 0 : i32
          %dma_start3A_151 = arith.constant 0 : i32
          %dma_start3A_152 = tpu.memref_slice %arg5[%add3A_149, %dma_start3A_150, %dma_start3A_151] : memref<2500x128x16xf32, #tpu.memory_space<hbm>> -> memref<1x128x16xf32, #tpu.memory_space<hbm>>
          %dma_start3A_153 = tpu.memref_squeeze %dma_start3A_152 : memref<1x128x16xf32, #tpu.memory_space<hbm>> -> memref<128x16xf32, #tpu.memory_space<hbm>>
          %dma_start3A_154 = arith.constant 0 : i32
          %dma_start3A_155 = arith.constant 0 : i32
          %dma_start3A_156 = tpu.memref_slice %arg5[%add3A_149, %dma_start3A_154, %dma_start3A_155] : memref<2500x128x16xf32, #tpu.memory_space<hbm>> -> memref<1x128x16xf32, #tpu.memory_space<hbm>>
          %dma_start3A_157 = tpu.memref_squeeze %dma_start3A_156 : memref<1x128x16xf32, #tpu.memory_space<hbm>> -> memref<128x16xf32, #tpu.memory_space<hbm>>
          tpu.enqueue_dma source(%dma_start3A_157 : memref<128x16xf32, #tpu.memory_space<hbm>>) target(%arg17 : memref<128x16xf32, #tpu.memory_space<vmem>>) target_semaphore(%arg26 : memref<!tpu.dma_semaphore, #tpu.memory_space<semaphore_mem>>)
        } else {
        }
      } else {
      }
    }
    %scan3A_84 = arith.constant 20 : i32
    %barrier3A_85 = arith.constant 0 : index
    tpu.barrier barrier_id(%barrier3A_85)
    "tpu.region"() ({
      %run_scoped3A = tpu.sem_alloc : memref<!tpu.dma_semaphore, #tpu.memory_space<semaphore_mem>>
      %dma_start3A_86 = arith.constant 0 : i32
      %dma_start3A_87 = tpu.memref_slice %arg7[%arg0, %mul3A_2, %dma_start3A_86] : memref<2x10112x16xf32, #tpu.memory_space<hbm>> -> memref<1x632x16xf32, #tpu.memory_space<hbm>>
      %dma_start3A_88 = tpu.memref_squeeze %dma_start3A_87 : memref<1x632x16xf32, #tpu.memory_space<hbm>> -> memref<632x16xf32, #tpu.memory_space<hbm>>
      %dma_start3A_89 = arith.constant 0 : i32
      %dma_start3A_90 = tpu.memref_slice %arg18[%mul3A_2, %dma_start3A_89] : memref<10112x16xf32, #tpu.memory_space<vmem_shared>> -> memref<632x16xf32, #tpu.memory_space<vmem_shared>>
      tpu.enqueue_dma source(%dma_start3A_90 : memref<632x16xf32, #tpu.memory_space<vmem_shared>>) target(%dma_start3A_88 : memref<632x16xf32, #tpu.memory_space<hbm>>) target_semaphore(%run_scoped3A : memref<!tpu.dma_semaphore, #tpu.memory_space<semaphore_mem>>)
      %dma_wait3A = arith.constant 0 : i32
      %dma_wait3A_91 = tpu.memref_slice %arg7[%arg0, %mul3A_2, %dma_wait3A] : memref<2x10112x16xf32, #tpu.memory_space<hbm>> -> memref<1x632x16xf32, #tpu.memory_space<hbm>>
      %dma_wait3A_92 = tpu.memref_squeeze %dma_wait3A_91 : memref<1x632x16xf32, #tpu.memory_space<hbm>> -> memref<632x16xf32, #tpu.memory_space<hbm>>
      %dma_wait3A_93 = arith.constant 0 : i32
      %dma_wait3A_94 = tpu.memref_slice %arg18[%mul3A_2, %dma_wait3A_93] : memref<10112x16xf32, #tpu.memory_space<vmem_shared>> -> memref<632x16xf32, #tpu.memory_space<vmem_shared>>
      tpu.wait_dma2 semaphore(%run_scoped3A : memref<!tpu.dma_semaphore, #tpu.memory_space<semaphore_mem>>) src(%dma_wait3A_94 : memref<632x16xf32, #tpu.memory_space<vmem_shared>>) dst(%dma_wait3A_92 : memref<632x16xf32, #tpu.memory_space<hbm>>)
      tpu.yield
    }) : () -> ()
    return
  }
}

#map = affine_map<(d0, d1) -> (0, 0)>
#map1 = affine_map<(d0, d1) -> (0, 0, 0)>
module attributes {stable_mosaic.version = 14 : i64} {
  func.func @body(%arg0: i32, %arg1: i32, %arg2: memref<10112x128xf32, #tpu.memory_space<hbm>>, %arg3: memref<2500x128xi32, #tpu.memory_space<hbm>>, %arg4: memref<2500x128xi32, #tpu.memory_space<hbm>>, %arg5: memref<10112x128xf32, #tpu.memory_space<hbm>>, %arg6: memref<2x10112x128xf32, #tpu.memory_space<hbm>>, %arg7: memref<4x128xi32, #tpu.memory_space<vmem>>, %arg8: memref<4x128xi32, #tpu.memory_space<vmem>>, %arg9: memref<128x128xf32, #tpu.memory_space<vmem>>, %arg10: memref<128x128xf32, #tpu.memory_space<vmem>>, %arg11: memref<10112x128xf32, #tpu.memory_space<vmem_shared>>, %arg12: memref<!tpu.dma_semaphore, #tpu.memory_space<semaphore_mem>>, %arg13: memref<!tpu.dma_semaphore, #tpu.memory_space<semaphore_mem>>, %arg14: memref<!tpu.dma_semaphore, #tpu.memory_space<semaphore_mem>>, %arg15: memref<!tpu.dma_semaphore, #tpu.memory_space<semaphore_mem>>, %arg16: memref<!tpu.dma_semaphore, #tpu.memory_space<semaphore_mem>>, %arg17: memref<!tpu.dma_semaphore, #tpu.memory_space<semaphore_mem>>) attributes {dimension_semantics = [#tpu.dimension_semantics<core_parallel>, #tpu.dimension_semantics<subcore_parallel>], iteration_bounds = array<i64: 2, 16>, scalar_prefetch = 0 : i64, scratch_operands = 11 : i64, tpu.core_type = #tpu.core_type<sc_vector_subcore>, window_params = [{transform_indices = #map}, {transform_indices = #map}, {transform_indices = #map}, {transform_indices = #map}, {transform_indices = #map1}]} {
    %mul3A = arith.constant 2 : i32
    %mul3A_0 = arith.muli %arg1, %mul3A : i32
    %add3A = arith.addi %mul3A_0, %arg0 : i32
    %mul3A_1 = arith.constant 632 : i32
    %mul3A_2 = arith.muli %arg1, %mul3A_1 : i32
    %mul3A_3 = arith.constant 78 : i32
    %mul3A_4 = arith.muli %add3A, %mul3A_3 : i32
    %min3A = arith.constant 4 : i32
    %min3A_5 = arith.minsi %add3A, %min3A : i32
    %add3A_6 = arith.addi %mul3A_4, %min3A_5 : i32
    %lt3A = arith.constant 4 : i32
    %lt3A_7 = arith.cmpi slt, %add3A, %lt3A : i32
    %convert_element_type3A = arith.extui %lt3A_7 : i1 to i32
    %add3A_8 = arith.constant 78 : i32
    %add3A_9 = arith.addi %add3A_8, %convert_element_type3A : i32
    "tpu.region"() ({
      %run_scoped3A = tpu.sem_alloc : memref<!tpu.dma_semaphore, #tpu.memory_space<semaphore_mem>>
      %dma_start3A_203 = arith.constant 0 : i32
      %dma_start3A_204 = tpu.memref_slice %arg11[%mul3A_2, %dma_start3A_203] : memref<10112x128xf32, #tpu.memory_space<vmem_shared>> -> memref<632x128xf32, #tpu.memory_space<vmem_shared>>
      %dma_start3A_205 = arith.constant 0 : i32
      %dma_start3A_206 = tpu.memref_slice %arg5[%mul3A_2, %dma_start3A_205] : memref<10112x128xf32, #tpu.memory_space<hbm>> -> memref<632x128xf32, #tpu.memory_space<hbm>>
      tpu.enqueue_dma source(%dma_start3A_206 : memref<632x128xf32, #tpu.memory_space<hbm>>) target(%dma_start3A_204 : memref<632x128xf32, #tpu.memory_space<vmem_shared>>) target_semaphore(%run_scoped3A : memref<!tpu.dma_semaphore, #tpu.memory_space<semaphore_mem>>)
      %dma_wait3A_207 = arith.constant 0 : i32
      %dma_wait3A_208 = tpu.memref_slice %arg11[%mul3A_2, %dma_wait3A_207] : memref<10112x128xf32, #tpu.memory_space<vmem_shared>> -> memref<632x128xf32, #tpu.memory_space<vmem_shared>>
      %dma_wait3A_209 = arith.constant 0 : i32
      %dma_wait3A_210 = tpu.memref_slice %arg5[%mul3A_2, %dma_wait3A_209] : memref<10112x128xf32, #tpu.memory_space<hbm>> -> memref<632x128xf32, #tpu.memory_space<hbm>>
      tpu.wait_dma2 semaphore(%run_scoped3A : memref<!tpu.dma_semaphore, #tpu.memory_space<semaphore_mem>>) src(%dma_wait3A_210 : memref<632x128xf32, #tpu.memory_space<hbm>>) dst(%dma_wait3A_208 : memref<632x128xf32, #tpu.memory_space<vmem_shared>>)
      tpu.yield
    }) : () -> ()
    %barrier3A = arith.constant 0 : index
    tpu.barrier barrier_id(%barrier3A)
    %add3A_10 = arith.constant 0 : i32
    %add3A_11 = arith.addi %add3A_6, %add3A_10 : i32
    %dma_start3A = arith.constant 0 : i32
    %dma_start3A_12 = arith.constant 0 : i32
    %dma_start3A_13 = tpu.memref_slice %arg7[%dma_start3A, %dma_start3A_12] : memref<4x128xi32, #tpu.memory_space<vmem>> -> memref<1x128xi32, #tpu.memory_space<vmem>>
    %dma_start3A_14 = tpu.memref_squeeze %dma_start3A_13 : memref<1x128xi32, #tpu.memory_space<vmem>> -> memref<128xi32, #tpu.memory_space<vmem>>
    %dma_start3A_15 = arith.constant 0 : i32
    %dma_start3A_16 = tpu.memref_slice %arg3[%add3A_11, %dma_start3A_15] : memref<2500x128xi32, #tpu.memory_space<hbm>> -> memref<1x128xi32, #tpu.memory_space<hbm>>
    %dma_start3A_17 = tpu.memref_squeeze %dma_start3A_16 : memref<1x128xi32, #tpu.memory_space<hbm>> -> memref<128xi32, #tpu.memory_space<hbm>>
    %dma_start3A_18 = arith.constant 0 : i32
    %dma_start3A_19 = tpu.memref_slice %arg7[%dma_start3A, %dma_start3A_18] : memref<4x128xi32, #tpu.memory_space<vmem>> -> memref<1x128xi32, #tpu.memory_space<vmem>>
    %dma_start3A_20 = tpu.memref_squeeze %dma_start3A_19 : memref<1x128xi32, #tpu.memory_space<vmem>> -> memref<128xi32, #tpu.memory_space<vmem>>
    %dma_start3A_21 = arith.constant 0 : i32
    %dma_start3A_22 = tpu.memref_slice %arg3[%add3A_11, %dma_start3A_21] : memref<2500x128xi32, #tpu.memory_space<hbm>> -> memref<1x128xi32, #tpu.memory_space<hbm>>
    %dma_start3A_23 = tpu.memref_squeeze %dma_start3A_22 : memref<1x128xi32, #tpu.memory_space<hbm>> -> memref<128xi32, #tpu.memory_space<hbm>>
    tpu.enqueue_dma source(%dma_start3A_23 : memref<128xi32, #tpu.memory_space<hbm>>) target(%dma_start3A_20 : memref<128xi32, #tpu.memory_space<vmem>>) target_semaphore(%arg12 : memref<!tpu.dma_semaphore, #tpu.memory_space<semaphore_mem>>)
    %add3A_24 = arith.constant 0 : i32
    %add3A_25 = arith.addi %add3A_6, %add3A_24 : i32
    %dma_start3A_26 = arith.constant 0 : i32
    %dma_start3A_27 = arith.constant 0 : i32
    %dma_start3A_28 = tpu.memref_slice %arg8[%dma_start3A_26, %dma_start3A_27] : memref<4x128xi32, #tpu.memory_space<vmem>> -> memref<1x128xi32, #tpu.memory_space<vmem>>
    %dma_start3A_29 = tpu.memref_squeeze %dma_start3A_28 : memref<1x128xi32, #tpu.memory_space<vmem>> -> memref<128xi32, #tpu.memory_space<vmem>>
    %dma_start3A_30 = arith.constant 0 : i32
    %dma_start3A_31 = tpu.memref_slice %arg4[%add3A_25, %dma_start3A_30] : memref<2500x128xi32, #tpu.memory_space<hbm>> -> memref<1x128xi32, #tpu.memory_space<hbm>>
    %dma_start3A_32 = tpu.memref_squeeze %dma_start3A_31 : memref<1x128xi32, #tpu.memory_space<hbm>> -> memref<128xi32, #tpu.memory_space<hbm>>
    %dma_start3A_33 = arith.constant 0 : i32
    %dma_start3A_34 = tpu.memref_slice %arg8[%dma_start3A_26, %dma_start3A_33] : memref<4x128xi32, #tpu.memory_space<vmem>> -> memref<1x128xi32, #tpu.memory_space<vmem>>
    %dma_start3A_35 = tpu.memref_squeeze %dma_start3A_34 : memref<1x128xi32, #tpu.memory_space<vmem>> -> memref<128xi32, #tpu.memory_space<vmem>>
    %dma_start3A_36 = arith.constant 0 : i32
    %dma_start3A_37 = tpu.memref_slice %arg4[%add3A_25, %dma_start3A_36] : memref<2500x128xi32, #tpu.memory_space<hbm>> -> memref<1x128xi32, #tpu.memory_space<hbm>>
    %dma_start3A_38 = tpu.memref_squeeze %dma_start3A_37 : memref<1x128xi32, #tpu.memory_space<hbm>> -> memref<128xi32, #tpu.memory_space<hbm>>
    tpu.enqueue_dma source(%dma_start3A_38 : memref<128xi32, #tpu.memory_space<hbm>>) target(%dma_start3A_35 : memref<128xi32, #tpu.memory_space<vmem>>) target_semaphore(%arg12 : memref<!tpu.dma_semaphore, #tpu.memory_space<semaphore_mem>>)
    %add3A_39 = arith.constant 1 : i32
    %add3A_40 = arith.addi %add3A_6, %add3A_39 : i32
    %dma_start3A_41 = arith.constant 1 : i32
    %dma_start3A_42 = arith.constant 0 : i32
    %dma_start3A_43 = tpu.memref_slice %arg7[%dma_start3A_41, %dma_start3A_42] : memref<4x128xi32, #tpu.memory_space<vmem>> -> memref<1x128xi32, #tpu.memory_space<vmem>>
    %dma_start3A_44 = tpu.memref_squeeze %dma_start3A_43 : memref<1x128xi32, #tpu.memory_space<vmem>> -> memref<128xi32, #tpu.memory_space<vmem>>
    %dma_start3A_45 = arith.constant 0 : i32
    %dma_start3A_46 = tpu.memref_slice %arg3[%add3A_40, %dma_start3A_45] : memref<2500x128xi32, #tpu.memory_space<hbm>> -> memref<1x128xi32, #tpu.memory_space<hbm>>
    %dma_start3A_47 = tpu.memref_squeeze %dma_start3A_46 : memref<1x128xi32, #tpu.memory_space<hbm>> -> memref<128xi32, #tpu.memory_space<hbm>>
    %dma_start3A_48 = arith.constant 0 : i32
    %dma_start3A_49 = tpu.memref_slice %arg7[%dma_start3A_41, %dma_start3A_48] : memref<4x128xi32, #tpu.memory_space<vmem>> -> memref<1x128xi32, #tpu.memory_space<vmem>>
    %dma_start3A_50 = tpu.memref_squeeze %dma_start3A_49 : memref<1x128xi32, #tpu.memory_space<vmem>> -> memref<128xi32, #tpu.memory_space<vmem>>
    %dma_start3A_51 = arith.constant 0 : i32
    %dma_start3A_52 = tpu.memref_slice %arg3[%add3A_40, %dma_start3A_51] : memref<2500x128xi32, #tpu.memory_space<hbm>> -> memref<1x128xi32, #tpu.memory_space<hbm>>
    %dma_start3A_53 = tpu.memref_squeeze %dma_start3A_52 : memref<1x128xi32, #tpu.memory_space<hbm>> -> memref<128xi32, #tpu.memory_space<hbm>>
    tpu.enqueue_dma source(%dma_start3A_53 : memref<128xi32, #tpu.memory_space<hbm>>) target(%dma_start3A_50 : memref<128xi32, #tpu.memory_space<vmem>>) target_semaphore(%arg13 : memref<!tpu.dma_semaphore, #tpu.memory_space<semaphore_mem>>)
    %add3A_54 = arith.constant 1 : i32
    %add3A_55 = arith.addi %add3A_6, %add3A_54 : i32
    %dma_start3A_56 = arith.constant 1 : i32
    %dma_start3A_57 = arith.constant 0 : i32
    %dma_start3A_58 = tpu.memref_slice %arg8[%dma_start3A_56, %dma_start3A_57] : memref<4x128xi32, #tpu.memory_space<vmem>> -> memref<1x128xi32, #tpu.memory_space<vmem>>
    %dma_start3A_59 = tpu.memref_squeeze %dma_start3A_58 : memref<1x128xi32, #tpu.memory_space<vmem>> -> memref<128xi32, #tpu.memory_space<vmem>>
    %dma_start3A_60 = arith.constant 0 : i32
    %dma_start3A_61 = tpu.memref_slice %arg4[%add3A_55, %dma_start3A_60] : memref<2500x128xi32, #tpu.memory_space<hbm>> -> memref<1x128xi32, #tpu.memory_space<hbm>>
    %dma_start3A_62 = tpu.memref_squeeze %dma_start3A_61 : memref<1x128xi32, #tpu.memory_space<hbm>> -> memref<128xi32, #tpu.memory_space<hbm>>
    %dma_start3A_63 = arith.constant 0 : i32
    %dma_start3A_64 = tpu.memref_slice %arg8[%dma_start3A_56, %dma_start3A_63] : memref<4x128xi32, #tpu.memory_space<vmem>> -> memref<1x128xi32, #tpu.memory_space<vmem>>
    %dma_start3A_65 = tpu.memref_squeeze %dma_start3A_64 : memref<1x128xi32, #tpu.memory_space<vmem>> -> memref<128xi32, #tpu.memory_space<vmem>>
    %dma_start3A_66 = arith.constant 0 : i32
    %dma_start3A_67 = tpu.memref_slice %arg4[%add3A_55, %dma_start3A_66] : memref<2500x128xi32, #tpu.memory_space<hbm>> -> memref<1x128xi32, #tpu.memory_space<hbm>>
    %dma_start3A_68 = tpu.memref_squeeze %dma_start3A_67 : memref<1x128xi32, #tpu.memory_space<hbm>> -> memref<128xi32, #tpu.memory_space<hbm>>
    tpu.enqueue_dma source(%dma_start3A_68 : memref<128xi32, #tpu.memory_space<hbm>>) target(%dma_start3A_65 : memref<128xi32, #tpu.memory_space<vmem>>) target_semaphore(%arg13 : memref<!tpu.dma_semaphore, #tpu.memory_space<semaphore_mem>>)
    %add3A_69 = arith.constant 2 : i32
    %add3A_70 = arith.addi %add3A_6, %add3A_69 : i32
    %dma_start3A_71 = arith.constant 2 : i32
    %dma_start3A_72 = arith.constant 0 : i32
    %dma_start3A_73 = tpu.memref_slice %arg7[%dma_start3A_71, %dma_start3A_72] : memref<4x128xi32, #tpu.memory_space<vmem>> -> memref<1x128xi32, #tpu.memory_space<vmem>>
    %dma_start3A_74 = tpu.memref_squeeze %dma_start3A_73 : memref<1x128xi32, #tpu.memory_space<vmem>> -> memref<128xi32, #tpu.memory_space<vmem>>
    %dma_start3A_75 = arith.constant 0 : i32
    %dma_start3A_76 = tpu.memref_slice %arg3[%add3A_70, %dma_start3A_75] : memref<2500x128xi32, #tpu.memory_space<hbm>> -> memref<1x128xi32, #tpu.memory_space<hbm>>
    %dma_start3A_77 = tpu.memref_squeeze %dma_start3A_76 : memref<1x128xi32, #tpu.memory_space<hbm>> -> memref<128xi32, #tpu.memory_space<hbm>>
    %dma_start3A_78 = arith.constant 0 : i32
    %dma_start3A_79 = tpu.memref_slice %arg7[%dma_start3A_71, %dma_start3A_78] : memref<4x128xi32, #tpu.memory_space<vmem>> -> memref<1x128xi32, #tpu.memory_space<vmem>>
    %dma_start3A_80 = tpu.memref_squeeze %dma_start3A_79 : memref<1x128xi32, #tpu.memory_space<vmem>> -> memref<128xi32, #tpu.memory_space<vmem>>
    %dma_start3A_81 = arith.constant 0 : i32
    %dma_start3A_82 = tpu.memref_slice %arg3[%add3A_70, %dma_start3A_81] : memref<2500x128xi32, #tpu.memory_space<hbm>> -> memref<1x128xi32, #tpu.memory_space<hbm>>
    %dma_start3A_83 = tpu.memref_squeeze %dma_start3A_82 : memref<1x128xi32, #tpu.memory_space<hbm>> -> memref<128xi32, #tpu.memory_space<hbm>>
    tpu.enqueue_dma source(%dma_start3A_83 : memref<128xi32, #tpu.memory_space<hbm>>) target(%dma_start3A_80 : memref<128xi32, #tpu.memory_space<vmem>>) target_semaphore(%arg14 : memref<!tpu.dma_semaphore, #tpu.memory_space<semaphore_mem>>)
    %add3A_84 = arith.constant 2 : i32
    %add3A_85 = arith.addi %add3A_6, %add3A_84 : i32
    %dma_start3A_86 = arith.constant 2 : i32
    %dma_start3A_87 = arith.constant 0 : i32
    %dma_start3A_88 = tpu.memref_slice %arg8[%dma_start3A_86, %dma_start3A_87] : memref<4x128xi32, #tpu.memory_space<vmem>> -> memref<1x128xi32, #tpu.memory_space<vmem>>
    %dma_start3A_89 = tpu.memref_squeeze %dma_start3A_88 : memref<1x128xi32, #tpu.memory_space<vmem>> -> memref<128xi32, #tpu.memory_space<vmem>>
    %dma_start3A_90 = arith.constant 0 : i32
    %dma_start3A_91 = tpu.memref_slice %arg4[%add3A_85, %dma_start3A_90] : memref<2500x128xi32, #tpu.memory_space<hbm>> -> memref<1x128xi32, #tpu.memory_space<hbm>>
    %dma_start3A_92 = tpu.memref_squeeze %dma_start3A_91 : memref<1x128xi32, #tpu.memory_space<hbm>> -> memref<128xi32, #tpu.memory_space<hbm>>
    %dma_start3A_93 = arith.constant 0 : i32
    %dma_start3A_94 = tpu.memref_slice %arg8[%dma_start3A_86, %dma_start3A_93] : memref<4x128xi32, #tpu.memory_space<vmem>> -> memref<1x128xi32, #tpu.memory_space<vmem>>
    %dma_start3A_95 = tpu.memref_squeeze %dma_start3A_94 : memref<1x128xi32, #tpu.memory_space<vmem>> -> memref<128xi32, #tpu.memory_space<vmem>>
    %dma_start3A_96 = arith.constant 0 : i32
    %dma_start3A_97 = tpu.memref_slice %arg4[%add3A_85, %dma_start3A_96] : memref<2500x128xi32, #tpu.memory_space<hbm>> -> memref<1x128xi32, #tpu.memory_space<hbm>>
    %dma_start3A_98 = tpu.memref_squeeze %dma_start3A_97 : memref<1x128xi32, #tpu.memory_space<hbm>> -> memref<128xi32, #tpu.memory_space<hbm>>
    tpu.enqueue_dma source(%dma_start3A_98 : memref<128xi32, #tpu.memory_space<hbm>>) target(%dma_start3A_95 : memref<128xi32, #tpu.memory_space<vmem>>) target_semaphore(%arg14 : memref<!tpu.dma_semaphore, #tpu.memory_space<semaphore_mem>>)
    %add3A_99 = arith.constant 3 : i32
    %add3A_100 = arith.addi %add3A_6, %add3A_99 : i32
    %dma_start3A_101 = arith.constant 3 : i32
    %dma_start3A_102 = arith.constant 0 : i32
    %dma_start3A_103 = tpu.memref_slice %arg7[%dma_start3A_101, %dma_start3A_102] : memref<4x128xi32, #tpu.memory_space<vmem>> -> memref<1x128xi32, #tpu.memory_space<vmem>>
    %dma_start3A_104 = tpu.memref_squeeze %dma_start3A_103 : memref<1x128xi32, #tpu.memory_space<vmem>> -> memref<128xi32, #tpu.memory_space<vmem>>
    %dma_start3A_105 = arith.constant 0 : i32
    %dma_start3A_106 = tpu.memref_slice %arg3[%add3A_100, %dma_start3A_105] : memref<2500x128xi32, #tpu.memory_space<hbm>> -> memref<1x128xi32, #tpu.memory_space<hbm>>
    %dma_start3A_107 = tpu.memref_squeeze %dma_start3A_106 : memref<1x128xi32, #tpu.memory_space<hbm>> -> memref<128xi32, #tpu.memory_space<hbm>>
    %dma_start3A_108 = arith.constant 0 : i32
    %dma_start3A_109 = tpu.memref_slice %arg7[%dma_start3A_101, %dma_start3A_108] : memref<4x128xi32, #tpu.memory_space<vmem>> -> memref<1x128xi32, #tpu.memory_space<vmem>>
    %dma_start3A_110 = tpu.memref_squeeze %dma_start3A_109 : memref<1x128xi32, #tpu.memory_space<vmem>> -> memref<128xi32, #tpu.memory_space<vmem>>
    %dma_start3A_111 = arith.constant 0 : i32
    %dma_start3A_112 = tpu.memref_slice %arg3[%add3A_100, %dma_start3A_111] : memref<2500x128xi32, #tpu.memory_space<hbm>> -> memref<1x128xi32, #tpu.memory_space<hbm>>
    %dma_start3A_113 = tpu.memref_squeeze %dma_start3A_112 : memref<1x128xi32, #tpu.memory_space<hbm>> -> memref<128xi32, #tpu.memory_space<hbm>>
    tpu.enqueue_dma source(%dma_start3A_113 : memref<128xi32, #tpu.memory_space<hbm>>) target(%dma_start3A_110 : memref<128xi32, #tpu.memory_space<vmem>>) target_semaphore(%arg15 : memref<!tpu.dma_semaphore, #tpu.memory_space<semaphore_mem>>)
    %add3A_114 = arith.constant 3 : i32
    %add3A_115 = arith.addi %add3A_6, %add3A_114 : i32
    %dma_start3A_116 = arith.constant 3 : i32
    %dma_start3A_117 = arith.constant 0 : i32
    %dma_start3A_118 = tpu.memref_slice %arg8[%dma_start3A_116, %dma_start3A_117] : memref<4x128xi32, #tpu.memory_space<vmem>> -> memref<1x128xi32, #tpu.memory_space<vmem>>
    %dma_start3A_119 = tpu.memref_squeeze %dma_start3A_118 : memref<1x128xi32, #tpu.memory_space<vmem>> -> memref<128xi32, #tpu.memory_space<vmem>>
    %dma_start3A_120 = arith.constant 0 : i32
    %dma_start3A_121 = tpu.memref_slice %arg4[%add3A_115, %dma_start3A_120] : memref<2500x128xi32, #tpu.memory_space<hbm>> -> memref<1x128xi32, #tpu.memory_space<hbm>>
    %dma_start3A_122 = tpu.memref_squeeze %dma_start3A_121 : memref<1x128xi32, #tpu.memory_space<hbm>> -> memref<128xi32, #tpu.memory_space<hbm>>
    %dma_start3A_123 = arith.constant 0 : i32
    %dma_start3A_124 = tpu.memref_slice %arg8[%dma_start3A_116, %dma_start3A_123] : memref<4x128xi32, #tpu.memory_space<vmem>> -> memref<1x128xi32, #tpu.memory_space<vmem>>
    %dma_start3A_125 = tpu.memref_squeeze %dma_start3A_124 : memref<1x128xi32, #tpu.memory_space<vmem>> -> memref<128xi32, #tpu.memory_space<vmem>>
    %dma_start3A_126 = arith.constant 0 : i32
    %dma_start3A_127 = tpu.memref_slice %arg4[%add3A_115, %dma_start3A_126] : memref<2500x128xi32, #tpu.memory_space<hbm>> -> memref<1x128xi32, #tpu.memory_space<hbm>>
    %dma_start3A_128 = tpu.memref_squeeze %dma_start3A_127 : memref<1x128xi32, #tpu.memory_space<hbm>> -> memref<128xi32, #tpu.memory_space<hbm>>
    tpu.enqueue_dma source(%dma_start3A_128 : memref<128xi32, #tpu.memory_space<hbm>>) target(%dma_start3A_125 : memref<128xi32, #tpu.memory_space<vmem>>) target_semaphore(%arg15 : memref<!tpu.dma_semaphore, #tpu.memory_space<semaphore_mem>>)
    %dma_wait3A = arith.constant 0 : i32
    %dma_wait3A_129 = arith.constant 0 : i32
    %dma_wait3A_130 = arith.constant 0 : i32
    %dma_wait3A_131 = tpu.memref_slice %arg7[%dma_wait3A_129, %dma_wait3A_130] : memref<4x128xi32, #tpu.memory_space<vmem>> -> memref<1x128xi32, #tpu.memory_space<vmem>>
    %dma_wait3A_132 = tpu.memref_squeeze %dma_wait3A_131 : memref<1x128xi32, #tpu.memory_space<vmem>> -> memref<128xi32, #tpu.memory_space<vmem>>
    %dma_wait3A_133 = arith.constant 0 : i32
    %dma_wait3A_134 = tpu.memref_slice %arg3[%dma_wait3A, %dma_wait3A_133] : memref<2500x128xi32, #tpu.memory_space<hbm>> -> memref<1x128xi32, #tpu.memory_space<hbm>>
    %dma_wait3A_135 = tpu.memref_squeeze %dma_wait3A_134 : memref<1x128xi32, #tpu.memory_space<hbm>> -> memref<128xi32, #tpu.memory_space<hbm>>
    %dma_wait3A_136 = arith.constant 0 : i32
    %dma_wait3A_137 = tpu.memref_slice %arg7[%dma_wait3A_129, %dma_wait3A_136] : memref<4x128xi32, #tpu.memory_space<vmem>> -> memref<1x128xi32, #tpu.memory_space<vmem>>
    %dma_wait3A_138 = tpu.memref_squeeze %dma_wait3A_137 : memref<1x128xi32, #tpu.memory_space<vmem>> -> memref<128xi32, #tpu.memory_space<vmem>>
    %dma_wait3A_139 = arith.constant 0 : i32
    %dma_wait3A_140 = tpu.memref_slice %arg3[%dma_wait3A, %dma_wait3A_139] : memref<2500x128xi32, #tpu.memory_space<hbm>> -> memref<1x128xi32, #tpu.memory_space<hbm>>
    %dma_wait3A_141 = tpu.memref_squeeze %dma_wait3A_140 : memref<1x128xi32, #tpu.memory_space<hbm>> -> memref<128xi32, #tpu.memory_space<hbm>>
    tpu.wait_dma2 semaphore(%arg12 : memref<!tpu.dma_semaphore, #tpu.memory_space<semaphore_mem>>) src(%dma_wait3A_141 : memref<128xi32, #tpu.memory_space<hbm>>) dst(%dma_wait3A_138 : memref<128xi32, #tpu.memory_space<vmem>>)
    %dma_wait3A_142 = arith.constant 0 : i32
    %dma_wait3A_143 = arith.constant 0 : i32
    %dma_wait3A_144 = arith.constant 0 : i32
    %dma_wait3A_145 = tpu.memref_slice %arg8[%dma_wait3A_143, %dma_wait3A_144] : memref<4x128xi32, #tpu.memory_space<vmem>> -> memref<1x128xi32, #tpu.memory_space<vmem>>
    %dma_wait3A_146 = tpu.memref_squeeze %dma_wait3A_145 : memref<1x128xi32, #tpu.memory_space<vmem>> -> memref<128xi32, #tpu.memory_space<vmem>>
    %dma_wait3A_147 = arith.constant 0 : i32
    %dma_wait3A_148 = tpu.memref_slice %arg4[%dma_wait3A_142, %dma_wait3A_147] : memref<2500x128xi32, #tpu.memory_space<hbm>> -> memref<1x128xi32, #tpu.memory_space<hbm>>
    %dma_wait3A_149 = tpu.memref_squeeze %dma_wait3A_148 : memref<1x128xi32, #tpu.memory_space<hbm>> -> memref<128xi32, #tpu.memory_space<hbm>>
    %dma_wait3A_150 = arith.constant 0 : i32
    %dma_wait3A_151 = tpu.memref_slice %arg8[%dma_wait3A_143, %dma_wait3A_150] : memref<4x128xi32, #tpu.memory_space<vmem>> -> memref<1x128xi32, #tpu.memory_space<vmem>>
    %dma_wait3A_152 = tpu.memref_squeeze %dma_wait3A_151 : memref<1x128xi32, #tpu.memory_space<vmem>> -> memref<128xi32, #tpu.memory_space<vmem>>
    %dma_wait3A_153 = arith.constant 0 : i32
    %dma_wait3A_154 = tpu.memref_slice %arg4[%dma_wait3A_142, %dma_wait3A_153] : memref<2500x128xi32, #tpu.memory_space<hbm>> -> memref<1x128xi32, #tpu.memory_space<hbm>>
    %dma_wait3A_155 = tpu.memref_squeeze %dma_wait3A_154 : memref<1x128xi32, #tpu.memory_space<hbm>> -> memref<128xi32, #tpu.memory_space<hbm>>
    tpu.wait_dma2 semaphore(%arg12 : memref<!tpu.dma_semaphore, #tpu.memory_space<semaphore_mem>>) src(%dma_wait3A_155 : memref<128xi32, #tpu.memory_space<hbm>>) dst(%dma_wait3A_152 : memref<128xi32, #tpu.memory_space<vmem>>)
    %dma_start3A_156 = arith.constant 0 : i32
    %dma_start3A_157 = arith.constant 0 : i32
    %dma_start3A_158 = tpu.memref_slice %arg7[%dma_start3A_156, %dma_start3A_157] : memref<4x128xi32, #tpu.memory_space<vmem>> -> memref<1x128xi32, #tpu.memory_space<vmem>>
    %dma_start3A_159 = tpu.memref_squeeze %dma_start3A_158 : memref<1x128xi32, #tpu.memory_space<vmem>> -> memref<128xi32, #tpu.memory_space<vmem>>
    %dma_start3A_160 = arith.constant 0 : i32
    %dma_start3A_161 = arith.constant 0 : i32
    %dma_start3A_162 = tpu.memref_slice %arg2[%dma_start3A_160, %dma_start3A_161] : memref<10112x128xf32, #tpu.memory_space<hbm>> -> memref<10112x128xf32, #tpu.memory_space<hbm>>
    tpu.enqueue_indirect_dma source(%dma_start3A_162 : memref<10112x128xf32, #tpu.memory_space<hbm>>) target(%arg9 : memref<128x128xf32, #tpu.memory_space<vmem>>) offsets(%dma_start3A_159 : memref<128xi32, #tpu.memory_space<vmem>>) semaphore(%arg16 : memref<!tpu.dma_semaphore, #tpu.memory_space<semaphore_mem>>)
    %dma_wait3A_163 = arith.constant 0 : i32
    %dma_wait3A_164 = arith.constant 1 : i32
    %dma_wait3A_165 = arith.constant 0 : i32
    %dma_wait3A_166 = tpu.memref_slice %arg7[%dma_wait3A_164, %dma_wait3A_165] : memref<4x128xi32, #tpu.memory_space<vmem>> -> memref<1x128xi32, #tpu.memory_space<vmem>>
    %dma_wait3A_167 = tpu.memref_squeeze %dma_wait3A_166 : memref<1x128xi32, #tpu.memory_space<vmem>> -> memref<128xi32, #tpu.memory_space<vmem>>
    %dma_wait3A_168 = arith.constant 0 : i32
    %dma_wait3A_169 = tpu.memref_slice %arg3[%dma_wait3A_163, %dma_wait3A_168] : memref<2500x128xi32, #tpu.memory_space<hbm>> -> memref<1x128xi32, #tpu.memory_space<hbm>>
    %dma_wait3A_170 = tpu.memref_squeeze %dma_wait3A_169 : memref<1x128xi32, #tpu.memory_space<hbm>> -> memref<128xi32, #tpu.memory_space<hbm>>
    %dma_wait3A_171 = arith.constant 0 : i32
    %dma_wait3A_172 = tpu.memref_slice %arg7[%dma_wait3A_164, %dma_wait3A_171] : memref<4x128xi32, #tpu.memory_space<vmem>> -> memref<1x128xi32, #tpu.memory_space<vmem>>
    %dma_wait3A_173 = tpu.memref_squeeze %dma_wait3A_172 : memref<1x128xi32, #tpu.memory_space<vmem>> -> memref<128xi32, #tpu.memory_space<vmem>>
    %dma_wait3A_174 = arith.constant 0 : i32
    %dma_wait3A_175 = tpu.memref_slice %arg3[%dma_wait3A_163, %dma_wait3A_174] : memref<2500x128xi32, #tpu.memory_space<hbm>> -> memref<1x128xi32, #tpu.memory_space<hbm>>
    %dma_wait3A_176 = tpu.memref_squeeze %dma_wait3A_175 : memref<1x128xi32, #tpu.memory_space<hbm>> -> memref<128xi32, #tpu.memory_space<hbm>>
    tpu.wait_dma2 semaphore(%arg13 : memref<!tpu.dma_semaphore, #tpu.memory_space<semaphore_mem>>) src(%dma_wait3A_176 : memref<128xi32, #tpu.memory_space<hbm>>) dst(%dma_wait3A_173 : memref<128xi32, #tpu.memory_space<vmem>>)
    %dma_wait3A_177 = arith.constant 0 : i32
    %dma_wait3A_178 = arith.constant 1 : i32
    %dma_wait3A_179 = arith.constant 0 : i32
    %dma_wait3A_180 = tpu.memref_slice %arg8[%dma_wait3A_178, %dma_wait3A_179] : memref<4x128xi32, #tpu.memory_space<vmem>> -> memref<1x128xi32, #tpu.memory_space<vmem>>
    %dma_wait3A_181 = tpu.memref_squeeze %dma_wait3A_180 : memref<1x128xi32, #tpu.memory_space<vmem>> -> memref<128xi32, #tpu.memory_space<vmem>>
    %dma_wait3A_182 = arith.constant 0 : i32
    %dma_wait3A_183 = tpu.memref_slice %arg4[%dma_wait3A_177, %dma_wait3A_182] : memref<2500x128xi32, #tpu.memory_space<hbm>> -> memref<1x128xi32, #tpu.memory_space<hbm>>
    %dma_wait3A_184 = tpu.memref_squeeze %dma_wait3A_183 : memref<1x128xi32, #tpu.memory_space<hbm>> -> memref<128xi32, #tpu.memory_space<hbm>>
    %dma_wait3A_185 = arith.constant 0 : i32
    %dma_wait3A_186 = tpu.memref_slice %arg8[%dma_wait3A_178, %dma_wait3A_185] : memref<4x128xi32, #tpu.memory_space<vmem>> -> memref<1x128xi32, #tpu.memory_space<vmem>>
    %dma_wait3A_187 = tpu.memref_squeeze %dma_wait3A_186 : memref<1x128xi32, #tpu.memory_space<vmem>> -> memref<128xi32, #tpu.memory_space<vmem>>
    %dma_wait3A_188 = arith.constant 0 : i32
    %dma_wait3A_189 = tpu.memref_slice %arg4[%dma_wait3A_177, %dma_wait3A_188] : memref<2500x128xi32, #tpu.memory_space<hbm>> -> memref<1x128xi32, #tpu.memory_space<hbm>>
    %dma_wait3A_190 = tpu.memref_squeeze %dma_wait3A_189 : memref<1x128xi32, #tpu.memory_space<hbm>> -> memref<128xi32, #tpu.memory_space<hbm>>
    tpu.wait_dma2 semaphore(%arg13 : memref<!tpu.dma_semaphore, #tpu.memory_space<semaphore_mem>>) src(%dma_wait3A_190 : memref<128xi32, #tpu.memory_space<hbm>>) dst(%dma_wait3A_187 : memref<128xi32, #tpu.memory_space<vmem>>)
    %dma_start3A_191 = arith.constant 1 : i32
    %dma_start3A_192 = arith.constant 0 : i32
    %dma_start3A_193 = tpu.memref_slice %arg7[%dma_start3A_191, %dma_start3A_192] : memref<4x128xi32, #tpu.memory_space<vmem>> -> memref<1x128xi32, #tpu.memory_space<vmem>>
    %dma_start3A_194 = tpu.memref_squeeze %dma_start3A_193 : memref<1x128xi32, #tpu.memory_space<vmem>> -> memref<128xi32, #tpu.memory_space<vmem>>
    %dma_start3A_195 = arith.constant 0 : i32
    %dma_start3A_196 = arith.constant 0 : i32
    %dma_start3A_197 = tpu.memref_slice %arg2[%dma_start3A_195, %dma_start3A_196] : memref<10112x128xf32, #tpu.memory_space<hbm>> -> memref<10112x128xf32, #tpu.memory_space<hbm>>
    tpu.enqueue_indirect_dma source(%dma_start3A_197 : memref<10112x128xf32, #tpu.memory_space<hbm>>) target(%arg10 : memref<128x128xf32, #tpu.memory_space<vmem>>) offsets(%dma_start3A_194 : memref<128xi32, #tpu.memory_space<vmem>>) semaphore(%arg17 : memref<!tpu.dma_semaphore, #tpu.memory_space<semaphore_mem>>)
    %scan3A = arith.constant 0 : i32
    %scan3A_198 = arith.constant 20 : i32
    %scan3A_199 = arith.addi %scan3A, %scan3A_198 : i32
    %scan3A_200 = arith.constant 1 : i32
    scf.for %scan3A_203 = %scan3A to %scan3A_199 step %scan3A_200  : i32 {
      %mul3A_204 = arith.constant 1 : i32
      %mul3A_205 = arith.muli %scan3A_203, %mul3A_204 : i32
      %add3A_206 = arith.constant 0 : i32
      %add3A_207 = arith.addi %add3A_206, %mul3A_205 : i32
      %mul3A_208 = arith.constant 4 : i32
      %mul3A_209 = arith.muli %add3A_207, %mul3A_208 : i32
      %add3A_210 = arith.constant 0 : i32
      %add3A_211 = arith.addi %mul3A_209, %add3A_210 : i32
      %lt3A_212 = arith.cmpi slt, %add3A_211, %add3A_9 : i32
      %convert_element_type3A_213 = arith.extui %lt3A_212 : i1 to i32
      %cond3A = arith.constant 0 : i32
      %cond3A_214 = arith.cmpi ne, %convert_element_type3A_213, %cond3A : i32
      scf.if %cond3A_214 {
        %dma_wait3A_239 = arith.constant 0 : i32
        %dma_wait3A_240 = arith.constant 0 : i32
        %dma_wait3A_241 = tpu.memref_slice %arg7[%dma_wait3A_239, %dma_wait3A_240] : memref<4x128xi32, #tpu.memory_space<vmem>> -> memref<1x128xi32, #tpu.memory_space<vmem>>
        %dma_wait3A_242 = tpu.memref_squeeze %dma_wait3A_241 : memref<1x128xi32, #tpu.memory_space<vmem>> -> memref<128xi32, #tpu.memory_space<vmem>>
        %dma_wait3A_243 = arith.constant 0 : i32
        %dma_wait3A_244 = arith.constant 0 : i32
        %dma_wait3A_245 = tpu.memref_slice %arg2[%dma_wait3A_243, %dma_wait3A_244] : memref<10112x128xf32, #tpu.memory_space<hbm>> -> memref<10112x128xf32, #tpu.memory_space<hbm>>
        tpu.wait_indirect_dma semaphore(%arg16 : memref<!tpu.dma_semaphore, #tpu.memory_space<semaphore_mem>>) src(%dma_wait3A_245 : memref<10112x128xf32, #tpu.memory_space<hbm>>) dst(%arg9 : memref<128x128xf32, #tpu.memory_space<vmem>>)
        %run_scoped3A = arith.constant 0 : i32
        "tpu.region"() ({
          %run_scoped3A_258 = tpu.sem_alloc : memref<!tpu.dma_semaphore, #tpu.memory_space<semaphore_mem>>
          %dma_start3A_259 = arith.constant 0 : i32
          %dma_start3A_260 = tpu.memref_slice %arg8[%run_scoped3A, %dma_start3A_259] : memref<4x128xi32, #tpu.memory_space<vmem>> -> memref<1x128xi32, #tpu.memory_space<vmem>>
          %dma_start3A_261 = tpu.memref_squeeze %dma_start3A_260 : memref<1x128xi32, #tpu.memory_space<vmem>> -> memref<128xi32, #tpu.memory_space<vmem>>
          %dma_start3A_262 = arith.constant 0 : i32
          %dma_start3A_263 = arith.constant 0 : i32
          %dma_start3A_264 = tpu.memref_slice %arg11[%dma_start3A_262, %dma_start3A_263] : memref<10112x128xf32, #tpu.memory_space<vmem_shared>> -> memref<10112x128xf32, #tpu.memory_space<vmem_shared>>
          tpu.enqueue_indirect_dma source(%arg9 : memref<128x128xf32, #tpu.memory_space<vmem>>) target(%dma_start3A_264 : memref<10112x128xf32, #tpu.memory_space<vmem_shared>>) offsets(%dma_start3A_261 : memref<128xi32, #tpu.memory_space<vmem>>) semaphore(%run_scoped3A_258 : memref<!tpu.dma_semaphore, #tpu.memory_space<semaphore_mem>>) {add = true}
          %dma_wait3A_265 = arith.constant 0 : i32
          %dma_wait3A_266 = tpu.memref_slice %arg8[%run_scoped3A, %dma_wait3A_265] : memref<4x128xi32, #tpu.memory_space<vmem>> -> memref<1x128xi32, #tpu.memory_space<vmem>>
          %dma_wait3A_267 = tpu.memref_squeeze %dma_wait3A_266 : memref<1x128xi32, #tpu.memory_space<vmem>> -> memref<128xi32, #tpu.memory_space<vmem>>
          %dma_wait3A_268 = arith.constant 0 : i32
          %dma_wait3A_269 = arith.constant 0 : i32
          %dma_wait3A_270 = tpu.memref_slice %arg11[%dma_wait3A_268, %dma_wait3A_269] : memref<10112x128xf32, #tpu.memory_space<vmem_shared>> -> memref<10112x128xf32, #tpu.memory_space<vmem_shared>>
          tpu.wait_indirect_dma semaphore(%run_scoped3A_258 : memref<!tpu.dma_semaphore, #tpu.memory_space<semaphore_mem>>) src(%arg9 : memref<128x128xf32, #tpu.memory_space<vmem>>) dst(%dma_wait3A_270 : memref<10112x128xf32, #tpu.memory_space<vmem_shared>>)
          tpu.yield
        }) : () -> ()
        %add3A_246 = arith.constant 4 : i32
        %add3A_247 = arith.addi %add3A_211, %add3A_246 : i32
        %lt3A_248 = arith.cmpi slt, %add3A_247, %add3A_9 : i32
        %convert_element_type3A_249 = arith.extui %lt3A_248 : i1 to i32
        %cond3A_250 = arith.constant 0 : i32
        %cond3A_251 = arith.cmpi ne, %convert_element_type3A_249, %cond3A_250 : i32
        scf.if %cond3A_251 {
          %add3A_258 = arith.addi %add3A_6, %add3A_247 : i32
          %dma_start3A_259 = arith.constant 0 : i32
          %dma_start3A_260 = arith.constant 0 : i32
          %dma_start3A_261 = tpu.memref_slice %arg7[%dma_start3A_259, %dma_start3A_260] : memref<4x128xi32, #tpu.memory_space<vmem>> -> memref<1x128xi32, #tpu.memory_space<vmem>>
          %dma_start3A_262 = tpu.memref_squeeze %dma_start3A_261 : memref<1x128xi32, #tpu.memory_space<vmem>> -> memref<128xi32, #tpu.memory_space<vmem>>
          %dma_start3A_263 = arith.constant 0 : i32
          %dma_start3A_264 = tpu.memref_slice %arg3[%add3A_258, %dma_start3A_263] : memref<2500x128xi32, #tpu.memory_space<hbm>> -> memref<1x128xi32, #tpu.memory_space<hbm>>
          %dma_start3A_265 = tpu.memref_squeeze %dma_start3A_264 : memref<1x128xi32, #tpu.memory_space<hbm>> -> memref<128xi32, #tpu.memory_space<hbm>>
          %dma_start3A_266 = arith.constant 0 : i32
          %dma_start3A_267 = tpu.memref_slice %arg7[%dma_start3A_259, %dma_start3A_266] : memref<4x128xi32, #tpu.memory_space<vmem>> -> memref<1x128xi32, #tpu.memory_space<vmem>>
          %dma_start3A_268 = tpu.memref_squeeze %dma_start3A_267 : memref<1x128xi32, #tpu.memory_space<vmem>> -> memref<128xi32, #tpu.memory_space<vmem>>
          %dma_start3A_269 = arith.constant 0 : i32
          %dma_start3A_270 = tpu.memref_slice %arg3[%add3A_258, %dma_start3A_269] : memref<2500x128xi32, #tpu.memory_space<hbm>> -> memref<1x128xi32, #tpu.memory_space<hbm>>
          %dma_start3A_271 = tpu.memref_squeeze %dma_start3A_270 : memref<1x128xi32, #tpu.memory_space<hbm>> -> memref<128xi32, #tpu.memory_space<hbm>>
          tpu.enqueue_dma source(%dma_start3A_271 : memref<128xi32, #tpu.memory_space<hbm>>) target(%dma_start3A_268 : memref<128xi32, #tpu.memory_space<vmem>>) target_semaphore(%arg12 : memref<!tpu.dma_semaphore, #tpu.memory_space<semaphore_mem>>)
          %add3A_272 = arith.addi %add3A_6, %add3A_247 : i32
          %dma_start3A_273 = arith.constant 0 : i32
          %dma_start3A_274 = arith.constant 0 : i32
          %dma_start3A_275 = tpu.memref_slice %arg8[%dma_start3A_273, %dma_start3A_274] : memref<4x128xi32, #tpu.memory_space<vmem>> -> memref<1x128xi32, #tpu.memory_space<vmem>>
          %dma_start3A_276 = tpu.memref_squeeze %dma_start3A_275 : memref<1x128xi32, #tpu.memory_space<vmem>> -> memref<128xi32, #tpu.memory_space<vmem>>
          %dma_start3A_277 = arith.constant 0 : i32
          %dma_start3A_278 = tpu.memref_slice %arg4[%add3A_272, %dma_start3A_277] : memref<2500x128xi32, #tpu.memory_space<hbm>> -> memref<1x128xi32, #tpu.memory_space<hbm>>
          %dma_start3A_279 = tpu.memref_squeeze %dma_start3A_278 : memref<1x128xi32, #tpu.memory_space<hbm>> -> memref<128xi32, #tpu.memory_space<hbm>>
          %dma_start3A_280 = arith.constant 0 : i32
          %dma_start3A_281 = tpu.memref_slice %arg8[%dma_start3A_273, %dma_start3A_280] : memref<4x128xi32, #tpu.memory_space<vmem>> -> memref<1x128xi32, #tpu.memory_space<vmem>>
          %dma_start3A_282 = tpu.memref_squeeze %dma_start3A_281 : memref<1x128xi32, #tpu.memory_space<vmem>> -> memref<128xi32, #tpu.memory_space<vmem>>
          %dma_start3A_283 = arith.constant 0 : i32
          %dma_start3A_284 = tpu.memref_slice %arg4[%add3A_272, %dma_start3A_283] : memref<2500x128xi32, #tpu.memory_space<hbm>> -> memref<1x128xi32, #tpu.memory_space<hbm>>
          %dma_start3A_285 = tpu.memref_squeeze %dma_start3A_284 : memref<1x128xi32, #tpu.memory_space<hbm>> -> memref<128xi32, #tpu.memory_space<hbm>>
          tpu.enqueue_dma source(%dma_start3A_285 : memref<128xi32, #tpu.memory_space<hbm>>) target(%dma_start3A_282 : memref<128xi32, #tpu.memory_space<vmem>>) target_semaphore(%arg12 : memref<!tpu.dma_semaphore, #tpu.memory_space<semaphore_mem>>)
        } else {
        }
        %add3A_252 = arith.constant 2 : i32
        %add3A_253 = arith.addi %add3A_211, %add3A_252 : i32
        %lt3A_254 = arith.cmpi slt, %add3A_253, %add3A_9 : i32
        %convert_element_type3A_255 = arith.extui %lt3A_254 : i1 to i32
        %cond3A_256 = arith.constant 0 : i32
        %cond3A_257 = arith.cmpi ne, %convert_element_type3A_255, %cond3A_256 : i32
        scf.if %cond3A_257 {
          %dma_wait3A_258 = arith.constant 0 : i32
          %dma_wait3A_259 = arith.constant 2 : i32
          %dma_wait3A_260 = arith.constant 0 : i32
          %dma_wait3A_261 = tpu.memref_slice %arg7[%dma_wait3A_259, %dma_wait3A_260] : memref<4x128xi32, #tpu.memory_space<vmem>> -> memref<1x128xi32, #tpu.memory_space<vmem>>
          %dma_wait3A_262 = tpu.memref_squeeze %dma_wait3A_261 : memref<1x128xi32, #tpu.memory_space<vmem>> -> memref<128xi32, #tpu.memory_space<vmem>>
          %dma_wait3A_263 = arith.constant 0 : i32
          %dma_wait3A_264 = tpu.memref_slice %arg3[%dma_wait3A_258, %dma_wait3A_263] : memref<2500x128xi32, #tpu.memory_space<hbm>> -> memref<1x128xi32, #tpu.memory_space<hbm>>
          %dma_wait3A_265 = tpu.memref_squeeze %dma_wait3A_264 : memref<1x128xi32, #tpu.memory_space<hbm>> -> memref<128xi32, #tpu.memory_space<hbm>>
          %dma_wait3A_266 = arith.constant 0 : i32
          %dma_wait3A_267 = tpu.memref_slice %arg7[%dma_wait3A_259, %dma_wait3A_266] : memref<4x128xi32, #tpu.memory_space<vmem>> -> memref<1x128xi32, #tpu.memory_space<vmem>>
          %dma_wait3A_268 = tpu.memref_squeeze %dma_wait3A_267 : memref<1x128xi32, #tpu.memory_space<vmem>> -> memref<128xi32, #tpu.memory_space<vmem>>
          %dma_wait3A_269 = arith.constant 0 : i32
          %dma_wait3A_270 = tpu.memref_slice %arg3[%dma_wait3A_258, %dma_wait3A_269] : memref<2500x128xi32, #tpu.memory_space<hbm>> -> memref<1x128xi32, #tpu.memory_space<hbm>>
          %dma_wait3A_271 = tpu.memref_squeeze %dma_wait3A_270 : memref<1x128xi32, #tpu.memory_space<hbm>> -> memref<128xi32, #tpu.memory_space<hbm>>
          tpu.wait_dma2 semaphore(%arg14 : memref<!tpu.dma_semaphore, #tpu.memory_space<semaphore_mem>>) src(%dma_wait3A_271 : memref<128xi32, #tpu.memory_space<hbm>>) dst(%dma_wait3A_268 : memref<128xi32, #tpu.memory_space<vmem>>)
          %dma_wait3A_272 = arith.constant 0 : i32
          %dma_wait3A_273 = arith.constant 2 : i32
          %dma_wait3A_274 = arith.constant 0 : i32
          %dma_wait3A_275 = tpu.memref_slice %arg8[%dma_wait3A_273, %dma_wait3A_274] : memref<4x128xi32, #tpu.memory_space<vmem>> -> memref<1x128xi32, #tpu.memory_space<vmem>>
          %dma_wait3A_276 = tpu.memref_squeeze %dma_wait3A_275 : memref<1x128xi32, #tpu.memory_space<vmem>> -> memref<128xi32, #tpu.memory_space<vmem>>
          %dma_wait3A_277 = arith.constant 0 : i32
          %dma_wait3A_278 = tpu.memref_slice %arg4[%dma_wait3A_272, %dma_wait3A_277] : memref<2500x128xi32, #tpu.memory_space<hbm>> -> memref<1x128xi32, #tpu.memory_space<hbm>>
          %dma_wait3A_279 = tpu.memref_squeeze %dma_wait3A_278 : memref<1x128xi32, #tpu.memory_space<hbm>> -> memref<128xi32, #tpu.memory_space<hbm>>
          %dma_wait3A_280 = arith.constant 0 : i32
          %dma_wait3A_281 = tpu.memref_slice %arg8[%dma_wait3A_273, %dma_wait3A_280] : memref<4x128xi32, #tpu.memory_space<vmem>> -> memref<1x128xi32, #tpu.memory_space<vmem>>
          %dma_wait3A_282 = tpu.memref_squeeze %dma_wait3A_281 : memref<1x128xi32, #tpu.memory_space<vmem>> -> memref<128xi32, #tpu.memory_space<vmem>>
          %dma_wait3A_283 = arith.constant 0 : i32
          %dma_wait3A_284 = tpu.memref_slice %arg4[%dma_wait3A_272, %dma_wait3A_283] : memref<2500x128xi32, #tpu.memory_space<hbm>> -> memref<1x128xi32, #tpu.memory_space<hbm>>
          %dma_wait3A_285 = tpu.memref_squeeze %dma_wait3A_284 : memref<1x128xi32, #tpu.memory_space<hbm>> -> memref<128xi32, #tpu.memory_space<hbm>>
          tpu.wait_dma2 semaphore(%arg14 : memref<!tpu.dma_semaphore, #tpu.memory_space<semaphore_mem>>) src(%dma_wait3A_285 : memref<128xi32, #tpu.memory_space<hbm>>) dst(%dma_wait3A_282 : memref<128xi32, #tpu.memory_space<vmem>>)
          %dma_start3A_286 = arith.constant 2 : i32
          %dma_start3A_287 = arith.constant 0 : i32
          %dma_start3A_288 = tpu.memref_slice %arg7[%dma_start3A_286, %dma_start3A_287] : memref<4x128xi32, #tpu.memory_space<vmem>> -> memref<1x128xi32, #tpu.memory_space<vmem>>
          %dma_start3A_289 = tpu.memref_squeeze %dma_start3A_288 : memref<1x128xi32, #tpu.memory_space<vmem>> -> memref<128xi32, #tpu.memory_space<vmem>>
          %dma_start3A_290 = arith.constant 0 : i32
          %dma_start3A_291 = arith.constant 0 : i32
          %dma_start3A_292 = tpu.memref_slice %arg2[%dma_start3A_290, %dma_start3A_291] : memref<10112x128xf32, #tpu.memory_space<hbm>> -> memref<10112x128xf32, #tpu.memory_space<hbm>>
          tpu.enqueue_indirect_dma source(%dma_start3A_292 : memref<10112x128xf32, #tpu.memory_space<hbm>>) target(%arg9 : memref<128x128xf32, #tpu.memory_space<vmem>>) offsets(%dma_start3A_289 : memref<128xi32, #tpu.memory_space<vmem>>) semaphore(%arg16 : memref<!tpu.dma_semaphore, #tpu.memory_space<semaphore_mem>>)
        } else {
        }
      } else {
      }
      %mul3A_215 = arith.constant 4 : i32
      %mul3A_216 = arith.muli %add3A_207, %mul3A_215 : i32
      %add3A_217 = arith.constant 1 : i32
      %add3A_218 = arith.addi %mul3A_216, %add3A_217 : i32
      %lt3A_219 = arith.cmpi slt, %add3A_218, %add3A_9 : i32
      %convert_element_type3A_220 = arith.extui %lt3A_219 : i1 to i32
      %cond3A_221 = arith.constant 0 : i32
      %cond3A_222 = arith.cmpi ne, %convert_element_type3A_220, %cond3A_221 : i32
      scf.if %cond3A_222 {
        %dma_wait3A_239 = arith.constant 1 : i32
        %dma_wait3A_240 = arith.constant 0 : i32
        %dma_wait3A_241 = tpu.memref_slice %arg7[%dma_wait3A_239, %dma_wait3A_240] : memref<4x128xi32, #tpu.memory_space<vmem>> -> memref<1x128xi32, #tpu.memory_space<vmem>>
        %dma_wait3A_242 = tpu.memref_squeeze %dma_wait3A_241 : memref<1x128xi32, #tpu.memory_space<vmem>> -> memref<128xi32, #tpu.memory_space<vmem>>
        %dma_wait3A_243 = arith.constant 0 : i32
        %dma_wait3A_244 = arith.constant 0 : i32
        %dma_wait3A_245 = tpu.memref_slice %arg2[%dma_wait3A_243, %dma_wait3A_244] : memref<10112x128xf32, #tpu.memory_space<hbm>> -> memref<10112x128xf32, #tpu.memory_space<hbm>>
        tpu.wait_indirect_dma semaphore(%arg17 : memref<!tpu.dma_semaphore, #tpu.memory_space<semaphore_mem>>) src(%dma_wait3A_245 : memref<10112x128xf32, #tpu.memory_space<hbm>>) dst(%arg10 : memref<128x128xf32, #tpu.memory_space<vmem>>)
        %run_scoped3A = arith.constant 1 : i32
        "tpu.region"() ({
          %run_scoped3A_258 = tpu.sem_alloc : memref<!tpu.dma_semaphore, #tpu.memory_space<semaphore_mem>>
          %dma_start3A_259 = arith.constant 0 : i32
          %dma_start3A_260 = tpu.memref_slice %arg8[%run_scoped3A, %dma_start3A_259] : memref<4x128xi32, #tpu.memory_space<vmem>> -> memref<1x128xi32, #tpu.memory_space<vmem>>
          %dma_start3A_261 = tpu.memref_squeeze %dma_start3A_260 : memref<1x128xi32, #tpu.memory_space<vmem>> -> memref<128xi32, #tpu.memory_space<vmem>>
          %dma_start3A_262 = arith.constant 0 : i32
          %dma_start3A_263 = arith.constant 0 : i32
          %dma_start3A_264 = tpu.memref_slice %arg11[%dma_start3A_262, %dma_start3A_263] : memref<10112x128xf32, #tpu.memory_space<vmem_shared>> -> memref<10112x128xf32, #tpu.memory_space<vmem_shared>>
          tpu.enqueue_indirect_dma source(%arg10 : memref<128x128xf32, #tpu.memory_space<vmem>>) target(%dma_start3A_264 : memref<10112x128xf32, #tpu.memory_space<vmem_shared>>) offsets(%dma_start3A_261 : memref<128xi32, #tpu.memory_space<vmem>>) semaphore(%run_scoped3A_258 : memref<!tpu.dma_semaphore, #tpu.memory_space<semaphore_mem>>) {add = true}
          %dma_wait3A_265 = arith.constant 0 : i32
          %dma_wait3A_266 = tpu.memref_slice %arg8[%run_scoped3A, %dma_wait3A_265] : memref<4x128xi32, #tpu.memory_space<vmem>> -> memref<1x128xi32, #tpu.memory_space<vmem>>
          %dma_wait3A_267 = tpu.memref_squeeze %dma_wait3A_266 : memref<1x128xi32, #tpu.memory_space<vmem>> -> memref<128xi32, #tpu.memory_space<vmem>>
          %dma_wait3A_268 = arith.constant 0 : i32
          %dma_wait3A_269 = arith.constant 0 : i32
          %dma_wait3A_270 = tpu.memref_slice %arg11[%dma_wait3A_268, %dma_wait3A_269] : memref<10112x128xf32, #tpu.memory_space<vmem_shared>> -> memref<10112x128xf32, #tpu.memory_space<vmem_shared>>
          tpu.wait_indirect_dma semaphore(%run_scoped3A_258 : memref<!tpu.dma_semaphore, #tpu.memory_space<semaphore_mem>>) src(%arg10 : memref<128x128xf32, #tpu.memory_space<vmem>>) dst(%dma_wait3A_270 : memref<10112x128xf32, #tpu.memory_space<vmem_shared>>)
          tpu.yield
        }) : () -> ()
        %add3A_246 = arith.constant 4 : i32
        %add3A_247 = arith.addi %add3A_218, %add3A_246 : i32
        %lt3A_248 = arith.cmpi slt, %add3A_247, %add3A_9 : i32
        %convert_element_type3A_249 = arith.extui %lt3A_248 : i1 to i32
        %cond3A_250 = arith.constant 0 : i32
        %cond3A_251 = arith.cmpi ne, %convert_element_type3A_249, %cond3A_250 : i32
        scf.if %cond3A_251 {
          %add3A_258 = arith.addi %add3A_6, %add3A_247 : i32
          %dma_start3A_259 = arith.constant 1 : i32
          %dma_start3A_260 = arith.constant 0 : i32
          %dma_start3A_261 = tpu.memref_slice %arg7[%dma_start3A_259, %dma_start3A_260] : memref<4x128xi32, #tpu.memory_space<vmem>> -> memref<1x128xi32, #tpu.memory_space<vmem>>
          %dma_start3A_262 = tpu.memref_squeeze %dma_start3A_261 : memref<1x128xi32, #tpu.memory_space<vmem>> -> memref<128xi32, #tpu.memory_space<vmem>>
          %dma_start3A_263 = arith.constant 0 : i32
          %dma_start3A_264 = tpu.memref_slice %arg3[%add3A_258, %dma_start3A_263] : memref<2500x128xi32, #tpu.memory_space<hbm>> -> memref<1x128xi32, #tpu.memory_space<hbm>>
          %dma_start3A_265 = tpu.memref_squeeze %dma_start3A_264 : memref<1x128xi32, #tpu.memory_space<hbm>> -> memref<128xi32, #tpu.memory_space<hbm>>
          %dma_start3A_266 = arith.constant 0 : i32
          %dma_start3A_267 = tpu.memref_slice %arg7[%dma_start3A_259, %dma_start3A_266] : memref<4x128xi32, #tpu.memory_space<vmem>> -> memref<1x128xi32, #tpu.memory_space<vmem>>
          %dma_start3A_268 = tpu.memref_squeeze %dma_start3A_267 : memref<1x128xi32, #tpu.memory_space<vmem>> -> memref<128xi32, #tpu.memory_space<vmem>>
          %dma_start3A_269 = arith.constant 0 : i32
          %dma_start3A_270 = tpu.memref_slice %arg3[%add3A_258, %dma_start3A_269] : memref<2500x128xi32, #tpu.memory_space<hbm>> -> memref<1x128xi32, #tpu.memory_space<hbm>>
          %dma_start3A_271 = tpu.memref_squeeze %dma_start3A_270 : memref<1x128xi32, #tpu.memory_space<hbm>> -> memref<128xi32, #tpu.memory_space<hbm>>
          tpu.enqueue_dma source(%dma_start3A_271 : memref<128xi32, #tpu.memory_space<hbm>>) target(%dma_start3A_268 : memref<128xi32, #tpu.memory_space<vmem>>) target_semaphore(%arg13 : memref<!tpu.dma_semaphore, #tpu.memory_space<semaphore_mem>>)
          %add3A_272 = arith.addi %add3A_6, %add3A_247 : i32
          %dma_start3A_273 = arith.constant 1 : i32
          %dma_start3A_274 = arith.constant 0 : i32
          %dma_start3A_275 = tpu.memref_slice %arg8[%dma_start3A_273, %dma_start3A_274] : memref<4x128xi32, #tpu.memory_space<vmem>> -> memref<1x128xi32, #tpu.memory_space<vmem>>
          %dma_start3A_276 = tpu.memref_squeeze %dma_start3A_275 : memref<1x128xi32, #tpu.memory_space<vmem>> -> memref<128xi32, #tpu.memory_space<vmem>>
          %dma_start3A_277 = arith.constant 0 : i32
          %dma_start3A_278 = tpu.memref_slice %arg4[%add3A_272, %dma_start3A_277] : memref<2500x128xi32, #tpu.memory_space<hbm>> -> memref<1x128xi32, #tpu.memory_space<hbm>>
          %dma_start3A_279 = tpu.memref_squeeze %dma_start3A_278 : memref<1x128xi32, #tpu.memory_space<hbm>> -> memref<128xi32, #tpu.memory_space<hbm>>
          %dma_start3A_280 = arith.constant 0 : i32
          %dma_start3A_281 = tpu.memref_slice %arg8[%dma_start3A_273, %dma_start3A_280] : memref<4x128xi32, #tpu.memory_space<vmem>> -> memref<1x128xi32, #tpu.memory_space<vmem>>
          %dma_start3A_282 = tpu.memref_squeeze %dma_start3A_281 : memref<1x128xi32, #tpu.memory_space<vmem>> -> memref<128xi32, #tpu.memory_space<vmem>>
          %dma_start3A_283 = arith.constant 0 : i32
          %dma_start3A_284 = tpu.memref_slice %arg4[%add3A_272, %dma_start3A_283] : memref<2500x128xi32, #tpu.memory_space<hbm>> -> memref<1x128xi32, #tpu.memory_space<hbm>>
          %dma_start3A_285 = tpu.memref_squeeze %dma_start3A_284 : memref<1x128xi32, #tpu.memory_space<hbm>> -> memref<128xi32, #tpu.memory_space<hbm>>
          tpu.enqueue_dma source(%dma_start3A_285 : memref<128xi32, #tpu.memory_space<hbm>>) target(%dma_start3A_282 : memref<128xi32, #tpu.memory_space<vmem>>) target_semaphore(%arg13 : memref<!tpu.dma_semaphore, #tpu.memory_space<semaphore_mem>>)
        } else {
        }
        %add3A_252 = arith.constant 2 : i32
        %add3A_253 = arith.addi %add3A_218, %add3A_252 : i32
        %lt3A_254 = arith.cmpi slt, %add3A_253, %add3A_9 : i32
        %convert_element_type3A_255 = arith.extui %lt3A_254 : i1 to i32
        %cond3A_256 = arith.constant 0 : i32
        %cond3A_257 = arith.cmpi ne, %convert_element_type3A_255, %cond3A_256 : i32
        scf.if %cond3A_257 {
          %dma_wait3A_258 = arith.constant 0 : i32
          %dma_wait3A_259 = arith.constant 3 : i32
          %dma_wait3A_260 = arith.constant 0 : i32
          %dma_wait3A_261 = tpu.memref_slice %arg7[%dma_wait3A_259, %dma_wait3A_260] : memref<4x128xi32, #tpu.memory_space<vmem>> -> memref<1x128xi32, #tpu.memory_space<vmem>>
          %dma_wait3A_262 = tpu.memref_squeeze %dma_wait3A_261 : memref<1x128xi32, #tpu.memory_space<vmem>> -> memref<128xi32, #tpu.memory_space<vmem>>
          %dma_wait3A_263 = arith.constant 0 : i32
          %dma_wait3A_264 = tpu.memref_slice %arg3[%dma_wait3A_258, %dma_wait3A_263] : memref<2500x128xi32, #tpu.memory_space<hbm>> -> memref<1x128xi32, #tpu.memory_space<hbm>>
          %dma_wait3A_265 = tpu.memref_squeeze %dma_wait3A_264 : memref<1x128xi32, #tpu.memory_space<hbm>> -> memref<128xi32, #tpu.memory_space<hbm>>
          %dma_wait3A_266 = arith.constant 0 : i32
          %dma_wait3A_267 = tpu.memref_slice %arg7[%dma_wait3A_259, %dma_wait3A_266] : memref<4x128xi32, #tpu.memory_space<vmem>> -> memref<1x128xi32, #tpu.memory_space<vmem>>
          %dma_wait3A_268 = tpu.memref_squeeze %dma_wait3A_267 : memref<1x128xi32, #tpu.memory_space<vmem>> -> memref<128xi32, #tpu.memory_space<vmem>>
          %dma_wait3A_269 = arith.constant 0 : i32
          %dma_wait3A_270 = tpu.memref_slice %arg3[%dma_wait3A_258, %dma_wait3A_269] : memref<2500x128xi32, #tpu.memory_space<hbm>> -> memref<1x128xi32, #tpu.memory_space<hbm>>
          %dma_wait3A_271 = tpu.memref_squeeze %dma_wait3A_270 : memref<1x128xi32, #tpu.memory_space<hbm>> -> memref<128xi32, #tpu.memory_space<hbm>>
          tpu.wait_dma2 semaphore(%arg15 : memref<!tpu.dma_semaphore, #tpu.memory_space<semaphore_mem>>) src(%dma_wait3A_271 : memref<128xi32, #tpu.memory_space<hbm>>) dst(%dma_wait3A_268 : memref<128xi32, #tpu.memory_space<vmem>>)
          %dma_wait3A_272 = arith.constant 0 : i32
          %dma_wait3A_273 = arith.constant 3 : i32
          %dma_wait3A_274 = arith.constant 0 : i32
          %dma_wait3A_275 = tpu.memref_slice %arg8[%dma_wait3A_273, %dma_wait3A_274] : memref<4x128xi32, #tpu.memory_space<vmem>> -> memref<1x128xi32, #tpu.memory_space<vmem>>
          %dma_wait3A_276 = tpu.memref_squeeze %dma_wait3A_275 : memref<1x128xi32, #tpu.memory_space<vmem>> -> memref<128xi32, #tpu.memory_space<vmem>>
          %dma_wait3A_277 = arith.constant 0 : i32
          %dma_wait3A_278 = tpu.memref_slice %arg4[%dma_wait3A_272, %dma_wait3A_277] : memref<2500x128xi32, #tpu.memory_space<hbm>> -> memref<1x128xi32, #tpu.memory_space<hbm>>
          %dma_wait3A_279 = tpu.memref_squeeze %dma_wait3A_278 : memref<1x128xi32, #tpu.memory_space<hbm>> -> memref<128xi32, #tpu.memory_space<hbm>>
          %dma_wait3A_280 = arith.constant 0 : i32
          %dma_wait3A_281 = tpu.memref_slice %arg8[%dma_wait3A_273, %dma_wait3A_280] : memref<4x128xi32, #tpu.memory_space<vmem>> -> memref<1x128xi32, #tpu.memory_space<vmem>>
          %dma_wait3A_282 = tpu.memref_squeeze %dma_wait3A_281 : memref<1x128xi32, #tpu.memory_space<vmem>> -> memref<128xi32, #tpu.memory_space<vmem>>
          %dma_wait3A_283 = arith.constant 0 : i32
          %dma_wait3A_284 = tpu.memref_slice %arg4[%dma_wait3A_272, %dma_wait3A_283] : memref<2500x128xi32, #tpu.memory_space<hbm>> -> memref<1x128xi32, #tpu.memory_space<hbm>>
          %dma_wait3A_285 = tpu.memref_squeeze %dma_wait3A_284 : memref<1x128xi32, #tpu.memory_space<hbm>> -> memref<128xi32, #tpu.memory_space<hbm>>
          tpu.wait_dma2 semaphore(%arg15 : memref<!tpu.dma_semaphore, #tpu.memory_space<semaphore_mem>>) src(%dma_wait3A_285 : memref<128xi32, #tpu.memory_space<hbm>>) dst(%dma_wait3A_282 : memref<128xi32, #tpu.memory_space<vmem>>)
          %dma_start3A_286 = arith.constant 3 : i32
          %dma_start3A_287 = arith.constant 0 : i32
          %dma_start3A_288 = tpu.memref_slice %arg7[%dma_start3A_286, %dma_start3A_287] : memref<4x128xi32, #tpu.memory_space<vmem>> -> memref<1x128xi32, #tpu.memory_space<vmem>>
          %dma_start3A_289 = tpu.memref_squeeze %dma_start3A_288 : memref<1x128xi32, #tpu.memory_space<vmem>> -> memref<128xi32, #tpu.memory_space<vmem>>
          %dma_start3A_290 = arith.constant 0 : i32
          %dma_start3A_291 = arith.constant 0 : i32
          %dma_start3A_292 = tpu.memref_slice %arg2[%dma_start3A_290, %dma_start3A_291] : memref<10112x128xf32, #tpu.memory_space<hbm>> -> memref<10112x128xf32, #tpu.memory_space<hbm>>
          tpu.enqueue_indirect_dma source(%dma_start3A_292 : memref<10112x128xf32, #tpu.memory_space<hbm>>) target(%arg10 : memref<128x128xf32, #tpu.memory_space<vmem>>) offsets(%dma_start3A_289 : memref<128xi32, #tpu.memory_space<vmem>>) semaphore(%arg17 : memref<!tpu.dma_semaphore, #tpu.memory_space<semaphore_mem>>)
        } else {
        }
      } else {
      }
      %mul3A_223 = arith.constant 4 : i32
      %mul3A_224 = arith.muli %add3A_207, %mul3A_223 : i32
      %add3A_225 = arith.constant 2 : i32
      %add3A_226 = arith.addi %mul3A_224, %add3A_225 : i32
      %lt3A_227 = arith.cmpi slt, %add3A_226, %add3A_9 : i32
      %convert_element_type3A_228 = arith.extui %lt3A_227 : i1 to i32
      %cond3A_229 = arith.constant 0 : i32
      %cond3A_230 = arith.cmpi ne, %convert_element_type3A_228, %cond3A_229 : i32
      scf.if %cond3A_230 {
        %dma_wait3A_239 = arith.constant 2 : i32
        %dma_wait3A_240 = arith.constant 0 : i32
        %dma_wait3A_241 = tpu.memref_slice %arg7[%dma_wait3A_239, %dma_wait3A_240] : memref<4x128xi32, #tpu.memory_space<vmem>> -> memref<1x128xi32, #tpu.memory_space<vmem>>
        %dma_wait3A_242 = tpu.memref_squeeze %dma_wait3A_241 : memref<1x128xi32, #tpu.memory_space<vmem>> -> memref<128xi32, #tpu.memory_space<vmem>>
        %dma_wait3A_243 = arith.constant 0 : i32
        %dma_wait3A_244 = arith.constant 0 : i32
        %dma_wait3A_245 = tpu.memref_slice %arg2[%dma_wait3A_243, %dma_wait3A_244] : memref<10112x128xf32, #tpu.memory_space<hbm>> -> memref<10112x128xf32, #tpu.memory_space<hbm>>
        tpu.wait_indirect_dma semaphore(%arg16 : memref<!tpu.dma_semaphore, #tpu.memory_space<semaphore_mem>>) src(%dma_wait3A_245 : memref<10112x128xf32, #tpu.memory_space<hbm>>) dst(%arg9 : memref<128x128xf32, #tpu.memory_space<vmem>>)
        %run_scoped3A = arith.constant 2 : i32
        "tpu.region"() ({
          %run_scoped3A_258 = tpu.sem_alloc : memref<!tpu.dma_semaphore, #tpu.memory_space<semaphore_mem>>
          %dma_start3A_259 = arith.constant 0 : i32
          %dma_start3A_260 = tpu.memref_slice %arg8[%run_scoped3A, %dma_start3A_259] : memref<4x128xi32, #tpu.memory_space<vmem>> -> memref<1x128xi32, #tpu.memory_space<vmem>>
          %dma_start3A_261 = tpu.memref_squeeze %dma_start3A_260 : memref<1x128xi32, #tpu.memory_space<vmem>> -> memref<128xi32, #tpu.memory_space<vmem>>
          %dma_start3A_262 = arith.constant 0 : i32
          %dma_start3A_263 = arith.constant 0 : i32
          %dma_start3A_264 = tpu.memref_slice %arg11[%dma_start3A_262, %dma_start3A_263] : memref<10112x128xf32, #tpu.memory_space<vmem_shared>> -> memref<10112x128xf32, #tpu.memory_space<vmem_shared>>
          tpu.enqueue_indirect_dma source(%arg9 : memref<128x128xf32, #tpu.memory_space<vmem>>) target(%dma_start3A_264 : memref<10112x128xf32, #tpu.memory_space<vmem_shared>>) offsets(%dma_start3A_261 : memref<128xi32, #tpu.memory_space<vmem>>) semaphore(%run_scoped3A_258 : memref<!tpu.dma_semaphore, #tpu.memory_space<semaphore_mem>>) {add = true}
          %dma_wait3A_265 = arith.constant 0 : i32
          %dma_wait3A_266 = tpu.memref_slice %arg8[%run_scoped3A, %dma_wait3A_265] : memref<4x128xi32, #tpu.memory_space<vmem>> -> memref<1x128xi32, #tpu.memory_space<vmem>>
          %dma_wait3A_267 = tpu.memref_squeeze %dma_wait3A_266 : memref<1x128xi32, #tpu.memory_space<vmem>> -> memref<128xi32, #tpu.memory_space<vmem>>
          %dma_wait3A_268 = arith.constant 0 : i32
          %dma_wait3A_269 = arith.constant 0 : i32
          %dma_wait3A_270 = tpu.memref_slice %arg11[%dma_wait3A_268, %dma_wait3A_269] : memref<10112x128xf32, #tpu.memory_space<vmem_shared>> -> memref<10112x128xf32, #tpu.memory_space<vmem_shared>>
          tpu.wait_indirect_dma semaphore(%run_scoped3A_258 : memref<!tpu.dma_semaphore, #tpu.memory_space<semaphore_mem>>) src(%arg9 : memref<128x128xf32, #tpu.memory_space<vmem>>) dst(%dma_wait3A_270 : memref<10112x128xf32, #tpu.memory_space<vmem_shared>>)
          tpu.yield
        }) : () -> ()
        %add3A_246 = arith.constant 4 : i32
        %add3A_247 = arith.addi %add3A_226, %add3A_246 : i32
        %lt3A_248 = arith.cmpi slt, %add3A_247, %add3A_9 : i32
        %convert_element_type3A_249 = arith.extui %lt3A_248 : i1 to i32
        %cond3A_250 = arith.constant 0 : i32
        %cond3A_251 = arith.cmpi ne, %convert_element_type3A_249, %cond3A_250 : i32
        scf.if %cond3A_251 {
          %add3A_258 = arith.addi %add3A_6, %add3A_247 : i32
          %dma_start3A_259 = arith.constant 2 : i32
          %dma_start3A_260 = arith.constant 0 : i32
          %dma_start3A_261 = tpu.memref_slice %arg7[%dma_start3A_259, %dma_start3A_260] : memref<4x128xi32, #tpu.memory_space<vmem>> -> memref<1x128xi32, #tpu.memory_space<vmem>>
          %dma_start3A_262 = tpu.memref_squeeze %dma_start3A_261 : memref<1x128xi32, #tpu.memory_space<vmem>> -> memref<128xi32, #tpu.memory_space<vmem>>
          %dma_start3A_263 = arith.constant 0 : i32
          %dma_start3A_264 = tpu.memref_slice %arg3[%add3A_258, %dma_start3A_263] : memref<2500x128xi32, #tpu.memory_space<hbm>> -> memref<1x128xi32, #tpu.memory_space<hbm>>
          %dma_start3A_265 = tpu.memref_squeeze %dma_start3A_264 : memref<1x128xi32, #tpu.memory_space<hbm>> -> memref<128xi32, #tpu.memory_space<hbm>>
          %dma_start3A_266 = arith.constant 0 : i32
          %dma_start3A_267 = tpu.memref_slice %arg7[%dma_start3A_259, %dma_start3A_266] : memref<4x128xi32, #tpu.memory_space<vmem>> -> memref<1x128xi32, #tpu.memory_space<vmem>>
          %dma_start3A_268 = tpu.memref_squeeze %dma_start3A_267 : memref<1x128xi32, #tpu.memory_space<vmem>> -> memref<128xi32, #tpu.memory_space<vmem>>
          %dma_start3A_269 = arith.constant 0 : i32
          %dma_start3A_270 = tpu.memref_slice %arg3[%add3A_258, %dma_start3A_269] : memref<2500x128xi32, #tpu.memory_space<hbm>> -> memref<1x128xi32, #tpu.memory_space<hbm>>
          %dma_start3A_271 = tpu.memref_squeeze %dma_start3A_270 : memref<1x128xi32, #tpu.memory_space<hbm>> -> memref<128xi32, #tpu.memory_space<hbm>>
          tpu.enqueue_dma source(%dma_start3A_271 : memref<128xi32, #tpu.memory_space<hbm>>) target(%dma_start3A_268 : memref<128xi32, #tpu.memory_space<vmem>>) target_semaphore(%arg14 : memref<!tpu.dma_semaphore, #tpu.memory_space<semaphore_mem>>)
          %add3A_272 = arith.addi %add3A_6, %add3A_247 : i32
          %dma_start3A_273 = arith.constant 2 : i32
          %dma_start3A_274 = arith.constant 0 : i32
          %dma_start3A_275 = tpu.memref_slice %arg8[%dma_start3A_273, %dma_start3A_274] : memref<4x128xi32, #tpu.memory_space<vmem>> -> memref<1x128xi32, #tpu.memory_space<vmem>>
          %dma_start3A_276 = tpu.memref_squeeze %dma_start3A_275 : memref<1x128xi32, #tpu.memory_space<vmem>> -> memref<128xi32, #tpu.memory_space<vmem>>
          %dma_start3A_277 = arith.constant 0 : i32
          %dma_start3A_278 = tpu.memref_slice %arg4[%add3A_272, %dma_start3A_277] : memref<2500x128xi32, #tpu.memory_space<hbm>> -> memref<1x128xi32, #tpu.memory_space<hbm>>
          %dma_start3A_279 = tpu.memref_squeeze %dma_start3A_278 : memref<1x128xi32, #tpu.memory_space<hbm>> -> memref<128xi32, #tpu.memory_space<hbm>>
          %dma_start3A_280 = arith.constant 0 : i32
          %dma_start3A_281 = tpu.memref_slice %arg8[%dma_start3A_273, %dma_start3A_280] : memref<4x128xi32, #tpu.memory_space<vmem>> -> memref<1x128xi32, #tpu.memory_space<vmem>>
          %dma_start3A_282 = tpu.memref_squeeze %dma_start3A_281 : memref<1x128xi32, #tpu.memory_space<vmem>> -> memref<128xi32, #tpu.memory_space<vmem>>
          %dma_start3A_283 = arith.constant 0 : i32
          %dma_start3A_284 = tpu.memref_slice %arg4[%add3A_272, %dma_start3A_283] : memref<2500x128xi32, #tpu.memory_space<hbm>> -> memref<1x128xi32, #tpu.memory_space<hbm>>
          %dma_start3A_285 = tpu.memref_squeeze %dma_start3A_284 : memref<1x128xi32, #tpu.memory_space<hbm>> -> memref<128xi32, #tpu.memory_space<hbm>>
          tpu.enqueue_dma source(%dma_start3A_285 : memref<128xi32, #tpu.memory_space<hbm>>) target(%dma_start3A_282 : memref<128xi32, #tpu.memory_space<vmem>>) target_semaphore(%arg14 : memref<!tpu.dma_semaphore, #tpu.memory_space<semaphore_mem>>)
        } else {
        }
        %add3A_252 = arith.constant 2 : i32
        %add3A_253 = arith.addi %add3A_226, %add3A_252 : i32
        %lt3A_254 = arith.cmpi slt, %add3A_253, %add3A_9 : i32
        %convert_element_type3A_255 = arith.extui %lt3A_254 : i1 to i32
        %cond3A_256 = arith.constant 0 : i32
        %cond3A_257 = arith.cmpi ne, %convert_element_type3A_255, %cond3A_256 : i32
        scf.if %cond3A_257 {
          %dma_wait3A_258 = arith.constant 0 : i32
          %dma_wait3A_259 = arith.constant 0 : i32
          %dma_wait3A_260 = arith.constant 0 : i32
          %dma_wait3A_261 = tpu.memref_slice %arg7[%dma_wait3A_259, %dma_wait3A_260] : memref<4x128xi32, #tpu.memory_space<vmem>> -> memref<1x128xi32, #tpu.memory_space<vmem>>
          %dma_wait3A_262 = tpu.memref_squeeze %dma_wait3A_261 : memref<1x128xi32, #tpu.memory_space<vmem>> -> memref<128xi32, #tpu.memory_space<vmem>>
          %dma_wait3A_263 = arith.constant 0 : i32
          %dma_wait3A_264 = tpu.memref_slice %arg3[%dma_wait3A_258, %dma_wait3A_263] : memref<2500x128xi32, #tpu.memory_space<hbm>> -> memref<1x128xi32, #tpu.memory_space<hbm>>
          %dma_wait3A_265 = tpu.memref_squeeze %dma_wait3A_264 : memref<1x128xi32, #tpu.memory_space<hbm>> -> memref<128xi32, #tpu.memory_space<hbm>>
          %dma_wait3A_266 = arith.constant 0 : i32
          %dma_wait3A_267 = tpu.memref_slice %arg7[%dma_wait3A_259, %dma_wait3A_266] : memref<4x128xi32, #tpu.memory_space<vmem>> -> memref<1x128xi32, #tpu.memory_space<vmem>>
          %dma_wait3A_268 = tpu.memref_squeeze %dma_wait3A_267 : memref<1x128xi32, #tpu.memory_space<vmem>> -> memref<128xi32, #tpu.memory_space<vmem>>
          %dma_wait3A_269 = arith.constant 0 : i32
          %dma_wait3A_270 = tpu.memref_slice %arg3[%dma_wait3A_258, %dma_wait3A_269] : memref<2500x128xi32, #tpu.memory_space<hbm>> -> memref<1x128xi32, #tpu.memory_space<hbm>>
          %dma_wait3A_271 = tpu.memref_squeeze %dma_wait3A_270 : memref<1x128xi32, #tpu.memory_space<hbm>> -> memref<128xi32, #tpu.memory_space<hbm>>
          tpu.wait_dma2 semaphore(%arg12 : memref<!tpu.dma_semaphore, #tpu.memory_space<semaphore_mem>>) src(%dma_wait3A_271 : memref<128xi32, #tpu.memory_space<hbm>>) dst(%dma_wait3A_268 : memref<128xi32, #tpu.memory_space<vmem>>)
          %dma_wait3A_272 = arith.constant 0 : i32
          %dma_wait3A_273 = arith.constant 0 : i32
          %dma_wait3A_274 = arith.constant 0 : i32
          %dma_wait3A_275 = tpu.memref_slice %arg8[%dma_wait3A_273, %dma_wait3A_274] : memref<4x128xi32, #tpu.memory_space<vmem>> -> memref<1x128xi32, #tpu.memory_space<vmem>>
          %dma_wait3A_276 = tpu.memref_squeeze %dma_wait3A_275 : memref<1x128xi32, #tpu.memory_space<vmem>> -> memref<128xi32, #tpu.memory_space<vmem>>
          %dma_wait3A_277 = arith.constant 0 : i32
          %dma_wait3A_278 = tpu.memref_slice %arg4[%dma_wait3A_272, %dma_wait3A_277] : memref<2500x128xi32, #tpu.memory_space<hbm>> -> memref<1x128xi32, #tpu.memory_space<hbm>>
          %dma_wait3A_279 = tpu.memref_squeeze %dma_wait3A_278 : memref<1x128xi32, #tpu.memory_space<hbm>> -> memref<128xi32, #tpu.memory_space<hbm>>
          %dma_wait3A_280 = arith.constant 0 : i32
          %dma_wait3A_281 = tpu.memref_slice %arg8[%dma_wait3A_273, %dma_wait3A_280] : memref<4x128xi32, #tpu.memory_space<vmem>> -> memref<1x128xi32, #tpu.memory_space<vmem>>
          %dma_wait3A_282 = tpu.memref_squeeze %dma_wait3A_281 : memref<1x128xi32, #tpu.memory_space<vmem>> -> memref<128xi32, #tpu.memory_space<vmem>>
          %dma_wait3A_283 = arith.constant 0 : i32
          %dma_wait3A_284 = tpu.memref_slice %arg4[%dma_wait3A_272, %dma_wait3A_283] : memref<2500x128xi32, #tpu.memory_space<hbm>> -> memref<1x128xi32, #tpu.memory_space<hbm>>
          %dma_wait3A_285 = tpu.memref_squeeze %dma_wait3A_284 : memref<1x128xi32, #tpu.memory_space<hbm>> -> memref<128xi32, #tpu.memory_space<hbm>>
          tpu.wait_dma2 semaphore(%arg12 : memref<!tpu.dma_semaphore, #tpu.memory_space<semaphore_mem>>) src(%dma_wait3A_285 : memref<128xi32, #tpu.memory_space<hbm>>) dst(%dma_wait3A_282 : memref<128xi32, #tpu.memory_space<vmem>>)
          %dma_start3A_286 = arith.constant 0 : i32
          %dma_start3A_287 = arith.constant 0 : i32
          %dma_start3A_288 = tpu.memref_slice %arg7[%dma_start3A_286, %dma_start3A_287] : memref<4x128xi32, #tpu.memory_space<vmem>> -> memref<1x128xi32, #tpu.memory_space<vmem>>
          %dma_start3A_289 = tpu.memref_squeeze %dma_start3A_288 : memref<1x128xi32, #tpu.memory_space<vmem>> -> memref<128xi32, #tpu.memory_space<vmem>>
          %dma_start3A_290 = arith.constant 0 : i32
          %dma_start3A_291 = arith.constant 0 : i32
          %dma_start3A_292 = tpu.memref_slice %arg2[%dma_start3A_290, %dma_start3A_291] : memref<10112x128xf32, #tpu.memory_space<hbm>> -> memref<10112x128xf32, #tpu.memory_space<hbm>>
          tpu.enqueue_indirect_dma source(%dma_start3A_292 : memref<10112x128xf32, #tpu.memory_space<hbm>>) target(%arg9 : memref<128x128xf32, #tpu.memory_space<vmem>>) offsets(%dma_start3A_289 : memref<128xi32, #tpu.memory_space<vmem>>) semaphore(%arg16 : memref<!tpu.dma_semaphore, #tpu.memory_space<semaphore_mem>>)
        } else {
        }
      } else {
      }
      %mul3A_231 = arith.constant 4 : i32
      %mul3A_232 = arith.muli %add3A_207, %mul3A_231 : i32
      %add3A_233 = arith.constant 3 : i32
      %add3A_234 = arith.addi %mul3A_232, %add3A_233 : i32
      %lt3A_235 = arith.cmpi slt, %add3A_234, %add3A_9 : i32
      %convert_element_type3A_236 = arith.extui %lt3A_235 : i1 to i32
      %cond3A_237 = arith.constant 0 : i32
      %cond3A_238 = arith.cmpi ne, %convert_element_type3A_236, %cond3A_237 : i32
      scf.if %cond3A_238 {
        %dma_wait3A_239 = arith.constant 3 : i32
        %dma_wait3A_240 = arith.constant 0 : i32
        %dma_wait3A_241 = tpu.memref_slice %arg7[%dma_wait3A_239, %dma_wait3A_240] : memref<4x128xi32, #tpu.memory_space<vmem>> -> memref<1x128xi32, #tpu.memory_space<vmem>>
        %dma_wait3A_242 = tpu.memref_squeeze %dma_wait3A_241 : memref<1x128xi32, #tpu.memory_space<vmem>> -> memref<128xi32, #tpu.memory_space<vmem>>
        %dma_wait3A_243 = arith.constant 0 : i32
        %dma_wait3A_244 = arith.constant 0 : i32
        %dma_wait3A_245 = tpu.memref_slice %arg2[%dma_wait3A_243, %dma_wait3A_244] : memref<10112x128xf32, #tpu.memory_space<hbm>> -> memref<10112x128xf32, #tpu.memory_space<hbm>>
        tpu.wait_indirect_dma semaphore(%arg17 : memref<!tpu.dma_semaphore, #tpu.memory_space<semaphore_mem>>) src(%dma_wait3A_245 : memref<10112x128xf32, #tpu.memory_space<hbm>>) dst(%arg10 : memref<128x128xf32, #tpu.memory_space<vmem>>)
        %run_scoped3A = arith.constant 3 : i32
        "tpu.region"() ({
          %run_scoped3A_258 = tpu.sem_alloc : memref<!tpu.dma_semaphore, #tpu.memory_space<semaphore_mem>>
          %dma_start3A_259 = arith.constant 0 : i32
          %dma_start3A_260 = tpu.memref_slice %arg8[%run_scoped3A, %dma_start3A_259] : memref<4x128xi32, #tpu.memory_space<vmem>> -> memref<1x128xi32, #tpu.memory_space<vmem>>
          %dma_start3A_261 = tpu.memref_squeeze %dma_start3A_260 : memref<1x128xi32, #tpu.memory_space<vmem>> -> memref<128xi32, #tpu.memory_space<vmem>>
          %dma_start3A_262 = arith.constant 0 : i32
          %dma_start3A_263 = arith.constant 0 : i32
          %dma_start3A_264 = tpu.memref_slice %arg11[%dma_start3A_262, %dma_start3A_263] : memref<10112x128xf32, #tpu.memory_space<vmem_shared>> -> memref<10112x128xf32, #tpu.memory_space<vmem_shared>>
          tpu.enqueue_indirect_dma source(%arg10 : memref<128x128xf32, #tpu.memory_space<vmem>>) target(%dma_start3A_264 : memref<10112x128xf32, #tpu.memory_space<vmem_shared>>) offsets(%dma_start3A_261 : memref<128xi32, #tpu.memory_space<vmem>>) semaphore(%run_scoped3A_258 : memref<!tpu.dma_semaphore, #tpu.memory_space<semaphore_mem>>) {add = true}
          %dma_wait3A_265 = arith.constant 0 : i32
          %dma_wait3A_266 = tpu.memref_slice %arg8[%run_scoped3A, %dma_wait3A_265] : memref<4x128xi32, #tpu.memory_space<vmem>> -> memref<1x128xi32, #tpu.memory_space<vmem>>
          %dma_wait3A_267 = tpu.memref_squeeze %dma_wait3A_266 : memref<1x128xi32, #tpu.memory_space<vmem>> -> memref<128xi32, #tpu.memory_space<vmem>>
          %dma_wait3A_268 = arith.constant 0 : i32
          %dma_wait3A_269 = arith.constant 0 : i32
          %dma_wait3A_270 = tpu.memref_slice %arg11[%dma_wait3A_268, %dma_wait3A_269] : memref<10112x128xf32, #tpu.memory_space<vmem_shared>> -> memref<10112x128xf32, #tpu.memory_space<vmem_shared>>
          tpu.wait_indirect_dma semaphore(%run_scoped3A_258 : memref<!tpu.dma_semaphore, #tpu.memory_space<semaphore_mem>>) src(%arg10 : memref<128x128xf32, #tpu.memory_space<vmem>>) dst(%dma_wait3A_270 : memref<10112x128xf32, #tpu.memory_space<vmem_shared>>)
          tpu.yield
        }) : () -> ()
        %add3A_246 = arith.constant 4 : i32
        %add3A_247 = arith.addi %add3A_234, %add3A_246 : i32
        %lt3A_248 = arith.cmpi slt, %add3A_247, %add3A_9 : i32
        %convert_element_type3A_249 = arith.extui %lt3A_248 : i1 to i32
        %cond3A_250 = arith.constant 0 : i32
        %cond3A_251 = arith.cmpi ne, %convert_element_type3A_249, %cond3A_250 : i32
        scf.if %cond3A_251 {
          %add3A_258 = arith.addi %add3A_6, %add3A_247 : i32
          %dma_start3A_259 = arith.constant 3 : i32
          %dma_start3A_260 = arith.constant 0 : i32
          %dma_start3A_261 = tpu.memref_slice %arg7[%dma_start3A_259, %dma_start3A_260] : memref<4x128xi32, #tpu.memory_space<vmem>> -> memref<1x128xi32, #tpu.memory_space<vmem>>
          %dma_start3A_262 = tpu.memref_squeeze %dma_start3A_261 : memref<1x128xi32, #tpu.memory_space<vmem>> -> memref<128xi32, #tpu.memory_space<vmem>>
          %dma_start3A_263 = arith.constant 0 : i32
          %dma_start3A_264 = tpu.memref_slice %arg3[%add3A_258, %dma_start3A_263] : memref<2500x128xi32, #tpu.memory_space<hbm>> -> memref<1x128xi32, #tpu.memory_space<hbm>>
          %dma_start3A_265 = tpu.memref_squeeze %dma_start3A_264 : memref<1x128xi32, #tpu.memory_space<hbm>> -> memref<128xi32, #tpu.memory_space<hbm>>
          %dma_start3A_266 = arith.constant 0 : i32
          %dma_start3A_267 = tpu.memref_slice %arg7[%dma_start3A_259, %dma_start3A_266] : memref<4x128xi32, #tpu.memory_space<vmem>> -> memref<1x128xi32, #tpu.memory_space<vmem>>
          %dma_start3A_268 = tpu.memref_squeeze %dma_start3A_267 : memref<1x128xi32, #tpu.memory_space<vmem>> -> memref<128xi32, #tpu.memory_space<vmem>>
          %dma_start3A_269 = arith.constant 0 : i32
          %dma_start3A_270 = tpu.memref_slice %arg3[%add3A_258, %dma_start3A_269] : memref<2500x128xi32, #tpu.memory_space<hbm>> -> memref<1x128xi32, #tpu.memory_space<hbm>>
          %dma_start3A_271 = tpu.memref_squeeze %dma_start3A_270 : memref<1x128xi32, #tpu.memory_space<hbm>> -> memref<128xi32, #tpu.memory_space<hbm>>
          tpu.enqueue_dma source(%dma_start3A_271 : memref<128xi32, #tpu.memory_space<hbm>>) target(%dma_start3A_268 : memref<128xi32, #tpu.memory_space<vmem>>) target_semaphore(%arg15 : memref<!tpu.dma_semaphore, #tpu.memory_space<semaphore_mem>>)
          %add3A_272 = arith.addi %add3A_6, %add3A_247 : i32
          %dma_start3A_273 = arith.constant 3 : i32
          %dma_start3A_274 = arith.constant 0 : i32
          %dma_start3A_275 = tpu.memref_slice %arg8[%dma_start3A_273, %dma_start3A_274] : memref<4x128xi32, #tpu.memory_space<vmem>> -> memref<1x128xi32, #tpu.memory_space<vmem>>
          %dma_start3A_276 = tpu.memref_squeeze %dma_start3A_275 : memref<1x128xi32, #tpu.memory_space<vmem>> -> memref<128xi32, #tpu.memory_space<vmem>>
          %dma_start3A_277 = arith.constant 0 : i32
          %dma_start3A_278 = tpu.memref_slice %arg4[%add3A_272, %dma_start3A_277] : memref<2500x128xi32, #tpu.memory_space<hbm>> -> memref<1x128xi32, #tpu.memory_space<hbm>>
          %dma_start3A_279 = tpu.memref_squeeze %dma_start3A_278 : memref<1x128xi32, #tpu.memory_space<hbm>> -> memref<128xi32, #tpu.memory_space<hbm>>
          %dma_start3A_280 = arith.constant 0 : i32
          %dma_start3A_281 = tpu.memref_slice %arg8[%dma_start3A_273, %dma_start3A_280] : memref<4x128xi32, #tpu.memory_space<vmem>> -> memref<1x128xi32, #tpu.memory_space<vmem>>
          %dma_start3A_282 = tpu.memref_squeeze %dma_start3A_281 : memref<1x128xi32, #tpu.memory_space<vmem>> -> memref<128xi32, #tpu.memory_space<vmem>>
          %dma_start3A_283 = arith.constant 0 : i32
          %dma_start3A_284 = tpu.memref_slice %arg4[%add3A_272, %dma_start3A_283] : memref<2500x128xi32, #tpu.memory_space<hbm>> -> memref<1x128xi32, #tpu.memory_space<hbm>>
          %dma_start3A_285 = tpu.memref_squeeze %dma_start3A_284 : memref<1x128xi32, #tpu.memory_space<hbm>> -> memref<128xi32, #tpu.memory_space<hbm>>
          tpu.enqueue_dma source(%dma_start3A_285 : memref<128xi32, #tpu.memory_space<hbm>>) target(%dma_start3A_282 : memref<128xi32, #tpu.memory_space<vmem>>) target_semaphore(%arg15 : memref<!tpu.dma_semaphore, #tpu.memory_space<semaphore_mem>>)
        } else {
        }
        %add3A_252 = arith.constant 2 : i32
        %add3A_253 = arith.addi %add3A_234, %add3A_252 : i32
        %lt3A_254 = arith.cmpi slt, %add3A_253, %add3A_9 : i32
        %convert_element_type3A_255 = arith.extui %lt3A_254 : i1 to i32
        %cond3A_256 = arith.constant 0 : i32
        %cond3A_257 = arith.cmpi ne, %convert_element_type3A_255, %cond3A_256 : i32
        scf.if %cond3A_257 {
          %dma_wait3A_258 = arith.constant 0 : i32
          %dma_wait3A_259 = arith.constant 1 : i32
          %dma_wait3A_260 = arith.constant 0 : i32
          %dma_wait3A_261 = tpu.memref_slice %arg7[%dma_wait3A_259, %dma_wait3A_260] : memref<4x128xi32, #tpu.memory_space<vmem>> -> memref<1x128xi32, #tpu.memory_space<vmem>>
          %dma_wait3A_262 = tpu.memref_squeeze %dma_wait3A_261 : memref<1x128xi32, #tpu.memory_space<vmem>> -> memref<128xi32, #tpu.memory_space<vmem>>
          %dma_wait3A_263 = arith.constant 0 : i32
          %dma_wait3A_264 = tpu.memref_slice %arg3[%dma_wait3A_258, %dma_wait3A_263] : memref<2500x128xi32, #tpu.memory_space<hbm>> -> memref<1x128xi32, #tpu.memory_space<hbm>>
          %dma_wait3A_265 = tpu.memref_squeeze %dma_wait3A_264 : memref<1x128xi32, #tpu.memory_space<hbm>> -> memref<128xi32, #tpu.memory_space<hbm>>
          %dma_wait3A_266 = arith.constant 0 : i32
          %dma_wait3A_267 = tpu.memref_slice %arg7[%dma_wait3A_259, %dma_wait3A_266] : memref<4x128xi32, #tpu.memory_space<vmem>> -> memref<1x128xi32, #tpu.memory_space<vmem>>
          %dma_wait3A_268 = tpu.memref_squeeze %dma_wait3A_267 : memref<1x128xi32, #tpu.memory_space<vmem>> -> memref<128xi32, #tpu.memory_space<vmem>>
          %dma_wait3A_269 = arith.constant 0 : i32
          %dma_wait3A_270 = tpu.memref_slice %arg3[%dma_wait3A_258, %dma_wait3A_269] : memref<2500x128xi32, #tpu.memory_space<hbm>> -> memref<1x128xi32, #tpu.memory_space<hbm>>
          %dma_wait3A_271 = tpu.memref_squeeze %dma_wait3A_270 : memref<1x128xi32, #tpu.memory_space<hbm>> -> memref<128xi32, #tpu.memory_space<hbm>>
          tpu.wait_dma2 semaphore(%arg13 : memref<!tpu.dma_semaphore, #tpu.memory_space<semaphore_mem>>) src(%dma_wait3A_271 : memref<128xi32, #tpu.memory_space<hbm>>) dst(%dma_wait3A_268 : memref<128xi32, #tpu.memory_space<vmem>>)
          %dma_wait3A_272 = arith.constant 0 : i32
          %dma_wait3A_273 = arith.constant 1 : i32
          %dma_wait3A_274 = arith.constant 0 : i32
          %dma_wait3A_275 = tpu.memref_slice %arg8[%dma_wait3A_273, %dma_wait3A_274] : memref<4x128xi32, #tpu.memory_space<vmem>> -> memref<1x128xi32, #tpu.memory_space<vmem>>
          %dma_wait3A_276 = tpu.memref_squeeze %dma_wait3A_275 : memref<1x128xi32, #tpu.memory_space<vmem>> -> memref<128xi32, #tpu.memory_space<vmem>>
          %dma_wait3A_277 = arith.constant 0 : i32
          %dma_wait3A_278 = tpu.memref_slice %arg4[%dma_wait3A_272, %dma_wait3A_277] : memref<2500x128xi32, #tpu.memory_space<hbm>> -> memref<1x128xi32, #tpu.memory_space<hbm>>
          %dma_wait3A_279 = tpu.memref_squeeze %dma_wait3A_278 : memref<1x128xi32, #tpu.memory_space<hbm>> -> memref<128xi32, #tpu.memory_space<hbm>>
          %dma_wait3A_280 = arith.constant 0 : i32
          %dma_wait3A_281 = tpu.memref_slice %arg8[%dma_wait3A_273, %dma_wait3A_280] : memref<4x128xi32, #tpu.memory_space<vmem>> -> memref<1x128xi32, #tpu.memory_space<vmem>>
          %dma_wait3A_282 = tpu.memref_squeeze %dma_wait3A_281 : memref<1x128xi32, #tpu.memory_space<vmem>> -> memref<128xi32, #tpu.memory_space<vmem>>
          %dma_wait3A_283 = arith.constant 0 : i32
          %dma_wait3A_284 = tpu.memref_slice %arg4[%dma_wait3A_272, %dma_wait3A_283] : memref<2500x128xi32, #tpu.memory_space<hbm>> -> memref<1x128xi32, #tpu.memory_space<hbm>>
          %dma_wait3A_285 = tpu.memref_squeeze %dma_wait3A_284 : memref<1x128xi32, #tpu.memory_space<hbm>> -> memref<128xi32, #tpu.memory_space<hbm>>
          tpu.wait_dma2 semaphore(%arg13 : memref<!tpu.dma_semaphore, #tpu.memory_space<semaphore_mem>>) src(%dma_wait3A_285 : memref<128xi32, #tpu.memory_space<hbm>>) dst(%dma_wait3A_282 : memref<128xi32, #tpu.memory_space<vmem>>)
          %dma_start3A_286 = arith.constant 1 : i32
          %dma_start3A_287 = arith.constant 0 : i32
          %dma_start3A_288 = tpu.memref_slice %arg7[%dma_start3A_286, %dma_start3A_287] : memref<4x128xi32, #tpu.memory_space<vmem>> -> memref<1x128xi32, #tpu.memory_space<vmem>>
          %dma_start3A_289 = tpu.memref_squeeze %dma_start3A_288 : memref<1x128xi32, #tpu.memory_space<vmem>> -> memref<128xi32, #tpu.memory_space<vmem>>
          %dma_start3A_290 = arith.constant 0 : i32
          %dma_start3A_291 = arith.constant 0 : i32
          %dma_start3A_292 = tpu.memref_slice %arg2[%dma_start3A_290, %dma_start3A_291] : memref<10112x128xf32, #tpu.memory_space<hbm>> -> memref<10112x128xf32, #tpu.memory_space<hbm>>
          tpu.enqueue_indirect_dma source(%dma_start3A_292 : memref<10112x128xf32, #tpu.memory_space<hbm>>) target(%arg10 : memref<128x128xf32, #tpu.memory_space<vmem>>) offsets(%dma_start3A_289 : memref<128xi32, #tpu.memory_space<vmem>>) semaphore(%arg17 : memref<!tpu.dma_semaphore, #tpu.memory_space<semaphore_mem>>)
        } else {
        }
      } else {
      }
    }
    %scan3A_201 = arith.constant 20 : i32
    %barrier3A_202 = arith.constant 0 : index
    tpu.barrier barrier_id(%barrier3A_202)
    "tpu.region"() ({
      %run_scoped3A = tpu.sem_alloc : memref<!tpu.dma_semaphore, #tpu.memory_space<semaphore_mem>>
      %dma_start3A_203 = arith.constant 0 : i32
      %dma_start3A_204 = tpu.memref_slice %arg6[%arg0, %mul3A_2, %dma_start3A_203] : memref<2x10112x128xf32, #tpu.memory_space<hbm>> -> memref<1x632x128xf32, #tpu.memory_space<hbm>>
      %dma_start3A_205 = tpu.memref_squeeze %dma_start3A_204 : memref<1x632x128xf32, #tpu.memory_space<hbm>> -> memref<632x128xf32, #tpu.memory_space<hbm>>
      %dma_start3A_206 = arith.constant 0 : i32
      %dma_start3A_207 = tpu.memref_slice %arg11[%mul3A_2, %dma_start3A_206] : memref<10112x128xf32, #tpu.memory_space<vmem_shared>> -> memref<632x128xf32, #tpu.memory_space<vmem_shared>>
      tpu.enqueue_dma source(%dma_start3A_207 : memref<632x128xf32, #tpu.memory_space<vmem_shared>>) target(%dma_start3A_205 : memref<632x128xf32, #tpu.memory_space<hbm>>) target_semaphore(%run_scoped3A : memref<!tpu.dma_semaphore, #tpu.memory_space<semaphore_mem>>)
      %dma_wait3A_208 = arith.constant 0 : i32
      %dma_wait3A_209 = tpu.memref_slice %arg6[%arg0, %mul3A_2, %dma_wait3A_208] : memref<2x10112x128xf32, #tpu.memory_space<hbm>> -> memref<1x632x128xf32, #tpu.memory_space<hbm>>
      %dma_wait3A_210 = tpu.memref_squeeze %dma_wait3A_209 : memref<1x632x128xf32, #tpu.memory_space<hbm>> -> memref<632x128xf32, #tpu.memory_space<hbm>>
      %dma_wait3A_211 = arith.constant 0 : i32
      %dma_wait3A_212 = tpu.memref_slice %arg11[%mul3A_2, %dma_wait3A_211] : memref<10112x128xf32, #tpu.memory_space<vmem_shared>> -> memref<632x128xf32, #tpu.memory_space<vmem_shared>>
      tpu.wait_dma2 semaphore(%run_scoped3A : memref<!tpu.dma_semaphore, #tpu.memory_space<semaphore_mem>>) src(%dma_wait3A_212 : memref<632x128xf32, #tpu.memory_space<vmem_shared>>) dst(%dma_wait3A_210 : memref<632x128xf32, #tpu.memory_space<hbm>>)
      tpu.yield
    }) : () -> ()
    return
  }
}

module attributes {stable_mosaic.version = 14 : i64} {
  func.func @_fmt_body(%arg0: i32, %arg1: memref<5000x16xf32, #tpu.memory_space<vmem>>, %arg2: memref<1264x32xf32, #tpu.memory_space<vmem>>, %arg3: memref<16x128xf32, #tpu.memory_space<vmem>>, %arg4: memref<32x128xf32, #tpu.memory_space<vmem>>, %arg5: memref<1x128xf32, #tpu.memory_space<vmem>>, %arg6: memref<5000x128xf32, #tpu.memory_space<vmem>>, %arg7: memref<1264x128xf32, #tpu.memory_space<vmem>>) attributes {dimension_semantics = [#tpu.dimension_semantics<arbitrary>], iteration_bounds = array<i64: 8>, scalar_prefetch = 0 : i64, scratch_operands = 0 : i64, tpu.core_type = #tpu.core_type<tc>, window_params = [{transform_indices = @transform_0, window_bounds = array<i64: 5000, 16>}, {pipeline_mode = #tpu.pipeline_mode<synchronous>, transform_indices = @transform_1, window_bounds = array<i64: 1264, 32>}, {pipeline_mode = #tpu.pipeline_mode<synchronous>, transform_indices = @transform_2, window_bounds = array<i64: 16, 128>}, {pipeline_mode = #tpu.pipeline_mode<synchronous>, transform_indices = @transform_3, window_bounds = array<i64: 32, 128>}, {pipeline_mode = #tpu.pipeline_mode<synchronous>, transform_indices = @transform_4, window_bounds = array<i64: 1, 128>}, {transform_indices = @transform_5, window_bounds = array<i64: 5000, 128>}, {pipeline_mode = #tpu.pipeline_mode<synchronous>, transform_indices = @transform_6, window_bounds = array<i64: 1264, 128>}]} {
    %get3A = arith.constant 0 : index
    %get3A_0 = arith.constant 0 : index
    %get3A_1 = vector.load %arg1[%get3A, %get3A_0] : memref<5000x16xf32, #tpu.memory_space<vmem>>, vector<5000x16xf32>
    %get3A_2 = arith.constant 0 : index
    %get3A_3 = arith.constant 0 : index
    %get3A_4 = vector.load %arg3[%get3A_2, %get3A_3] : memref<16x128xf32, #tpu.memory_space<vmem>>, vector<16x128xf32>
    %dot_general3A = arith.constant dense<0.000000e+00> : vector<5000x128xf32>
    %dot_general3A_5 = tpu.matmul %get3A_1, %get3A_4, %dot_general3A {dimension_numbers = #tpu.dot_dimension_numbers<[1], [0], [0], [1], [0, 0, 1, 1], [], []>, transpose_lhs_hint = false} : vector<5000x16xf32>, vector<16x128xf32>, vector<5000x128xf32> -> vector<5000x128xf32>
    %swap3A = arith.constant 0 : index
    %swap3A_6 = arith.constant 0 : index
    %swap3A_7 = vector.load %arg6[%swap3A, %swap3A_6] : memref<5000x128xf32, #tpu.memory_space<vmem>>, vector<5000x128xf32>
    tpu.vector_store %arg6[%swap3A, %swap3A_6], %dot_general3A_5 {strides = array<i32>} : memref<5000x128xf32, #tpu.memory_space<vmem>>, vector<5000x128xf32>,
    %eq3A = arith.constant 0 : i32
    %eq3A_8 = arith.cmpi eq, %arg0, %eq3A : i32
    %convert_element_type3A = arith.extui %eq3A_8 : i1 to i32
    %cond3A = arith.constant 0 : i32
    %cond3A_9 = arith.cmpi ne, %convert_element_type3A, %cond3A : i32
    scf.if %cond3A_9 {
      %get3A_10 = arith.constant 0 : index
      %get3A_11 = arith.constant 0 : index
      %get3A_12 = vector.load %arg2[%get3A_10, %get3A_11] : memref<1264x32xf32, #tpu.memory_space<vmem>>, vector<1264x32xf32>
      %get3A_13 = arith.constant 0 : index
      %get3A_14 = arith.constant 0 : index
      %get3A_15 = vector.load %arg4[%get3A_13, %get3A_14] : memref<32x128xf32, #tpu.memory_space<vmem>>, vector<32x128xf32>
      %dot_general3A_16 = arith.constant dense<0.000000e+00> : vector<1264x128xf32>
      %dot_general3A_17 = tpu.matmul %get3A_12, %get3A_15, %dot_general3A_16 {dimension_numbers = #tpu.dot_dimension_numbers<[1], [0], [0], [1], [0, 0, 1, 1], [], []>, transpose_lhs_hint = false} : vector<1264x32xf32>, vector<32x128xf32>, vector<1264x128xf32> -> vector<1264x128xf32>
      %get3A_18 = arith.constant 0 : index
      %get3A_19 = arith.constant 0 : index
      %get3A_20 = vector.load %arg5[%get3A_18, %get3A_19] : memref<1x128xf32, #tpu.memory_space<vmem>>, vector<1x128xf32>
      %add3A = vector.broadcast %get3A_20 : vector<1x128xf32> to vector<1264x128xf32>
      %add3A_21 = arith.addf %dot_general3A_17, %add3A : vector<1264x128xf32>
      %swap3A_22 = arith.constant 0 : index
      %swap3A_23 = arith.constant 0 : index
      %swap3A_24 = vector.load %arg7[%swap3A_22, %swap3A_23] : memref<1264x128xf32, #tpu.memory_space<vmem>>, vector<1264x128xf32>
      tpu.vector_store %arg7[%swap3A_22, %swap3A_23], %add3A_21 {strides = array<i32>} : memref<1264x128xf32, #tpu.memory_space<vmem>>, vector<1264x128xf32>,
    } else {
    }
    return
  }
  func.func @transform_0(%arg0: i32) -> (i32, i32) {
    %c0_i32 = arith.constant 0 : i32
    %c0_i32_0 = arith.constant 0 : i32
    return %arg0, %c0_i32 : i32, i32
  }
  func.func @transform_1(%arg0: i32) -> (i32, i32) {
    %c0_i32 = arith.constant 0 : i32
    %c0_i32_0 = arith.constant 0 : i32
    %c0_i32_1 = arith.constant 0 : i32
    return %c0_i32, %c0_i32_0 : i32, i32
  }
  func.func @transform_2(%arg0: i32) -> (i32, i32) {
    %c0_i32 = arith.constant 0 : i32
    %c0_i32_0 = arith.constant 0 : i32
    %c0_i32_1 = arith.constant 0 : i32
    return %c0_i32, %c0_i32_0 : i32, i32
  }
  func.func @transform_3(%arg0: i32) -> (i32, i32) {
    %c0_i32 = arith.constant 0 : i32
    %c0_i32_0 = arith.constant 0 : i32
    %c0_i32_1 = arith.constant 0 : i32
    return %c0_i32, %c0_i32_0 : i32, i32
  }
  func.func @transform_4(%arg0: i32) -> (i32, i32) {
    %c0_i32 = arith.constant 0 : i32
    %c0_i32_0 = arith.constant 0 : i32
    %c0_i32_1 = arith.constant 0 : i32
    return %c0_i32, %c0_i32_0 : i32, i32
  }
  func.func @transform_5(%arg0: i32) -> (i32, i32) {
    %c0_i32 = arith.constant 0 : i32
    %c0_i32_0 = arith.constant 0 : i32
    return %arg0, %c0_i32 : i32, i32
  }
  func.func @transform_6(%arg0: i32) -> (i32, i32) {
    %c0_i32 = arith.constant 0 : i32
    %c0_i32_0 = arith.constant 0 : i32
    %c0_i32_1 = arith.constant 0 : i32
    return %c0_i32, %c0_i32_0 : i32, i32
  }
}

module attributes {stable_mosaic.version = 14 : i64} {
  func.func @_tc1_body(%arg0: i32, %arg1: memref<632x16xf32, #tpu.memory_space<vmem>>, %arg2: memref<2x632x16xf32, #tpu.memory_space<vmem>>, %arg3: memref<16x128xf32, #tpu.memory_space<vmem>>, %arg4: memref<16x128xf32, #tpu.memory_space<vmem>>, %arg5: memref<128x128xf32, #tpu.memory_space<vmem>>, %arg6: memref<128x128xf32, #tpu.memory_space<vmem>>, %arg7: memref<1x128xf32, #tpu.memory_space<vmem>>, %arg8: memref<1x128xf32, #tpu.memory_space<vmem>>, %arg9: memref<1x128xf32, #tpu.memory_space<vmem>>, %arg10: memref<632x128xf32, #tpu.memory_space<vmem>>) attributes {dimension_semantics = [#tpu.dimension_semantics<arbitrary>], iteration_bounds = array<i64: 16>, scalar_prefetch = 0 : i64, scratch_operands = 0 : i64, tpu.core_type = #tpu.core_type<tc>, window_params = [{transform_indices = @transform_0, window_bounds = array<i64: 632, 16>}, {transform_indices = @transform_1, window_bounds = array<i64: 2, 632, 16>}, {pipeline_mode = #tpu.pipeline_mode<synchronous>, transform_indices = @transform_2, window_bounds = array<i64: 16, 128>}, {pipeline_mode = #tpu.pipeline_mode<synchronous>, transform_indices = @transform_3, window_bounds = array<i64: 16, 128>}, {pipeline_mode = #tpu.pipeline_mode<synchronous>, transform_indices = @transform_4, window_bounds = array<i64: 128, 128>}, {pipeline_mode = #tpu.pipeline_mode<synchronous>, transform_indices = @transform_5, window_bounds = array<i64: 128, 128>}, {pipeline_mode = #tpu.pipeline_mode<synchronous>, transform_indices = @transform_6, window_bounds = array<i64: 1, 128>}, {pipeline_mode = #tpu.pipeline_mode<synchronous>, transform_indices = @transform_7, window_bounds = array<i64: 1, 128>}, {pipeline_mode = #tpu.pipeline_mode<synchronous>, transform_indices = @transform_8, window_bounds = array<i64: 1, 128>}, {transform_indices = @transform_9, window_bounds = array<i64: 632, 128>}]} {
    %get3A = arith.constant 0 : index
    %get3A_0 = arith.constant 0 : index
    %get3A_1 = vector.load %arg1[%get3A, %get3A_0] : memref<632x16xf32, #tpu.memory_space<vmem>>, vector<632x16xf32>
    %get3A_2 = arith.constant 0 : index
    %get3A_3 = arith.constant 0 : index
    %get3A_4 = vector.load %arg3[%get3A_2, %get3A_3] : memref<16x128xf32, #tpu.memory_space<vmem>>, vector<16x128xf32>
    %dot_general3A = arith.constant dense<0.000000e+00> : vector<632x128xf32>
    %dot_general3A_5 = tpu.matmul %get3A_1, %get3A_4, %dot_general3A {dimension_numbers = #tpu.dot_dimension_numbers<[1], [0], [0], [1], [0, 0, 1, 1], [], []>, transpose_lhs_hint = false} : vector<632x16xf32>, vector<16x128xf32>, vector<632x128xf32> -> vector<632x128xf32>
    %get3A_6 = arith.constant 0 : index
    %get3A_7 = arith.constant 0 : index
    %get3A_8 = vector.load %arg7[%get3A_6, %get3A_7] : memref<1x128xf32, #tpu.memory_space<vmem>>, vector<1x128xf32>
    %add3A = vector.broadcast %get3A_8 : vector<1x128xf32> to vector<632x128xf32>
    %add3A_9 = arith.addf %dot_general3A_5, %add3A : vector<632x128xf32>
    %get3A_10 = arith.constant 0 : index
    %get3A_11 = arith.constant 0 : index
    %get3A_12 = arith.constant 0 : index
    %get3A_13 = vector.load %arg2[%get3A_10, %get3A_11, %get3A_12] : memref<2x632x16xf32, #tpu.memory_space<vmem>>, vector<1x632x16xf32>
    %get3A_14 = vector.shape_cast %get3A_13 : vector<1x632x16xf32> to vector<632x16xf32>
    %get3A_15 = arith.constant 1 : index
    %get3A_16 = arith.constant 0 : index
    %get3A_17 = arith.constant 0 : index
    %get3A_18 = vector.load %arg2[%get3A_15, %get3A_16, %get3A_17] : memref<2x632x16xf32, #tpu.memory_space<vmem>>, vector<1x632x16xf32>
    %get3A_19 = vector.shape_cast %get3A_18 : vector<1x632x16xf32> to vector<632x16xf32>
    %add3A_20 = arith.addf %get3A_14, %get3A_19 : vector<632x16xf32>
    %get3A_21 = arith.constant 0 : index
    %get3A_22 = arith.constant 0 : index
    %get3A_23 = vector.load %arg4[%get3A_21, %get3A_22] : memref<16x128xf32, #tpu.memory_space<vmem>>, vector<16x128xf32>
    %dot_general3A_24 = arith.constant dense<0.000000e+00> : vector<632x128xf32>
    %dot_general3A_25 = tpu.matmul %add3A_20, %get3A_23, %dot_general3A_24 {dimension_numbers = #tpu.dot_dimension_numbers<[1], [0], [0], [1], [0, 0, 1, 1], [], []>, transpose_lhs_hint = false} : vector<632x16xf32>, vector<16x128xf32>, vector<632x128xf32> -> vector<632x128xf32>
    %get3A_26 = arith.constant 0 : index
    %get3A_27 = arith.constant 0 : index
    %get3A_28 = vector.load %arg5[%get3A_26, %get3A_27] : memref<128x128xf32, #tpu.memory_space<vmem>>, vector<128x128xf32>
    %dot_general3A_29 = arith.constant dense<0.000000e+00> : vector<632x128xf32>
    %dot_general3A_30 = tpu.matmul %add3A_9, %get3A_28, %dot_general3A_29 {dimension_numbers = #tpu.dot_dimension_numbers<[1], [0], [0], [1], [0, 0, 1, 1], [], []>, transpose_lhs_hint = false} : vector<632x128xf32>, vector<128x128xf32>, vector<632x128xf32> -> vector<632x128xf32>
    %add3A_31 = arith.addf %dot_general3A_25, %dot_general3A_30 : vector<632x128xf32>
    %slice3A = vector.extract_strided_slice %add3A_20 {offsets = [0, 6], sizes = [632, 1], strides = [1, 1]} : vector<632x16xf32> to vector<632x1xf32>
    %add3A_32 = arith.constant 1.000000e+00 : f32
    %add3A_33 = vector.broadcast %add3A_32 : f32 to vector<632x1xf32>
    %add3A_34 = arith.addf %slice3A, %add3A_33 : vector<632x1xf32>
    %div3A = vector.broadcast %add3A_34 : vector<632x1xf32> to vector<632x128xf32>
    %div3A_35 = arith.divf %add3A_31, %div3A : vector<632x128xf32>
    %get3A_36 = arith.constant 0 : index
    %get3A_37 = arith.constant 0 : index
    %get3A_38 = vector.load %arg6[%get3A_36, %get3A_37] : memref<128x128xf32, #tpu.memory_space<vmem>>, vector<128x128xf32>
    %dot_general3A_39 = arith.constant dense<0.000000e+00> : vector<632x128xf32>
    %dot_general3A_40 = tpu.matmul %add3A_9, %get3A_38, %dot_general3A_39 {dimension_numbers = #tpu.dot_dimension_numbers<[1], [0], [0], [1], [0, 0, 1, 1], [], []>, transpose_lhs_hint = false} : vector<632x128xf32>, vector<128x128xf32>, vector<632x128xf32> -> vector<632x128xf32>
    %add3A_41 = arith.addf %div3A_35, %dot_general3A_40 : vector<632x128xf32>
    %get3A_42 = arith.constant 0 : index
    %get3A_43 = arith.constant 0 : index
    %get3A_44 = vector.load %arg8[%get3A_42, %get3A_43] : memref<1x128xf32, #tpu.memory_space<vmem>>, vector<1x128xf32>
    %get3A_45 = arith.constant 0 : index
    %get3A_46 = arith.constant 0 : index
    %get3A_47 = vector.load %arg9[%get3A_45, %get3A_46] : memref<1x128xf32, #tpu.memory_space<vmem>>, vector<1x128xf32>
    %max3A = arith.constant 0.000000e+00 : f32
    %max3A_48 = vector.broadcast %max3A : f32 to vector<632x128xf32>
    %max3A_49 = arith.maximumf %add3A_41, %max3A_48 : vector<632x128xf32>
    %mul3A = vector.broadcast %get3A_44 : vector<1x128xf32> to vector<632x128xf32>
    %mul3A_50 = arith.mulf %max3A_49, %mul3A : vector<632x128xf32>
    %add3A_51 = vector.broadcast %get3A_47 : vector<1x128xf32> to vector<632x128xf32>
    %add3A_52 = arith.addf %mul3A_50, %add3A_51 : vector<632x128xf32>
    %mul3A_53 = arith.mulf %add3A_52, %add3A_52 : vector<632x128xf32>
    %reduce_sum3A = arith.constant dense<0.000000e+00> : vector<632xf32>
    %reduce_sum3A_54 = vector.multi_reduction <add>, %mul3A_53, %reduce_sum3A [1] : vector<632x128xf32> to vector<632xf32>
    %broadcast_in_dim3A = vector.shape_cast %reduce_sum3A_54 : vector<632xf32> to vector<632x1xf32>
    %sqrt3A = math.sqrt %broadcast_in_dim3A : vector<632x1xf32>
    %max3A_55 = arith.constant 9.99999996E-13 : f32
    %max3A_56 = vector.broadcast %max3A_55 : f32 to vector<632x1xf32>
    %max3A_57 = arith.maximumf %sqrt3A, %max3A_56 : vector<632x1xf32>
    %div3A_58 = vector.broadcast %max3A_57 : vector<632x1xf32> to vector<632x128xf32>
    %div3A_59 = arith.divf %add3A_52, %div3A_58 : vector<632x128xf32>
    %swap3A = arith.constant 0 : index
    %swap3A_60 = arith.constant 0 : index
    %swap3A_61 = vector.load %arg10[%swap3A, %swap3A_60] : memref<632x128xf32, #tpu.memory_space<vmem>>, vector<632x128xf32>
    tpu.vector_store %arg10[%swap3A, %swap3A_60], %div3A_59 {strides = array<i32>} : memref<632x128xf32, #tpu.memory_space<vmem>>, vector<632x128xf32>,
    return
  }
  func.func @transform_0(%arg0: i32) -> (i32, i32) {
    %c0_i32 = arith.constant 0 : i32
    %c0_i32_0 = arith.constant 0 : i32
    return %arg0, %c0_i32 : i32, i32
  }
  func.func @transform_1(%arg0: i32) -> (i32, i32, i32) {
    %c0_i32 = arith.constant 0 : i32
    %c0_i32_0 = arith.constant 0 : i32
    %c0_i32_1 = arith.constant 0 : i32
    return %c0_i32, %arg0, %c0_i32_0 : i32, i32, i32
  }
  func.func @transform_2(%arg0: i32) -> (i32, i32) {
    %c0_i32 = arith.constant 0 : i32
    %c0_i32_0 = arith.constant 0 : i32
    %c0_i32_1 = arith.constant 0 : i32
    return %c0_i32, %c0_i32_0 : i32, i32
  }
  func.func @transform_3(%arg0: i32) -> (i32, i32) {
    %c0_i32 = arith.constant 0 : i32
    %c0_i32_0 = arith.constant 0 : i32
    %c0_i32_1 = arith.constant 0 : i32
    return %c0_i32, %c0_i32_0 : i32, i32
  }
  func.func @transform_4(%arg0: i32) -> (i32, i32) {
    %c0_i32 = arith.constant 0 : i32
    %c0_i32_0 = arith.constant 0 : i32
    %c0_i32_1 = arith.constant 0 : i32
    return %c0_i32, %c0_i32_0 : i32, i32
  }
  func.func @transform_5(%arg0: i32) -> (i32, i32) {
    %c0_i32 = arith.constant 0 : i32
    %c0_i32_0 = arith.constant 0 : i32
    %c0_i32_1 = arith.constant 0 : i32
    return %c0_i32, %c0_i32_0 : i32, i32
  }
  func.func @transform_6(%arg0: i32) -> (i32, i32) {
    %c0_i32 = arith.constant 0 : i32
    %c0_i32_0 = arith.constant 0 : i32
    %c0_i32_1 = arith.constant 0 : i32
    return %c0_i32, %c0_i32_0 : i32, i32
  }
  func.func @transform_7(%arg0: i32) -> (i32, i32) {
    %c0_i32 = arith.constant 0 : i32
    %c0_i32_0 = arith.constant 0 : i32
    %c0_i32_1 = arith.constant 0 : i32
    return %c0_i32, %c0_i32_0 : i32, i32
  }
  func.func @transform_8(%arg0: i32) -> (i32, i32) {
    %c0_i32 = arith.constant 0 : i32
    %c0_i32_0 = arith.constant 0 : i32
    %c0_i32_1 = arith.constant 0 : i32
    return %c0_i32, %c0_i32_0 : i32, i32
  }
  func.func @transform_9(%arg0: i32) -> (i32, i32) {
    %c0_i32 = arith.constant 0 : i32
    %c0_i32_0 = arith.constant 0 : i32
    return %arg0, %c0_i32 : i32, i32
  }
}

module attributes {stable_mosaic.version = 14 : i64} {
  func.func @_tc2_body(%arg0: i32, %arg1: memref<632x128xf32, #tpu.memory_space<vmem>>, %arg2: memref<2x632x128xf32, #tpu.memory_space<vmem>>, %arg3: memref<2x632x16xf32, #tpu.memory_space<vmem>>, %arg4: memref<128x1xi32, #tpu.memory_space<vmem>>, %arg5: memref<128x128xf32, #tpu.memory_space<vmem>>, %arg6: memref<16x128xf32, #tpu.memory_space<vmem>>, %arg7: memref<128x128xf32, #tpu.memory_space<vmem>>, %arg8: memref<1x128xf32, #tpu.memory_space<vmem>>, %arg9: memref<1x128xf32, #tpu.memory_space<vmem>>, %arg10: memref<128x128xf32, #tpu.memory_space<vmem>>, %arg11: memref<128x128xf32, #tpu.memory_space<vmem>>, %arg12: memref<1x128xf32, #tpu.memory_space<vmem>>, %arg13: memref<128x64xf32, #tpu.memory_space<vmem>>, %arg14: memref<1x64xf32, #tpu.memory_space<vmem>>, %arg15: memref<1x64xf32, #tpu.memory_space<vmem>>, %arg16: memref<1x1xf32, #tpu.memory_space<vmem>>, %arg17: memref<16x64xf32, #tpu.memory_space<vmem>>, %arg18: memref<1x64xf32, #tpu.memory_space<vmem>>, %arg19: memref<64x16xf32, #tpu.memory_space<vmem>>, %arg20: memref<1x16xf32, #tpu.memory_space<vmem>>, %arg21: memref<8x16xf32, #tpu.memory_space<vmem>>, %arg22: memref<128x1xf32, #tpu.memory_space<vmem>>) attributes {dimension_semantics = [#tpu.dimension_semantics<arbitrary>], iteration_bounds = array<i64: 16>, scalar_prefetch = 0 : i64, scratch_operands = 1 : i64, tpu.core_type = #tpu.core_type<tc>, window_params = [{transform_indices = @transform_0, window_bounds = array<i64: 632, 128>}, {transform_indices = @transform_1, window_bounds = array<i64: 2, 632, 128>}, {transform_indices = @transform_2, window_bounds = array<i64: 2, 632, 16>}, {pipeline_mode = #tpu.pipeline_mode<synchronous>, transform_indices = @transform_3, window_bounds = array<i64: 128, 1>}, {pipeline_mode = #tpu.pipeline_mode<synchronous>, transform_indices = @transform_4, window_bounds = array<i64: 128, 128>}, {pipeline_mode = #tpu.pipeline_mode<synchronous>, transform_indices = @transform_5, window_bounds = array<i64: 16, 128>}, {pipeline_mode = #tpu.pipeline_mode<synchronous>, transform_indices = @transform_6, window_bounds = array<i64: 128, 128>}, {pipeline_mode = #tpu.pipeline_mode<synchronous>, transform_indices = @transform_7, window_bounds = array<i64: 1, 128>}, {pipeline_mode = #tpu.pipeline_mode<synchronous>, transform_indices = @transform_8, window_bounds = array<i64: 1, 128>}, {pipeline_mode = #tpu.pipeline_mode<synchronous>, transform_indices = @transform_9, window_bounds = array<i64: 128, 128>}, {pipeline_mode = #tpu.pipeline_mode<synchronous>, transform_indices = @transform_10, window_bounds = array<i64: 128, 128>}, {pipeline_mode = #tpu.pipeline_mode<synchronous>, transform_indices = @transform_11, window_bounds = array<i64: 1, 128>}, {pipeline_mode = #tpu.pipeline_mode<synchronous>, transform_indices = @transform_12, window_bounds = array<i64: 128, 64>}, {pipeline_mode = #tpu.pipeline_mode<synchronous>, transform_indices = @transform_13, window_bounds = array<i64: 1, 64>}, {pipeline_mode = #tpu.pipeline_mode<synchronous>, transform_indices = @transform_14, window_bounds = array<i64: 1, 64>}, {pipeline_mode = #tpu.pipeline_mode<synchronous>, transform_indices = @transform_15, window_bounds = array<i64: 1, 1>}, {pipeline_mode = #tpu.pipeline_mode<synchronous>, transform_indices = @transform_16, window_bounds = array<i64: 16, 64>}, {pipeline_mode = #tpu.pipeline_mode<synchronous>, transform_indices = @transform_17, window_bounds = array<i64: 1, 64>}, {pipeline_mode = #tpu.pipeline_mode<synchronous>, transform_indices = @transform_18, window_bounds = array<i64: 64, 16>}, {pipeline_mode = #tpu.pipeline_mode<synchronous>, transform_indices = @transform_19, window_bounds = array<i64: 1, 16>}, {pipeline_mode = #tpu.pipeline_mode<synchronous>, transform_indices = @transform_20, window_bounds = array<i64: 8, 16>}]} {
    %get3A = arith.constant 0 : index
    %get3A_0 = arith.constant 0 : index
    %get3A_1 = vector.load %arg1[%get3A, %get3A_0] : memref<632x128xf32, #tpu.memory_space<vmem>>, vector<632x128xf32>
    %get3A_2 = arith.constant 0 : index
    %get3A_3 = arith.constant 0 : index
    %get3A_4 = arith.constant 0 : index
    %get3A_5 = vector.load %arg2[%get3A_2, %get3A_3, %get3A_4] : memref<2x632x128xf32, #tpu.memory_space<vmem>>, vector<1x632x128xf32>
    %get3A_6 = vector.shape_cast %get3A_5 : vector<1x632x128xf32> to vector<632x128xf32>
    %get3A_7 = arith.constant 1 : index
    %get3A_8 = arith.constant 0 : index
    %get3A_9 = arith.constant 0 : index
    %get3A_10 = vector.load %arg2[%get3A_7, %get3A_8, %get3A_9] : memref<2x632x128xf32, #tpu.memory_space<vmem>>, vector<1x632x128xf32>
    %get3A_11 = vector.shape_cast %get3A_10 : vector<1x632x128xf32> to vector<632x128xf32>
    %add3A = arith.addf %get3A_6, %get3A_11 : vector<632x128xf32>
    %add3A_12 = arith.addf %add3A, %get3A_1 : vector<632x128xf32>
    %get3A_13 = arith.constant 0 : index
    %get3A_14 = arith.constant 0 : index
    %get3A_15 = arith.constant 0 : index
    %get3A_16 = vector.load %arg3[%get3A_13, %get3A_14, %get3A_15] : memref<2x632x16xf32, #tpu.memory_space<vmem>>, vector<1x632x16xf32>
    %get3A_17 = vector.shape_cast %get3A_16 : vector<1x632x16xf32> to vector<632x16xf32>
    %get3A_18 = arith.constant 1 : index
    %get3A_19 = arith.constant 0 : index
    %get3A_20 = arith.constant 0 : index
    %get3A_21 = vector.load %arg3[%get3A_18, %get3A_19, %get3A_20] : memref<2x632x16xf32, #tpu.memory_space<vmem>>, vector<1x632x16xf32>
    %get3A_22 = vector.shape_cast %get3A_21 : vector<1x632x16xf32> to vector<632x16xf32>
    %add3A_23 = arith.addf %get3A_17, %get3A_22 : vector<632x16xf32>
    %get3A_24 = arith.constant 0 : index
    %get3A_25 = arith.constant 0 : index
    %get3A_26 = vector.load %arg5[%get3A_24, %get3A_25] : memref<128x128xf32, #tpu.memory_space<vmem>>, vector<128x128xf32>
    %dot_general3A = arith.constant dense<0.000000e+00> : vector<632x128xf32>
    %dot_general3A_27 = tpu.matmul %add3A_12, %get3A_26, %dot_general3A {dimension_numbers = #tpu.dot_dimension_numbers<[1], [0], [0], [1], [0, 0, 1, 1], [], []>, transpose_lhs_hint = false} : vector<632x128xf32>, vector<128x128xf32>, vector<632x128xf32> -> vector<632x128xf32>
    %get3A_28 = arith.constant 0 : index
    %get3A_29 = arith.constant 0 : index
    %get3A_30 = vector.load %arg6[%get3A_28, %get3A_29] : memref<16x128xf32, #tpu.memory_space<vmem>>, vector<16x128xf32>
    %dot_general3A_31 = arith.constant dense<0.000000e+00> : vector<632x128xf32>
    %dot_general3A_32 = tpu.matmul %add3A_23, %get3A_30, %dot_general3A_31 {dimension_numbers = #tpu.dot_dimension_numbers<[1], [0], [0], [1], [0, 0, 1, 1], [], []>, transpose_lhs_hint = false} : vector<632x16xf32>, vector<16x128xf32>, vector<632x128xf32> -> vector<632x128xf32>
    %add3A_33 = arith.addf %dot_general3A_27, %dot_general3A_32 : vector<632x128xf32>
    %slice3A = vector.extract_strided_slice %add3A_23 {offsets = [0, 6], sizes = [632, 1], strides = [1, 1]} : vector<632x16xf32> to vector<632x1xf32>
    %add3A_34 = arith.constant 1.000000e+00 : f32
    %add3A_35 = vector.broadcast %add3A_34 : f32 to vector<632x1xf32>
    %add3A_36 = arith.addf %slice3A, %add3A_35 : vector<632x1xf32>
    %div3A = vector.broadcast %add3A_36 : vector<632x1xf32> to vector<632x128xf32>
    %div3A_37 = arith.divf %add3A_33, %div3A : vector<632x128xf32>
    %get3A_38 = arith.constant 0 : index
    %get3A_39 = arith.constant 0 : index
    %get3A_40 = vector.load %arg7[%get3A_38, %get3A_39] : memref<128x128xf32, #tpu.memory_space<vmem>>, vector<128x128xf32>
    %dot_general3A_41 = arith.constant dense<0.000000e+00> : vector<632x128xf32>
    %dot_general3A_42 = tpu.matmul %get3A_1, %get3A_40, %dot_general3A_41 {dimension_numbers = #tpu.dot_dimension_numbers<[1], [0], [0], [1], [0, 0, 1, 1], [], []>, transpose_lhs_hint = false} : vector<632x128xf32>, vector<128x128xf32>, vector<632x128xf32> -> vector<632x128xf32>
    %add3A_43 = arith.addf %div3A_37, %dot_general3A_42 : vector<632x128xf32>
    %get3A_44 = arith.constant 0 : index
    %get3A_45 = arith.constant 0 : index
    %get3A_46 = vector.load %arg8[%get3A_44, %get3A_45] : memref<1x128xf32, #tpu.memory_space<vmem>>, vector<1x128xf32>
    %get3A_47 = arith.constant 0 : index
    %get3A_48 = arith.constant 0 : index
    %get3A_49 = vector.load %arg9[%get3A_47, %get3A_48] : memref<1x128xf32, #tpu.memory_space<vmem>>, vector<1x128xf32>
    %max3A = arith.constant 0.000000e+00 : f32
    %max3A_50 = vector.broadcast %max3A : f32 to vector<632x128xf32>
    %max3A_51 = arith.maximumf %add3A_43, %max3A_50 : vector<632x128xf32>
    %mul3A = vector.broadcast %get3A_46 : vector<1x128xf32> to vector<632x128xf32>
    %mul3A_52 = arith.mulf %max3A_51, %mul3A : vector<632x128xf32>
    %add3A_53 = vector.broadcast %get3A_49 : vector<1x128xf32> to vector<632x128xf32>
    %add3A_54 = arith.addf %mul3A_52, %add3A_53 : vector<632x128xf32>
    %mul3A_55 = arith.mulf %add3A_54, %add3A_54 : vector<632x128xf32>
    %reduce_sum3A = arith.constant dense<0.000000e+00> : vector<632xf32>
    %reduce_sum3A_56 = vector.multi_reduction <add>, %mul3A_55, %reduce_sum3A [1] : vector<632x128xf32> to vector<632xf32>
    %broadcast_in_dim3A = vector.shape_cast %reduce_sum3A_56 : vector<632xf32> to vector<632x1xf32>
    %sqrt3A = math.sqrt %broadcast_in_dim3A : vector<632x1xf32>
    %max3A_57 = arith.constant 9.99999996E-13 : f32
    %max3A_58 = vector.broadcast %max3A_57 : f32 to vector<632x1xf32>
    %max3A_59 = arith.maximumf %sqrt3A, %max3A_58 : vector<632x1xf32>
    %div3A_60 = vector.broadcast %max3A_59 : vector<632x1xf32> to vector<632x128xf32>
    %div3A_61 = arith.divf %add3A_54, %div3A_60 : vector<632x128xf32>
    %get3A_62 = arith.constant 0 : index
    %get3A_63 = arith.constant 0 : index
    %get3A_64 = vector.load %arg10[%get3A_62, %get3A_63] : memref<128x128xf32, #tpu.memory_space<vmem>>, vector<128x128xf32>
    %dot_general3A_65 = arith.constant dense<0.000000e+00> : vector<632x128xf32>
    %dot_general3A_66 = tpu.matmul %get3A_1, %get3A_64, %dot_general3A_65 {dimension_numbers = #tpu.dot_dimension_numbers<[1], [0], [0], [1], [0, 0, 1, 1], [], []>, transpose_lhs_hint = false} : vector<632x128xf32>, vector<128x128xf32>, vector<632x128xf32> -> vector<632x128xf32>
    %get3A_67 = arith.constant 0 : index
    %get3A_68 = arith.constant 0 : index
    %get3A_69 = vector.load %arg11[%get3A_67, %get3A_68] : memref<128x128xf32, #tpu.memory_space<vmem>>, vector<128x128xf32>
    %dot_general3A_70 = arith.constant dense<0.000000e+00> : vector<632x128xf32>
    %dot_general3A_71 = tpu.matmul %div3A_61, %get3A_69, %dot_general3A_70 {dimension_numbers = #tpu.dot_dimension_numbers<[1], [0], [0], [1], [0, 0, 1, 1], [], []>, transpose_lhs_hint = false} : vector<632x128xf32>, vector<128x128xf32>, vector<632x128xf32> -> vector<632x128xf32>
    %add3A_72 = arith.addf %dot_general3A_66, %dot_general3A_71 : vector<632x128xf32>
    %get3A_73 = arith.constant 0 : index
    %get3A_74 = arith.constant 0 : index
    %get3A_75 = vector.load %arg12[%get3A_73, %get3A_74] : memref<1x128xf32, #tpu.memory_space<vmem>>, vector<1x128xf32>
    %add3A_76 = vector.broadcast %get3A_75 : vector<1x128xf32> to vector<632x128xf32>
    %add3A_77 = arith.addf %add3A_72, %add3A_76 : vector<632x128xf32>
    %max3A_78 = arith.constant 0.000000e+00 : f32
    %max3A_79 = vector.broadcast %max3A_78 : f32 to vector<632x128xf32>
    %max3A_80 = arith.maximumf %add3A_77, %max3A_79 : vector<632x128xf32>
    %get3A_81 = arith.constant 0 : index
    %get3A_82 = arith.constant 0 : index
    %get3A_83 = vector.load %arg13[%get3A_81, %get3A_82] : memref<128x64xf32, #tpu.memory_space<vmem>>, vector<128x64xf32>
    %dot_general3A_84 = arith.constant dense<0.000000e+00> : vector<632x64xf32>
    %dot_general3A_85 = tpu.matmul %max3A_80, %get3A_83, %dot_general3A_84 {dimension_numbers = #tpu.dot_dimension_numbers<[1], [0], [0], [1], [0, 0, 1, 1], [], []>, transpose_lhs_hint = false} : vector<632x128xf32>, vector<128x64xf32>, vector<632x64xf32> -> vector<632x64xf32>
    %get3A_86 = arith.constant 0 : index
    %get3A_87 = arith.constant 0 : index
    %get3A_88 = vector.load %arg14[%get3A_86, %get3A_87] : memref<1x64xf32, #tpu.memory_space<vmem>>, vector<1x64xf32>
    %add3A_89 = vector.broadcast %get3A_88 : vector<1x64xf32> to vector<632x64xf32>
    %add3A_90 = arith.addf %dot_general3A_85, %add3A_89 : vector<632x64xf32>
    %max3A_91 = arith.constant 0.000000e+00 : f32
    %max3A_92 = vector.broadcast %max3A_91 : f32 to vector<632x64xf32>
    %max3A_93 = arith.maximumf %add3A_90, %max3A_92 : vector<632x64xf32>
    %get3A_94 = arith.constant 0 : index
    %get3A_95 = arith.constant 0 : index
    %get3A_96 = vector.load %arg15[%get3A_94, %get3A_95] : memref<1x64xf32, #tpu.memory_space<vmem>>, vector<1x64xf32>
    %mul3A_97 = vector.broadcast %get3A_96 : vector<1x64xf32> to vector<632x64xf32>
    %mul3A_98 = arith.mulf %max3A_93, %mul3A_97 : vector<632x64xf32>
    %reduce_sum3A_99 = arith.constant dense<0.000000e+00> : vector<632xf32>
    %reduce_sum3A_100 = vector.multi_reduction <add>, %mul3A_98, %reduce_sum3A_99 [1] : vector<632x64xf32> to vector<632xf32>
    %broadcast_in_dim3A_101 = vector.shape_cast %reduce_sum3A_100 : vector<632xf32> to vector<632x1xf32>
    %get3A_102 = arith.constant 0 : index
    %get3A_103 = arith.constant 0 : index
    %get3A_104 = vector.load %arg16[%get3A_102, %get3A_103] : memref<1x1xf32, #tpu.memory_space<vmem>>, vector<1x1xf32>
    %get3A_105 = vector.extract %get3A_104[0, 0] : f32 from vector<1x1xf32>
    %add3A_106 = vector.broadcast %get3A_105 : f32 to vector<632x1xf32>
    %add3A_107 = arith.addf %broadcast_in_dim3A_101, %add3A_106 : vector<632x1xf32>
    %iota3A = tpu.iota {dimensions = array<i32: 1>} : vector<1x632xi32>
    %mul3A_108 = arith.constant 632 : i32
    %mul3A_109 = arith.muli %arg0, %mul3A_108 : i32
    %add3A_110 = vector.broadcast %mul3A_109 : i32 to vector<1x632xi32>
    %add3A_111 = arith.addi %iota3A, %add3A_110 : vector<1x632xi32>
    %get3A_112 = arith.constant 0 : index
    %get3A_113 = arith.constant 0 : index
    %get3A_114 = vector.load %arg4[%get3A_112, %get3A_113] : memref<128x1xi32, #tpu.memory_space<vmem>>, vector<128x1xi32>
    %eq3A = vector.broadcast %get3A_114 : vector<128x1xi32> to vector<128x632xi32>
    %eq3A_115 = vector.broadcast %add3A_111 : vector<1x632xi32> to vector<128x632xi32>
    %eq3A_116 = arith.cmpi eq, %eq3A, %eq3A_115 : vector<128x632xi32>
    %convert_element_type3A = arith.extui %eq3A_116 : vector<128x632xi1> to vector<128x632xi32>
    %convert_element_type3A_117 = arith.sitofp %convert_element_type3A : vector<128x632xi32> to vector<128x632xf32>
    %dot_general3A_118 = arith.constant dense<0.000000e+00> : vector<128x1xf32>
    %dot_general3A_119 = tpu.matmul %convert_element_type3A_117, %add3A_107, %dot_general3A_118 {dimension_numbers = #tpu.dot_dimension_numbers<[1], [0], [0], [1], [0, 0, 1, 1], [], []>, transpose_lhs_hint = false} : vector<128x632xf32>, vector<632x1xf32>, vector<128x1xf32> -> vector<128x1xf32>
    %eq3A_120 = arith.constant 0 : i32
    %eq3A_121 = arith.cmpi eq, %arg0, %eq3A_120 : i32
    %convert_element_type3A_122 = arith.extui %eq3A_121 : i1 to i32
    %cond3A = arith.constant 0 : i32
    %cond3A_123 = arith.cmpi ne, %convert_element_type3A_122, %cond3A : i32
    scf.if %cond3A_123 {
      %broadcast_in_dim3A_135 = arith.constant 0.000000e+00 : f32
      %broadcast_in_dim3A_136 = vector.broadcast %broadcast_in_dim3A_135 : f32 to vector<128x1xf32>
      %swap3A_137 = arith.constant 0 : index
      %swap3A_138 = arith.constant 0 : index
      %swap3A_139 = vector.load %arg22[%swap3A_137, %swap3A_138] : memref<128x1xf32, #tpu.memory_space<vmem>>, vector<128x1xf32>
      tpu.vector_store %arg22[%swap3A_137, %swap3A_138], %broadcast_in_dim3A_136 {strides = array<i32>} : memref<128x1xf32, #tpu.memory_space<vmem>>, vector<128x1xf32>,
    } else {
    }
    %get3A_124 = arith.constant 0 : index
    %get3A_125 = arith.constant 0 : index
    %get3A_126 = vector.load %arg22[%get3A_124, %get3A_125] : memref<128x1xf32, #tpu.memory_space<vmem>>, vector<128x1xf32>
    %add3A_127 = arith.addf %get3A_126, %dot_general3A_119 : vector<128x1xf32>
    %swap3A = arith.constant 0 : index
    %swap3A_128 = arith.constant 0 : index
    %swap3A_129 = vector.load %arg22[%swap3A, %swap3A_128] : memref<128x1xf32, #tpu.memory_space<vmem>>, vector<128x1xf32>
    tpu.vector_store %arg22[%swap3A, %swap3A_128], %add3A_127 {strides = array<i32>} : memref<128x1xf32, #tpu.memory_space<vmem>>, vector<128x1xf32>,
    %eq3A_130 = arith.constant 15 : i32
    %eq3A_131 = arith.cmpi eq, %arg0, %eq3A_130 : i32
    %convert_element_type3A_132 = arith.extui %eq3A_131 : i1 to i32
    %cond3A_133 = arith.constant 0 : i32
    %cond3A_134 = arith.cmpi ne, %convert_element_type3A_132, %cond3A_133 : i32
    scf.if %cond3A_134 {
      %get3A_135 = arith.constant 0 : index
      %get3A_136 = arith.constant 0 : index
      %get3A_137 = vector.load %arg22[%get3A_135, %get3A_136] : memref<128x1xf32, #tpu.memory_space<vmem>>, vector<128x1xf32>
      %iota3A_138 = tpu.iota {dimensions = array<i32: 0>} : vector<128x16xi32>
      %iota3A_139 = tpu.iota {dimensions = array<i32: 1>} : vector<128x16xi32>
      %jit3A = arith.constant 16 : i32
      %eq3A_140 = arith.constant 0 : i32
      %eq3A_141 = arith.cmpi eq, %jit3A, %eq3A_140 : i32
      %jit3A_142 = arith.constant 1 : i32
      %select_n3A = arith.select %eq3A_141, %jit3A_142, %jit3A : i32
      %rem3A = vector.broadcast %select_n3A : i32 to vector<128x16xi32>
      %rem3A_143 = arith.remsi %iota3A_138, %rem3A : vector<128x16xi32>
      %ne3A = arith.constant 0 : i32
      %ne3A_144 = vector.broadcast %ne3A : i32 to vector<128x16xi32>
      %ne3A_145 = arith.cmpi ne, %rem3A_143, %ne3A_144 : vector<128x16xi32>
      %lt3A = arith.constant 0 : i32
      %lt3A_146 = vector.broadcast %lt3A : i32 to vector<128x16xi32>
      %lt3A_147 = arith.cmpi slt, %rem3A_143, %lt3A_146 : vector<128x16xi32>
      %lt3A_148 = arith.constant 0 : i32
      %lt3A_149 = arith.cmpi slt, %select_n3A, %lt3A_148 : i32
      %ne3A_150 = vector.broadcast %lt3A_149 : i1 to vector<128x16xi1>
      %ne3A_151 = vector.broadcast %ne3A_150 : vector<128x16xi1> to vector<128x16xi1>
      %ne3A_152 = arith.xori %lt3A_147, %ne3A_151 : vector<128x16xi1>
      %and3A = arith.andi %ne3A_152, %ne3A_145 : vector<128x16xi1>
      %add3A_153 = vector.broadcast %select_n3A : i32 to vector<128x16xi32>
      %add3A_154 = arith.addi %rem3A_143, %add3A_153 : vector<128x16xi32>
      %select_n3A_155 = arith.select %and3A, %add3A_154, %rem3A_143 : vector<128x16xi1>, vector<128x16xi32>
      %eq3A_156 = arith.cmpi eq, %select_n3A_155, %iota3A_139 : vector<128x16xi32>
      %convert_element_type3A_157 = arith.extui %eq3A_156 : vector<128x16xi1> to vector<128x16xi32>
      %convert_element_type3A_158 = arith.sitofp %convert_element_type3A_157 : vector<128x16xi32> to vector<128x16xf32>
      %iota3A_159 = tpu.iota {dimensions = array<i32: 0>} : vector<8x128xi32>
      %iota3A_160 = tpu.iota {dimensions = array<i32: 1>} : vector<8x128xi32>
      %jit3A_161 = arith.constant 16 : i32
      %div3A_162 = vector.broadcast %jit3A_161 : i32 to vector<8x128xi32>
      %div3A_163 = arith.divsi %iota3A_160, %div3A_162 : vector<8x128xi32>
      %sign3A = arith.constant 0 : i32
      %sign3A_164 = vector.broadcast %sign3A : i32 to vector<8x128xi32>
      %sign3A_165 = arith.cmpi sgt, %iota3A_160, %sign3A_164 : vector<8x128xi32>
      %sign3A_166 = arith.extui %sign3A_165 : vector<8x128xi1> to vector<8x128xi32>
      %sign3A_167 = arith.constant 0 : i32
      %sign3A_168 = vector.broadcast %sign3A_167 : i32 to vector<8x128xi32>
      %sign3A_169 = arith.cmpi slt, %iota3A_160, %sign3A_168 : vector<8x128xi32>
      %sign3A_170 = arith.extui %sign3A_169 : vector<8x128xi1> to vector<8x128xi32>
      %sign3A_171 = arith.subi %sign3A_166, %sign3A_170 : vector<8x128xi32>
      %sign3A_172 = arith.constant 0 : i32
      %sign3A_173 = arith.cmpi sgt, %jit3A_161, %sign3A_172 : i32
      %sign3A_174 = arith.extui %sign3A_173 : i1 to i32
      %sign3A_175 = arith.constant 0 : i32
      %sign3A_176 = arith.cmpi slt, %jit3A_161, %sign3A_175 : i32
      %sign3A_177 = arith.extui %sign3A_176 : i1 to i32
      %sign3A_178 = arith.subi %sign3A_174, %sign3A_177 : i32
      %ne3A_179 = vector.broadcast %sign3A_178 : i32 to vector<8x128xi32>
      %ne3A_180 = arith.cmpi ne, %sign3A_171, %ne3A_179 : vector<8x128xi32>
      %rem3A_181 = vector.broadcast %jit3A_161 : i32 to vector<8x128xi32>
      %rem3A_182 = arith.remsi %iota3A_160, %rem3A_181 : vector<8x128xi32>
      %ne3A_183 = arith.constant 0 : i32
      %ne3A_184 = vector.broadcast %ne3A_183 : i32 to vector<8x128xi32>
      %ne3A_185 = arith.cmpi ne, %rem3A_182, %ne3A_184 : vector<8x128xi32>
      %and3A_186 = arith.andi %ne3A_180, %ne3A_185 : vector<8x128xi1>
      %sub3A = arith.constant 1 : i32
      %sub3A_187 = vector.broadcast %sub3A : i32 to vector<8x128xi32>
      %sub3A_188 = arith.subi %div3A_163, %sub3A_187 : vector<8x128xi32>
      %select_n3A_189 = arith.select %and3A_186, %sub3A_188, %div3A_163 : vector<8x128xi1>, vector<8x128xi32>
      %eq3A_190 = arith.cmpi eq, %select_n3A_189, %iota3A_159 : vector<8x128xi32>
      %convert_element_type3A_191 = arith.extui %eq3A_190 : vector<8x128xi1> to vector<8x128xi32>
      %convert_element_type3A_192 = arith.sitofp %convert_element_type3A_191 : vector<8x128xi32> to vector<8x128xf32>
      %mul3A_193 = vector.broadcast %get3A_137 : vector<128x1xf32> to vector<128x16xf32>
      %mul3A_194 = arith.mulf %mul3A_193, %convert_element_type3A_158 : vector<128x16xf32>
      %dot_general3A_195 = arith.constant dense<0.000000e+00> : vector<8x16xf32>
      %dot_general3A_196 = tpu.matmul %convert_element_type3A_192, %mul3A_194, %dot_general3A_195 {dimension_numbers = #tpu.dot_dimension_numbers<[1], [0], [0], [1], [0, 0, 1, 1], [], []>, transpose_lhs_hint = false} : vector<8x128xf32>, vector<128x16xf32>, vector<8x16xf32> -> vector<8x16xf32>
      %get3A_197 = arith.constant 0 : index
      %get3A_198 = arith.constant 0 : index
      %get3A_199 = vector.load %arg17[%get3A_197, %get3A_198] : memref<16x64xf32, #tpu.memory_space<vmem>>, vector<16x64xf32>
      %dot_general3A_200 = arith.constant dense<0.000000e+00> : vector<8x64xf32>
      %dot_general3A_201 = tpu.matmul %dot_general3A_196, %get3A_199, %dot_general3A_200 {dimension_numbers = #tpu.dot_dimension_numbers<[1], [0], [0], [1], [0, 0, 1, 1], [], []>, transpose_lhs_hint = false} : vector<8x16xf32>, vector<16x64xf32>, vector<8x64xf32> -> vector<8x64xf32>
      %get3A_202 = arith.constant 0 : index
      %get3A_203 = arith.constant 0 : index
      %get3A_204 = vector.load %arg18[%get3A_202, %get3A_203] : memref<1x64xf32, #tpu.memory_space<vmem>>, vector<1x64xf32>
      %add3A_205 = vector.broadcast %get3A_204 : vector<1x64xf32> to vector<8x64xf32>
      %add3A_206 = arith.addf %dot_general3A_201, %add3A_205 : vector<8x64xf32>
      %max3A_207 = arith.constant 0.000000e+00 : f32
      %max3A_208 = vector.broadcast %max3A_207 : f32 to vector<8x64xf32>
      %max3A_209 = arith.maximumf %add3A_206, %max3A_208 : vector<8x64xf32>
      %get3A_210 = arith.constant 0 : index
      %get3A_211 = arith.constant 0 : index
      %get3A_212 = vector.load %arg19[%get3A_210, %get3A_211] : memref<64x16xf32, #tpu.memory_space<vmem>>, vector<64x16xf32>
      %dot_general3A_213 = arith.constant dense<0.000000e+00> : vector<8x16xf32>
      %dot_general3A_214 = tpu.matmul %max3A_209, %get3A_212, %dot_general3A_213 {dimension_numbers = #tpu.dot_dimension_numbers<[1], [0], [0], [1], [0, 0, 1, 1], [], []>, transpose_lhs_hint = false} : vector<8x64xf32>, vector<64x16xf32>, vector<8x16xf32> -> vector<8x16xf32>
      %get3A_215 = arith.constant 0 : index
      %get3A_216 = arith.constant 0 : index
      %get3A_217 = vector.load %arg20[%get3A_215, %get3A_216] : memref<1x16xf32, #tpu.memory_space<vmem>>, vector<1x16xf32>
      %add3A_218 = vector.broadcast %get3A_217 : vector<1x16xf32> to vector<8x16xf32>
      %add3A_219 = arith.addf %dot_general3A_214, %add3A_218 : vector<8x16xf32>
      %swap3A_220 = arith.constant 0 : index
      %swap3A_221 = arith.constant 0 : index
      %swap3A_222 = vector.load %arg21[%swap3A_220, %swap3A_221] : memref<8x16xf32, #tpu.memory_space<vmem>>, vector<8x16xf32>
      tpu.vector_store %arg21[%swap3A_220, %swap3A_221], %add3A_219 {strides = array<i32>} : memref<8x16xf32, #tpu.memory_space<vmem>>, vector<8x16xf32>,
    } else {
    }
    return
  }
  func.func @transform_0(%arg0: i32) -> (i32, i32) {
    %c0_i32 = arith.constant 0 : i32
    %c0_i32_0 = arith.constant 0 : i32
    return %arg0, %c0_i32 : i32, i32
  }
  func.func @transform_1(%arg0: i32) -> (i32, i32, i32) {
    %c0_i32 = arith.constant 0 : i32
    %c0_i32_0 = arith.constant 0 : i32
    %c0_i32_1 = arith.constant 0 : i32
    return %c0_i32, %arg0, %c0_i32_0 : i32, i32, i32
  }
  func.func @transform_2(%arg0: i32) -> (i32, i32, i32) {
    %c0_i32 = arith.constant 0 : i32
    %c0_i32_0 = arith.constant 0 : i32
    %c0_i32_1 = arith.constant 0 : i32
    return %c0_i32, %arg0, %c0_i32_0 : i32, i32, i32
  }
  func.func @transform_3(%arg0: i32) -> (i32, i32) {
    %c0_i32 = arith.constant 0 : i32
    %c0_i32_0 = arith.constant 0 : i32
    %c0_i32_1 = arith.constant 0 : i32
    return %c0_i32, %c0_i32_0 : i32, i32
  }
  func.func @transform_4(%arg0: i32) -> (i32, i32) {
    %c0_i32 = arith.constant 0 : i32
    %c0_i32_0 = arith.constant 0 : i32
    %c0_i32_1 = arith.constant 0 : i32
    return %c0_i32, %c0_i32_0 : i32, i32
  }
  func.func @transform_5(%arg0: i32) -> (i32, i32) {
    %c0_i32 = arith.constant 0 : i32
    %c0_i32_0 = arith.constant 0 : i32
    %c0_i32_1 = arith.constant 0 : i32
    return %c0_i32, %c0_i32_0 : i32, i32
  }
  func.func @transform_6(%arg0: i32) -> (i32, i32) {
    %c0_i32 = arith.constant 0 : i32
    %c0_i32_0 = arith.constant 0 : i32
    %c0_i32_1 = arith.constant 0 : i32
    return %c0_i32, %c0_i32_0 : i32, i32
  }
  func.func @transform_7(%arg0: i32) -> (i32, i32) {
    %c0_i32 = arith.constant 0 : i32
    %c0_i32_0 = arith.constant 0 : i32
    %c0_i32_1 = arith.constant 0 : i32
    return %c0_i32, %c0_i32_0 : i32, i32
  }
  func.func @transform_8(%arg0: i32) -> (i32, i32) {
    %c0_i32 = arith.constant 0 : i32
    %c0_i32_0 = arith.constant 0 : i32
    %c0_i32_1 = arith.constant 0 : i32
    return %c0_i32, %c0_i32_0 : i32, i32
  }
  func.func @transform_9(%arg0: i32) -> (i32, i32) {
    %c0_i32 = arith.constant 0 : i32
    %c0_i32_0 = arith.constant 0 : i32
    %c0_i32_1 = arith.constant 0 : i32
    return %c0_i32, %c0_i32_0 : i32, i32
  }
  func.func @transform_10(%arg0: i32) -> (i32, i32) {
    %c0_i32 = arith.constant 0 : i32
    %c0_i32_0 = arith.constant 0 : i32
    %c0_i32_1 = arith.constant 0 : i32
    return %c0_i32, %c0_i32_0 : i32, i32
  }
  func.func @transform_11(%arg0: i32) -> (i32, i32) {
    %c0_i32 = arith.constant 0 : i32
    %c0_i32_0 = arith.constant 0 : i32
    %c0_i32_1 = arith.constant 0 : i32
    return %c0_i32, %c0_i32_0 : i32, i32
  }
  func.func @transform_12(%arg0: i32) -> (i32, i32) {
    %c0_i32 = arith.constant 0 : i32
    %c0_i32_0 = arith.constant 0 : i32
    %c0_i32_1 = arith.constant 0 : i32
    return %c0_i32, %c0_i32_0 : i32, i32
  }
  func.func @transform_13(%arg0: i32) -> (i32, i32) {
    %c0_i32 = arith.constant 0 : i32
    %c0_i32_0 = arith.constant 0 : i32
    %c0_i32_1 = arith.constant 0 : i32
    return %c0_i32, %c0_i32_0 : i32, i32
  }
  func.func @transform_14(%arg0: i32) -> (i32, i32) {
    %c0_i32 = arith.constant 0 : i32
    %c0_i32_0 = arith.constant 0 : i32
    %c0_i32_1 = arith.constant 0 : i32
    return %c0_i32, %c0_i32_0 : i32, i32
  }
  func.func @transform_15(%arg0: i32) -> (i32, i32) {
    %c0_i32 = arith.constant 0 : i32
    %c0_i32_0 = arith.constant 0 : i32
    %c0_i32_1 = arith.constant 0 : i32
    return %c0_i32, %c0_i32_0 : i32, i32
  }
  func.func @transform_16(%arg0: i32) -> (i32, i32) {
    %c0_i32 = arith.constant 0 : i32
    %c0_i32_0 = arith.constant 0 : i32
    %c0_i32_1 = arith.constant 0 : i32
    return %c0_i32, %c0_i32_0 : i32, i32
  }
  func.func @transform_17(%arg0: i32) -> (i32, i32) {
    %c0_i32 = arith.constant 0 : i32
    %c0_i32_0 = arith.constant 0 : i32
    %c0_i32_1 = arith.constant 0 : i32
    return %c0_i32, %c0_i32_0 : i32, i32
  }
  func.func @transform_18(%arg0: i32) -> (i32, i32) {
    %c0_i32 = arith.constant 0 : i32
    %c0_i32_0 = arith.constant 0 : i32
    %c0_i32_1 = arith.constant 0 : i32
    return %c0_i32, %c0_i32_0 : i32, i32
  }
  func.func @transform_19(%arg0: i32) -> (i32, i32) {
    %c0_i32 = arith.constant 0 : i32
    %c0_i32_0 = arith.constant 0 : i32
    %c0_i32_1 = arith.constant 0 : i32
    return %c0_i32, %c0_i32_0 : i32, i32
  }
  func.func @transform_20(%arg0: i32) -> (i32, i32) {
    %c0_i32 = arith.constant 0 : i32
    %c0_i32_0 = arith.constant 0 : i32
    %c0_i32_1 = arith.constant 0 : i32
    return %c0_i32, %c0_i32_0 : i32, i32
  }
}

</mosaic_0001>

<sc_bundles>
// kernel: kernel.10.cloned.1.call-start
scs
__scs_entry_jumppad:
0x0: {  	(pc) =	sbr.rel $0x88, $3  }
0x1: {  	(tag) =	ssettag $0x0;
	lr =	simm.s32 $0x1  }
0x2: {  	[smem:$0x3F89] =	sst lr;
	_ =	strace $0xD0000000  }
0x3: {  	_ = 	snop  }
0x4: {  	_ = 	snop  }
0x5: {  	_ = 	snop  }
0x6: {  	_ = 	snop  }
0x7: {  	_ = 	snop  }
__scs_overlays_trampoline_lowered:
0x8: {  	[smem:$0x3F98] =	sst s0  }
0x9: {  	[smem:$0x3F99] =	sst s1  }
0xa: {  	[smem:$0x3F9A] =	sst s2  }
0xb: {  	[smem:$0x3F9B] =	sst s3  }
0xc: {  	[smem:$0x3F9C] =	sst s4  }
0xd: {  	[smem:$0x3F9D] =	sst s5  }
0xe: {  	[smem:$0x3F9E] =	sst s6  }
0xf: {  	[smem:$0x3F9F] =	sst s7  }
0x10: {  	[smem:$0x3FA0] =	sst s8  }
0x11: {  	[smem:$0x3FA1] =	sst s9;
	s0 =	simm.s32 @!p0 $0x0  }
0x12: {  	s1 =	sld [smem:$0x3F87];
	s0 =	simm.s32 @p0 $0x1  }
0x13: {  	[smem:$0x3FA2] =	sst s0;
	s0 =	simm.s32 @!p1 $0x0  }
0x14: {  	s2 =	sld [smem:$0x3F86];
	s0 =	simm.s32 @p1 $0x1  }
0x15: {  	[smem:$0x3FA3] =	sst s0;
	s0 =	simm.s32 @!p2 $0x0  }
0x16: {  	s3 =	sld [smem:$0x3FDB];
	s0 =	simm.s32 @p2 $0x1  }
0x17: {  	s4 =	simm.s32 $0x1BF5;
	[smem:$0x3FA5] =	sst s0  }
0x18: {  	s0 =	sld [smem:$0x3F88];
	_ =	swait.ge [sflag:s4], $0x0  }
0x19: {  	s7 =	sld [smem:$0x3F89]  }
0x1a: {  	s8 =	sadd.s32 $0xFFFFE003, lr  }
0x1b: {  	s9 =	sadd.s32 $0xFFFFFEF7, lr;
	s5 =	simm.s32 $0xFFFFFFFF;
	p2 =	slt.u32 s8, $0xFFFFF086  }
0x1c: {  	p1 =	slt.u32 s9, $0xF7A;
	s5 =	simm.s32 @!p2 $0x0  }
0x1d: {  	s5 =	simm.s32 @p1 $0x1;
	p0 =	seq.s32 s7, s2  }
0x1e: {  	s7 =	smul.u32 @!p0 $0xF7A, s2;
	p2 =	seq.s32 @!p0 s5, $0x0  }
0x1f: {  	s9 =	smul.u32 $0xF7A, s1;
	s8 =	simm.s32 @!p0 $0x1BF5;
	p2 =	por !p2, p0  }
0x20: {  	[sflag:s8] =	ssyncset.s32 @!p0 $0xFFFFF086;
	s6 =	sadd.s32 @!p0 s3, s7;
	s7 =	simm.s32 @!p0 $0x108  }
0x21: {  	s3 =	sadd.s32 s3, s9;
	s6 =	sadd.s32 @!p0 $0x88, s6;
	s7 =	simm.s32 @p2 $0x1082  }
0x22: {  	[simem:s7], [sflag:s8] =	dma.local @!p0 [hbm:s6], $0xF7A  }
0x23: {  	s9 =	sor.u32 $0xD0000000, s2;
	s6 =	simm.s32 $0x108;
	_ =	swait.ge @!p0 [sflag:s8], $0x0  }
0x24: {  	s3 =	sadd.s32 $0x88, s3;
	s6 =	simm.s32 @!p1 $0x1082;
	[sflag:s4] =	ssyncset.s32 $0xFFFFF086  }
0x25: {  	[simem:s6], [sflag:s4] =	dma.local [hbm:s3], $0xF7A  }
0x26: {  	[smem:$0x3F89] =	sst s1;
	(tag) =	ssettag s2;
	_ =	strace s9  }
0x27: {  	s1 =	sld [smem:$0x3F99]  }
0x28: {  	s2 =	sld [smem:$0x3F9A]  }
0x29: {  	s4 =	sld [smem:$0x3F9C]  }
0x2a: {  	p0 =	seq.s32 s5, $0x0;
	s5 =	sld [smem:$0x3F9D]  }
0x2b: {  	s6 =	sld [smem:$0x3F9E]  }
0x2c: {  	s7 =	sld [smem:$0x3F9F]  }
0x2d: {  	s3 =	simm.s32 $0x108;
	s8 =	sld [smem:$0x3FA0]  }
0x2e: {  	s3 =	simm.s32 @!p0 $0x1082;
	s9 =	sld [smem:$0x3FA1]  }
0x2f: {  	lr =	sadd.s32 s0, s3;
	s0 =	sld [smem:$0x3F98]  }
0x30: {  	s3 =	sld [smem:$0x3F9B]  }
0x31: {  	[smem:$0x3FA4] =	sst s10  }
0x32: {  	s10 =	sld [smem:$0x3FA2];
	_ =	sdelay $0x3  }
0x33: {  	p0 =	seq.s32 s10, $0x1;
	s10 =	sld [smem:$0x3FA4];
	_ =	sdelay $0x3  }
0x34: {  	[smem:$0x3FA4] =	sst s10  }
0x35: {  	s10 =	sld [smem:$0x3FA3];
	_ =	sdelay $0x3  }
0x36: {  	p1 =	seq.s32 s10, $0x1;
	s10 =	sld [smem:$0x3FA4];
	_ =	sdelay $0x3  }
0x37: {  	[smem:$0x3FA4] =	sst s10  }
0x38: {  	s10 =	sld [smem:$0x3FA5]  }
0x39: {  	_ = 	snop;
	(pc) =	sbr.ind lr, $3  }
0x3a: {  	_ = 	snop  }
0x3b: {  	_ = 	snop  }
0x3c: {  	p2 =	seq.s32 s10, $0x1;
	s10 =	sld [smem:$0x3FA4]  }
0x3d: {  	_ =	shalt  }
0x3e: {  	_ =	shalt  }
0x3f: {  	_ =	shalt  }
0x40: {  	_ =	shalt  }
0x41: {  	_ =	shalt  }
0x42: {  	_ =	shalt  }
0x43: {  	_ =	shalt  }
0x44: {  	_ =	shalt  }
0x45: {  	_ =	shalt  }
0x46: {  	_ =	shalt  }
0x47: {  	_ =	shalt  }
0x48: {  	_ =	shalt  }
0x49: {  	_ =	shalt  }
0x4a: {  	_ =	shalt  }
0x4b: {  	_ =	shalt  }
0x4c: {  	_ =	shalt  }
0x4d: {  	_ =	shalt  }
0x4e: {  	_ =	shalt  }
0x4f: {  	_ =	shalt  }
0x50: {  	_ =	shalt  }
0x51: {  	_ =	shalt  }
0x52: {  	_ =	shalt  }
0x53: {  	_ =	shalt  }
0x54: {  	_ =	shalt  }
0x55: {  	_ =	shalt  }
0x56: {  	_ =	shalt  }
0x57: {  	_ =	shalt  }
0x58: {  	_ =	shalt  }
0x59: {  	_ =	shalt  }
0x5a: {  	_ =	shalt  }
0x5b: {  	_ =	shalt  }
0x5c: {  	_ =	shalt  }
0x5d: {  	_ =	shalt  }
0x5e: {  	_ =	shalt  }
0x5f: {  	_ =	shalt  }
0x60: {  	_ =	shalt  }
0x61: {  	_ =	shalt  }
0x62: {  	_ =	shalt  }
0x63: {  	_ =	shalt  }
0x64: {  	_ =	shalt  }
0x65: {  	_ =	shalt  }
0x66: {  	_ =	shalt  }
0x67: {  	_ =	shalt  }
0x68: {  	_ =	shalt  }
0x69: {  	_ =	shalt  }
0x6a: {  	_ =	shalt  }
0x6b: {  	_ =	shalt  }
0x6c: {  	_ =	shalt  }
0x6d: {  	_ =	shalt  }
0x6e: {  	_ =	shalt  }
0x6f: {  	_ =	shalt  }
0x70: {  	_ =	shalt  }
0x71: {  	_ =	shalt  }
0x72: {  	_ =	shalt  }
0x73: {  	_ =	shalt  }
0x74: {  	_ =	shalt  }
0x75: {  	_ =	shalt  }
0x76: {  	_ =	shalt  }
0x77: {  	_ =	shalt  }
0x78: {  	_ =	shalt  }
0x79: {  	_ =	shalt  }
0x7a: {  	_ =	shalt  }
0x7b: {  	_ =	shalt  }
0x7c: {  	_ =	shalt  }
0x7d: {  	_ =	shalt  }
0x7e: {  	_ =	shalt  }
0x7f: {  	_ =	shalt  }
0x80: {  	_ =	shalt  }
0x81: {  	_ =	shalt  }
0x82: {  	_ =	shalt  }
0x83: {  	_ =	shalt  }
0x84: {  	_ =	shalt  }
0x85: {  	_ =	shalt  }
0x86: {  	_ =	shalt  }
0x87: {  	_ =	shalt  }
.Lfunc_end0:
.L_simem_size_0:
called_computation.1_lowered:
.L_overlay_start_0:
0x88: {  	s2 =	sld [smem:$0x3FD9]  }
0x89: {  	s3 =	sld [smem:$0x3FFE];
	_ =	sdelay $0x1  }
0x8a: {  	s1 =	srdreg.scid  }
0x8b: {  	s0 =	sand.u32 $0x1, s1  }
0x8c: {  	s16 =	sshll.u32 s0, $0xA;
	s2 =	sadd.s32 s3, s2  }
0x8d: {  	s2 =	sadd.s32 s2, s16  }
0x8e: {  	[smem:$0x3FB0] =	sst s2  }
0x8f: {  	_ = 	snop  }
0x90: {  	(tm) =	ssettm $0x1  }
0x91: {  	s17 =	sld [smem:$0x3FFB];
	_ =	sdelay $0x3  }
0x92: {  	_ =	strace s17  }
0x93: {  	s2 =	sld [smem:$0x3FFC];
	_ =	sdelay $0x3  }
0x94: {  	_ =	strace s2  }
0x95: {  	s2 =	sld [smem:$0x3FFD];
	_ =	sdelay $0x3  }
0x96: {  	_ =	strace s2  }
0x97: {  	_ =	strace $0x8FFFFFFF  }
0x98: {  	s18 =	sld [smem:$0x3FDB];
	_ =	sdelay $0x1  }
0x99: {  	s19 =	simm.s32 $_scs_section_size  }
0x9a: {  	s4 =	simm.s32 $_size__tile_overlayer_lowered;
	s5 =	simm.s32 $_tile_overlayer_lowered  }
0x9b: {  	s22 =	simm.s32 $0x1BFF;
	s21 =	sshll.u32 s5, $0x1;
	s2 =	sadd.s32 s19, s18  }
0x9c: {  	s6 =	simm.s32 $0x0;
	s20 =	sshll.u32 s4, $0x1;
	s4 =	sadd.s32 s21, s2  }
0x9d: {  	[timem:s6], [sflag:s22] =	dma.local [hbm:s4], s20  }
0x9e: {  	_ =	swait.ge [sflag:s22], s20  }
0x9f: {  	s3 =	ssub.s32 $0x0, s20;
	[sflag:s22] =	ssyncset.done $0x0  }
0xa0: {  	[sflag:s22] =	ssyncadd.s32 s3;
	_ =	sdelay $0x1  }
0xa1: {  	s23 =	simm.s32 $0x1B8B  }
0xa2: {  	_ =	swait.ge [sflag:s23], $0x1  }
0xa3: {  	[sflag:s23] =	ssyncset.done $0x0  }
0xa4: {  	s25 =	simm.s32 $0x1B8E;
	s24 =	sld [smem:$0x3FFE];
	[sflag:s23] =	ssyncadd.s32 $0xFFFFFFFF  }
0xa5: {  	s26 =	simm.s32 $execute0_lowered;
	[smem:$0x3FD2] =	sst s25  }
0xa6: {  	s4 =	sshll.u32 s26, $0x1;
	_ =	strace $0x80000049;
	[dreg:$0x1] =	wrdreg $0xFFFFFFFF  }
0xa7: {  	s28 =	simm.s32 $_size_execute0_lowered;
	s2 =	sadd.s32 s2, s4;
	[dreg:$0x0] =	wrdreg $0x0  }
0xa8: {  	s4 =	sshll.u32 s28, $0x1;
	[dreg:$0x2] =	wrdreg s2  }
0xa9: {  	[dreg:$0x3] =	wrdreg s4  }
0xaa: {  	[dreg:$0x4] =	wrdreg $0xC0  }
0xab: {  	_ =	task [dreg:s6], $0x5FFFF  }
0xac: {  	[dreg:$0x1] =	wrdreg $0xFFFFFFFF  }
0xad: {  	[dreg:$0x0] =	wrdreg $0x60  }
0xae: {  	[dreg:$0x2] =	wrdreg s24  }
0xaf: {  	[dreg:$0x3] =	wrdreg $0x84000  }
0xb0: {  	[dreg:$0x4] =	wrdreg $0x9  }
0xb1: {  	_ =	task.clear_ibuf [dreg:s6], $0x5FFFF;
	_ =	strace $0x90000049  }
0xb2: {  	s29 =	simm.s32 $0x9;
	_ =	strace $0x8000004B  }
0xb3: {  	_ =	swait.ge [sflag:s29], $0x1  }
0xb4: {  	[sflag:s29] =	ssyncadd.s32 $0xFFFFFFFF  }
0xb5: {  	_ =	strace $0x9000004B  }
0xb6: {  	_ =	sfence  }
0xb7: {  	s30 =	sld [smem:$0x0];
	_ =	sdelay $0x2  }
0xb8: {  	s31 =	sshll.u32 s1, $0xD;
	s1 =	sshrl.u32 s1, $0x2  }
0xb9: {  	s3 =	sand.u32 $0x4000, s31;
	s1 =	sadd.s32 s1, s30  }
0xba: {  	s0 =	sor.u32 s3, s0;
	s1 =	sshll.u32 s1, $0x11  }
0xbb: {  	s0 =	sor.u32 s1, s0  }
0xbc: {  	s0 =	sadd.s32 $0x8F2B, s0  }
0xbd: {  	[sflag:s0] =	ssyncadd.remote.s32 $0x1  }
0xbe: {  	_ =	sfence.sel $0xFFFF  }
0xbf: {  	[dreg:$0x0] =	wrdreg $0xFFFFFFFF;
	(pc) =	sbr.abs _section_cstart, $3  }
0xc0: {  	[dreg:$0x1] =	wrdreg $0xFFFFFFFF  }
0xc1: {  	_ =	task.clear_ibuf [dreg:s6], $0x2FFFF;
	_ =	strace $0x9FFFFFFF  }
0xc2: {  	(tm) =	ssettm $0x7FFFFFFF  }
0xc3: {  	_ =	shalt  }
tec
execute0_lowered:
.L_overlay_start_1:
0x0: {  	(tag) =	ssettag $0x1  }
0x1: {  	s1 =	rddreg [dreg:$0x0]  }
0x2: {  	s2 =	rddreg [dreg:$0x1]  }
0x3: {  	s3 =	simm.s32 $0x0;
	s13 =	stileid.u32;
	s0 =	srdreg.scid  }
0x4: {  	s28 =	simm.s32 $0x400;
	s29 =	simm.s32 $0x2;
	s30 =	simm.s32 $0x4400  }
0x5: {  	s31 =	simm.s32 $0x5;
	[smem:$0x7FF] =	sst s3;
	s6 =	smul.u32 $0x13C00, s13  }
0x6: {  	s7 =	sand.u32 $0x1, s0;
	s4 =	sadd.s32 $0x66E00, s1;
	s9 =	sadd.s32 $0xE000, s1  }
0x7: {  	s0 =	sadd.s32 $0x4200, s1;
	s11 =	sshll.u32 s13, $0x1;
	p0 =	slt.u32 s13, $0x2  }
0x8: {  	s16 =	sshll.u32 s13, $0x6;
	s18 =	smul.u32 $0x9C, s13;
	_ =	strace $0x8000004A  }
0x9: {  	s8 =	smul.u32 $0x13C000, s7;
	s26 =	ssub.s32 $0x2, s7;
	s11 =	sor.u32 s7, s11  }
0xa: {  	s7 =	smul.u32 $0x4E, s7;
	s5 =	sshrl.u32 s6, $0x3;
	s12 =	sshrl.u32 s26, $0x1  }
0xb: {  	s14 =	smul.u32 $0x4E, s11;
	s11 =	smin.u32 s11, $0x4;
	s10 =	sadd.s32 s5, s1  }
0xc: {  	s25 =	sadd.s32 s6, s8;
	s12 =	ssub.s32 s26, s12;
	s6 =	sadd.s32 s6, s2  }
0xd: {  	s5 =	sshrl.u32 s25, $0x3;
	s8 =	sadd.s32 s11, s14;
	[dreg:$0xf] =	wrdreg s6  }
0xe: {  	s15 =	sadd.s32 $0x8E600, s10;
	s6 =	sadd.s32 s7, s18;
	s10 =	sshll.u32 s8, $0x4  }
0xf: {  	s1 =	sadd.s32 s5, s1;
	[dreg:$0x10] =	wrdreg s15;
	s17 =	sadd.s32 s9, s10  }
0x10: {  	s19 =	sadd.s32 s0, s10;
	s20 =	sadd.s32 $0x10, s10;
	[dreg:$0x11] =	wrdreg s17  }
0x11: {  	s5 =	simm.s32 $0x4F;
	[dreg:$0x12] =	wrdreg s19;
	s14 =	sadd.s32 s9, s20  }
0x12: {  	s21 =	sadd.s32 $0x20, s10;
	s13 =	sadd.s32 s0, s20;
	[dreg:$0x13] =	wrdreg s14  }
0x13: {  	s5 =	simm.s32 @!p0 $0x4E;
	s22 =	sadd.s32 s9, s21;
	[dreg:$0x14] =	wrdreg s13  }
0x14: {  	s8 =	sor.u32 $0x1C07, s16;
	s15 =	sadd.s32 $0xFFFFFFFE, s5;
	[dreg:$0x15] =	wrdreg s22  }
0x15: {  	s6 =	sadd.s32 s11, s6;
	s23 =	sadd.s32 $0xFFFFFFFD, s5;
	[dreg:$0x3] =	wrdreg s15  }
0x16: {  	s6 =	sshll.u32 s6, $0x4;
	s24 =	sadd.s32 $0xFFFFFFFC, s5;
	[dreg:$0x4] =	wrdreg s23  }
0x17: {  	s10 =	sadd.s32 $0x30, s10;
	s25 =	sadd.s32 $0xFFFFFFFB, s5;
	[dreg:$0x5] =	wrdreg s24  }
0x18: {  	s26 =	sadd.s32 $0x70, s6;
	s15 =	sadd.s32 s0, s21;
	[dreg:$0x6] =	wrdreg s25  }
0x19: {  	s18 =	sadd.s32 $0x60, s6;
	s16 =	sadd.s32 s26, s9;
	[dreg:$0x16] =	wrdreg s15  }
0x1a: {  	s17 =	sadd.s32 s26, s0;
	s19 =	sadd.s32 s18, s9;
	[dreg:$0x7] =	wrdreg s16  }
0x1b: {  	s20 =	sadd.s32 s18, s0;
	s21 =	sadd.s32 s6, s9;
	[dreg:$0x8] =	wrdreg s17  }
0x1c: {  	s23 =	sadd.s32 s6, s0;
	s6 =	sadd.s32 $0x50, s6;
	[dreg:$0x9] =	wrdreg s19  }
0x1d: {  	s25 =	sadd.s32 s9, s10;
	s18 =	smax.u32 s12, $0x1;
	[dreg:$0xa] =	wrdreg s20  }
0x1e: {  	s22 =	sadd.s32 $0x40, s21;
	s24 =	sadd.s32 $0x40, s23;
	[dreg:$0x17] =	wrdreg s25  }
0x1f: {  	s26 =	sadd.s32 s6, s9;
	s16 =	sadd.s32 s0, s10;
	[dreg:$0xb] =	wrdreg s22  }
0x20: {  	s0 =	sadd.s32 s6, s0;
	s17 =	sadd.s32 $0xB5E00, s1;
	[dreg:$0xc] =	wrdreg s24  }
0x21: {  	s19 =	simm.s32 $0x200;
	s20 =	simm.s32 $0x80;
	[dreg:$0xd] =	wrdreg s26  }
0x22: {  	s21 =	simm.s32 $0x280;
	s1 =	simm.s32 $0x6;
	[dreg:$0xe] =	wrdreg s0  }
0x23: {  	s26 =	simm.s32 $0x1;
	s0 =	simm.s32 $0x7;
	s22 =	simm.s32 $0x0  }
.LBB2_1:
0x24: {  	s6 =	rddreg [dreg:$0xf]  }
0x25: {  	s24 =	rddreg [dreg:$0x10];
	s23 =	sshrl.u32 s6, $0x3  }
0x26: {  	[spmem:s23], [sflag:s8] =	dma.local [hbm:s24], $0x2780  }
0x27: {  	_ =	swait.ge [sflag:s0], $0x2780  }
0x28: {  	[sflag:s0] =	ssyncset.done $0x0  }
0x29: {  	[sflag:s0] =	ssyncadd.s32 $0xFFFFD880  }
0x2a: {  	[bflag:$0x0] =	sbarrier.arrive $0xFFFF  }
0x2b: {  	s25 =	rddreg [dreg:$0x11]  }
0x2c: {  	[tilespmem:s3], [sflag:$0x1] =	stream.linear.gather [hbm4b:s25+s3], $0x80, $0x38;
	[tilespmem:$0x1C000] =	vst v63  }
0x2d: {  	s7 =	rddreg [dreg:$0x12]  }
0x2e: {  	[tilespmem:s19], [sflag:$0x1] =	stream.linear.gather [hbm4b:s7+s3], $0x80, $0x38;
	[tilespmem:$0x1C000] =	vst v63  }
0x2f: {  	s9 =	rddreg [dreg:$0x13]  }
0x30: {  	[tilespmem:s20], [sflag:$0x2] =	stream.linear.gather [hbm4b:s9+s3], $0x80, $0x38;
	[tilespmem:$0x1C000] =	vst v63  }
0x31: {  	s10 =	rddreg [dreg:$0x14]  }
0x32: {  	[tilespmem:s21], [sflag:$0x2] =	stream.linear.gather [hbm4b:s10+s3], $0x80, $0x38;
	[tilespmem:$0x1C000] =	vst v63  }
0x33: {  	s11 =	rddreg [dreg:$0x15];
	s7 =	simm.s32 $0x100  }
0x34: {  	[tilespmem:s7], [sflag:$0x3] =	stream.linear.gather [hbm4b:s11+s3], $0x80, $0x38;
	[tilespmem:$0x1C000] =	vst v63  }
0x35: {  	s13 =	simm.s32 $0x300;
	s12 =	rddreg [dreg:$0x16]  }
0x36: {  	[tilespmem:s13], [sflag:$0x3] =	stream.linear.gather [hbm4b:s12+s3], $0x80, $0x38;
	[tilespmem:$0x1C000] =	vst v63  }
0x37: {  	s15 =	simm.s32 $0x180;
	s14 =	rddreg [dreg:$0x17]  }
0x38: {  	[tilespmem:s15], [sflag:$0x4] =	stream.linear.gather [hbm4b:s14+s3], $0x80, $0x38;
	[tilespmem:$0x1C000] =	vst v63  }
0x39: {  	s24 =	simm.s32 $0x380  }
0x3a: {  	[tilespmem:s24], [sflag:$0x4] =	stream.linear.gather [hbm4b:s16+s3], $0x80, $0x38;
	[tilespmem:$0x1C000] =	vst v63  }
0x3b: {  	_ =	swait.ge [sflag:s26], $0x80  }
0x3c: {  	[sflag:s26] =	ssyncset.done $0x0  }
0x3d: {  	[sflag:s26] =	ssyncadd.s32 $0xFFFFFF80  }
0x3e: {  	_ =	swait.ge [sflag:s26], $0x80  }
0x3f: {  	[sflag:s26] =	ssyncset.done $0x0  }
0x40: {  	[sflag:s26] =	ssyncadd.s32 $0xFFFFFF80  }
0x41: {  	[tilespmem:s28], [sflag:$0x5] =	stream.indirect.gather [hbm4b:s4+s20], $0x80, s3, s20, $0xb8;
	[tilespmem:$0x1C000] =	vst v63  }
0x42: {  	_ =	swait.ge [sflag:s29], $0x80  }
0x43: {  	[sflag:s29] =	ssyncset.done $0x0  }
0x44: {  	[sflag:s29] =	ssyncadd.s32 $0xFFFFFF80  }
0x45: {  	_ =	swait.ge [sflag:s29], $0x80  }
0x46: {  	[sflag:s29] =	ssyncset.done $0x0  }
0x47: {  	[sflag:s29] =	ssyncadd.s32 $0xFFFFFF80  }
0x48: {  	[tilespmem:s30], [sflag:$0x6] =	stream.indirect.gather [hbm4b:s4+s20], $0x80, s20, s20, $0xb8;
	[tilespmem:$0x1C000] =	vst v63  }
0x49: {  	_ =	swait.ge [sflag:s31], $0x4000  }
0x4a: {  	[sflag:s31] =	ssyncset.done $0x0  }
0x4b: {  	[sflag:s31] =	ssyncadd.s32 $0xFFFFC000  }
0x4c: {  	[spmem:s2] =	stream.indirect.scatter.add.f32 [tilespmem:s28], [sflag:$0x7], $0x80, s19, s20, $0xb8;
	[tilespmem:$0x1C000] =	vst v63  }
0x4d: {  	_ =	swait.ge [sflag:s0], $0x4000  }
0x4e: {  	p0 =	sle.u32 s5, $0x4;
	s6 =	rddreg [dreg:$0xb]  }
0x4f: {  	s10 =	simm.s32 @!p0 $0x0;
	s7 =	rddreg [dreg:$0xc];
	[sflag:s0] =	ssyncset.done $0x0  }
0x50: {  	s9 =	rddreg [dreg:$0x3];
	[sflag:s0] =	ssyncadd.s32 $0xFFFFC000;
	s6 =	sadd.s32 @!p0 $0x0, s6  }
0x51: {  	[tilespmem:s10], [sflag:$0x1] =	stream.linear.gather @!p0 [hbm4b:s6+s10], $0x80, $0x38;
	[tilespmem:$0x1C000] =	vst v63  }
0x52: {  	p1 =	sle.u32 s9, $0x0;
	s6 =	sadd.s32 @!p0 $0x0, s7;
	s7 =	simm.s32 @!p0 $0x200  }
0x53: {  	[tilespmem:s7], [sflag:$0x1] =	stream.linear.gather @!p0 [hbm4b:s6+s10], $0x80, $0x38;
	[tilespmem:$0x1C000] =	vst v63  }
0x54: {  	s6 =	simm.s32 @!p1 $0x3  }
0x55: {  	_ =	swait.ge @!p1 [sflag:s6], $0x80  }
0x56: {  	[sflag:s6] =	ssyncset.done @!p1 $0x0  }
0x57: {  	[sflag:s6] =	ssyncadd.s32 @!p1 $0xFFFFFF80  }
0x58: {  	_ =	swait.ge @!p1 [sflag:s6], $0x80  }
0x59: {  	s9 =	simm.s32 @!p1 $0x80;
	[sflag:s6] =	ssyncset.done @!p1 $0x0  }
0x5a: {  	s7 =	simm.s32 @!p1 $0x400;
	s10 =	simm.s32 @!p1 $0x100;
	[sflag:s6] =	ssyncadd.s32 @!p1 $0xFFFFFF80  }
0x5b: {  	[tilespmem:s7], [sflag:$0x5] =	stream.indirect.gather @!p1 [hbm4b:s4+s9], $0x80, s10, s9, $0xb8;
	[tilespmem:$0x1C000] =	vst v63  }
0x5c: {  	_ =	swait.ge [sflag:s1], $0x4000  }
0x5d: {  	[sflag:s1] =	ssyncset.done $0x0  }
0x5e: {  	[sflag:s1] =	ssyncadd.s32 $0xFFFFC000  }
0x5f: {  	[spmem:s2] =	stream.indirect.scatter.add.f32 [tilespmem:s30], [sflag:$0x7], $0x80, s21, s20, $0xb8;
	[tilespmem:$0x1C000] =	vst v63  }
0x60: {  	p2 =	sle.u32 s5, $0x5;
	_ =	swait.ge [sflag:s0], $0x4000  }
0x61: {  	s11 =	simm.s32 @!p2 $0x0;
	s6 =	rddreg [dreg:$0xd]  }
0x62: {  	s24 =	simm.s32 @!p2 $0x80;
	s25 =	rddreg [dreg:$0x4];
	[sflag:s0] =	ssyncset.done $0x0  }
0x63: {  	s12 =	rddreg [dreg:$0xe];
	[sflag:s0] =	ssyncadd.s32 $0xFFFFC000;
	s6 =	sadd.s32 @!p2 $0x0, s6  }
0x64: {  	[tilespmem:s24], [sflag:$0x2] =	stream.linear.gather @!p2 [hbm4b:s6+s11], $0x80, $0x38;
	[tilespmem:$0x1C000] =	vst v63  }
0x65: {  	p0 =	sle.u32 s25, $0x0;
	s6 =	sadd.s32 @!p2 $0x0, s12;
	s12 =	simm.s32 @!p2 $0x280  }
0x66: {  	[tilespmem:s12], [sflag:$0x2] =	stream.linear.gather @!p2 [hbm4b:s6+s11], $0x80, $0x38;
	[tilespmem:$0x1C000] =	vst v63  }
0x67: {  	s6 =	simm.s32 @!p0 $0x4  }
0x68: {  	_ =	swait.ge @!p0 [sflag:s6], $0x80  }
0x69: {  	[sflag:s6] =	ssyncset.done @!p0 $0x0  }
0x6a: {  	[sflag:s6] =	ssyncadd.s32 @!p0 $0xFFFFFF80  }
0x6b: {  	_ =	swait.ge @!p0 [sflag:s6], $0x80  }
0x6c: {  	s10 =	simm.s32 @!p1 $0x5;
	s11 =	simm.s32 @!p0 $0x4400;
	[sflag:s6] =	ssyncset.done @!p0 $0x0  }
0x6d: {  	s12 =	simm.s32 @!p0 $0x180;
	[sflag:s6] =	ssyncadd.s32 @!p0 $0xFFFFFF80;
	s6 =	simm.s32 @!p0 $0x80  }
0x6e: {  	[tilespmem:s11], [sflag:$0x6] =	stream.indirect.gather @!p0 [hbm4b:s4+s6], $0x80, s12, s6, $0xb8;
	[tilespmem:$0x1C000] =	vst v63  }
0x6f: {  	_ =	swait.ge @!p1 [sflag:s10], $0x4000  }
0x70: {  	[sflag:s10] =	ssyncset.done @!p1 $0x0  }
0x71: {  	s24 =	simm.s32 @!p1 $0x7;
	s12 =	simm.s32 @!p1 $0x300;
	[sflag:s10] =	ssyncadd.s32 @!p1 $0xFFFFC000  }
0x72: {  	[spmem:s2] =	stream.indirect.scatter.add.f32 @!p1 [tilespmem:s7], [sflag:$0x7], $0x80, s12, s9, $0xb8;
	[tilespmem:$0x1C000] =	vst v63  }
0x73: {  	_ =	swait.ge @!p1 [sflag:s24], $0x4000  }
0x74: {  	p2 =	sle.u32 @!p1 s5, $0x6;
	s7 =	rddreg [dreg:$0x9]  }
0x75: {  	p2 =	por p2, p1;
	[sflag:s24] =	ssyncset.done @!p1 $0x0;
	s9 =	rddreg [dreg:$0x5]  }
0x76: {  	s12 =	simm.s32 @!p2 $0x0;
	s10 =	rddreg [dreg:$0xa];
	[sflag:s24] =	ssyncadd.s32 @!p1 $0xFFFFC000  }
0x77: {  	s7 =	sadd.s32 @!p2 $0x0, s7;
	s24 =	simm.s32 @!p2 $0x100;
	p3 =	sle.u32 @!p1 s9, $0x0  }
0x78: {  	[tilespmem:s24], [sflag:$0x3] =	stream.linear.gather @!p2 [hbm4b:s7+s12], $0x80, $0x38;
	[tilespmem:$0x1C000] =	vst v63  }
0x79: {  	s9 =	simm.s32 @!p2 $0x300;
	s7 =	sadd.s32 @!p2 $0x0, s10;
	p1 =	por p3, p1  }
0x7a: {  	[tilespmem:s9], [sflag:$0x3] =	stream.linear.gather @!p2 [hbm4b:s7+s12], $0x80, $0x38;
	[tilespmem:$0x1C000] =	vst v63  }
0x7b: {  	s7 =	simm.s32 @!p1 $0x1  }
0x7c: {  	_ =	swait.ge @!p1 [sflag:s7], $0x80  }
0x7d: {  	[sflag:s7] =	ssyncset.done @!p1 $0x0  }
0x7e: {  	[sflag:s7] =	ssyncadd.s32 @!p1 $0xFFFFFF80  }
0x7f: {  	_ =	swait.ge @!p1 [sflag:s7], $0x80  }
0x80: {  	s10 =	simm.s32 @!p1 $0x0;
	[sflag:s7] =	ssyncset.done @!p1 $0x0  }
0x81: {  	s9 =	simm.s32 @!p1 $0x400;
	[sflag:s7] =	ssyncadd.s32 @!p1 $0xFFFFFF80;
	s7 =	simm.s32 @!p1 $0x80  }
0x82: {  	[tilespmem:s9], [sflag:$0x5] =	stream.indirect.gather @!p1 [hbm4b:s4+s7], $0x80, s10, s7, $0xb8;
	[tilespmem:$0x1C000] =	vst v63  }
0x83: {  	s7 =	simm.s32 @!p0 $0x6  }
0x84: {  	_ =	swait.ge @!p0 [sflag:s7], $0x4000  }
0x85: {  	[sflag:s7] =	ssyncset.done @!p0 $0x0  }
0x86: {  	s9 =	simm.s32 @!p0 $0x7;
	[sflag:s7] =	ssyncadd.s32 @!p0 $0xFFFFC000;
	s7 =	simm.s32 @!p0 $0x380  }
0x87: {  	[spmem:s2] =	stream.indirect.scatter.add.f32 @!p0 [tilespmem:s11], [sflag:$0x7], $0x80, s7, s6, $0xb8;
	[tilespmem:$0x1C000] =	vst v63  }
0x88: {  	p1 =	sle.u32 @!p0 s5, $0x7;
	_ =	swait.ge @!p0 [sflag:s9], $0x4000  }
0x89: {  	p1 =	por p1, p0;
	s6 =	rddreg [dreg:$0x7]  }
0x8a: {  	s10 =	simm.s32 @!p1 $0x180;
	[sflag:s9] =	ssyncset.done @!p0 $0x0;
	s7 =	rddreg [dreg:$0x8]  }
0x8b: {  	[sflag:s9] =	ssyncadd.s32 @!p0 $0xFFFFC000;
	s6 =	sadd.s32 @!p1 $0x0, s6;
	s9 =	simm.s32 @!p1 $0x0  }
0x8c: {  	[tilespmem:s10], [sflag:$0x4] =	stream.linear.gather @!p1 [hbm4b:s6+s9], $0x80, $0x38;
	[tilespmem:$0x1C000] =	vst v63  }
0x8d: {  	s7 =	sadd.s32 @!p1 $0x0, s7;
	s6 =	rddreg [dreg:$0x6];
	s10 =	simm.s32 @!p1 $0x380  }
0x8e: {  	[tilespmem:s10], [sflag:$0x4] =	stream.linear.gather @!p1 [hbm4b:s7+s9], $0x80, $0x38;
	[tilespmem:$0x1C000] =	vst v63  }
0x8f: {  	p1 =	sle.u32 @!p0 s6, $0x0  }
0x90: {  	s25 =	simm.s32 $0x7;
	s24 =	simm.s32 $0x40;
	p1 =	por p1, p0  }
.LBB2_2:
0x91: {  	s7 =	simm.s32 @!p1 $0x2  }
0x92: {  	_ =	swait.ge @!p1 [sflag:s7], $0x80  }
0x93: {  	[sflag:s7] =	ssyncset.done @!p1 $0x0  }
0x94: {  	[sflag:s7] =	ssyncadd.s32 @!p1 $0xFFFFFF80  }
0x95: {  	_ =	swait.ge @!p1 [sflag:s7], $0x80  }
0x96: {  	[sflag:s7] =	ssyncset.done @!p1 $0x0  }
0x97: {  	s9 =	simm.s32 @!p1 $0x4400;
	[sflag:s7] =	ssyncadd.s32 @!p1 $0xFFFFFF80;
	s7 =	simm.s32 @!p1 $0x80  }
0x98: {  	[tilespmem:s9], [sflag:$0x6] =	stream.indirect.gather @!p1 [hbm4b:s4+s7], $0x80, s7, s7, $0xb8;
	[tilespmem:$0x1C000] =	vst v63  }
0x99: {  	_ =	swait.ge [sflag:s31], $0x4000  }
0x9a: {  	[sflag:s31] =	ssyncset.done $0x0  }
0x9b: {  	s25 =	sadd.s32 $0x4, s25;
	[sflag:s31] =	ssyncadd.s32 $0xFFFFC000  }
0x9c: {  	[spmem:s2] =	stream.indirect.scatter.add.f32 [tilespmem:s28], [sflag:$0x7], $0x80, s19, s20, $0xb8;
	[tilespmem:$0x1C000] =	vst v63  }
0x9d: {  	s6 =	smov.u32 s24;
	s14 =	sadd.s32 $0xFFFFFFFD, s25;
	_ =	swait.ge [sflag:s0], $0x4000  }
0x9e: {  	s7 =	sadd.s32 $0xFFFFFFF9, s25;
	p1 =	sge.u32 s14, s5;
	s10 =	rddreg [dreg:$0xb]  }
0x9f: {  	s11 =	simm.s32 @!p1 $0x0;
	[sflag:s0] =	ssyncset.done $0x0;
	s9 =	rddreg [dreg:$0xc]  }
0xa0: {  	s12 =	rddreg [dreg:$0x3];
	[sflag:s0] =	ssyncadd.s32 $0xFFFFC000;
	s10 =	sadd.s32 @!p1 s6, s10  }
0xa1: {  	[tilespmem:s11], [sflag:$0x1] =	stream.linear.gather @!p1 [hbm4b:s10+s11], $0x80, $0x38;
	[tilespmem:$0x1C000] =	vst v63  }
0xa2: {  	s9 =	sadd.s32 @!p1 s6, s9;
	p2 =	sge.u32 s7, s12;
	s10 =	simm.s32 @!p1 $0x200  }
0xa3: {  	[tilespmem:s10], [sflag:$0x1] =	stream.linear.gather @!p1 [hbm4b:s9+s11], $0x80, $0x38;
	[tilespmem:$0x1C000] =	vst v63  }
0xa4: {  	s10 =	simm.s32 @!p2 $0x3  }
0xa5: {  	_ =	swait.ge @!p2 [sflag:s10], $0x80  }
0xa6: {  	[sflag:s10] =	ssyncset.done @!p2 $0x0  }
0xa7: {  	[sflag:s10] =	ssyncadd.s32 @!p2 $0xFFFFFF80  }
0xa8: {  	s12 =	simm.s32 @!p2 $0x100;
	_ =	swait.ge @!p2 [sflag:s10], $0x80  }
0xa9: {  	s9 =	sadd.s32 @!p2 $0xFFFFFFFF, s25;
	s11 =	simm.s32 @!p2 $0x80;
	[sflag:s10] =	ssyncset.done @!p2 $0x0  }
0xaa: {  	p4 =	sge.u32 @!p2 s9, s5;
	s9 =	simm.s32 @!p2 $0x400;
	[sflag:s10] =	ssyncadd.s32 @!p2 $0xFFFFFF80  }
0xab: {  	[tilespmem:s9], [sflag:$0x5] =	stream.indirect.gather @!p2 [hbm4b:s4+s11], $0x80, s12, s11, $0xb8;
	[tilespmem:$0x1C000] =	vst v63  }
0xac: {  	_ =	swait.ge [sflag:s1], $0x4000  }
0xad: {  	[sflag:s1] =	ssyncset.done $0x0  }
0xae: {  	s15 =	sadd.s32 $0xFFFFFFFE, s25;
	[sflag:s1] =	ssyncadd.s32 $0xFFFFC000  }
0xaf: {  	[spmem:s2] =	stream.indirect.scatter.add.f32 [tilespmem:s30], [sflag:$0x7], $0x80, s21, s20, $0xb8;
	[tilespmem:$0x1C000] =	vst v63  }
0xb0: {  	p3 =	sge.u32 s15, s5;
	_ =	swait.ge [sflag:s0], $0x4000  }
0xb1: {  	s13 =	simm.s32 @!p3 $0x0;
	s12 =	rddreg [dreg:$0xd]  }
0xb2: {  	s15 =	simm.s32 @!p3 $0x80;
	s10 =	rddreg [dreg:$0x4];
	[sflag:s0] =	ssyncset.done $0x0  }
0xb3: {  	s14 =	rddreg [dreg:$0xe];
	[sflag:s0] =	ssyncadd.s32 $0xFFFFC000;
	s12 =	sadd.s32 @!p3 s6, s12  }
0xb4: {  	[tilespmem:s15], [sflag:$0x2] =	stream.linear.gather @!p3 [hbm4b:s12+s13], $0x80, $0x38;
	[tilespmem:$0x1C000] =	vst v63  }
0xb5: {  	p1 =	sge.u32 s7, s10;
	s12 =	sadd.s32 @!p3 s6, s14;
	s14 =	simm.s32 @!p3 $0x280  }
0xb6: {  	[tilespmem:s14], [sflag:$0x2] =	stream.linear.gather @!p3 [hbm4b:s12+s13], $0x80, $0x38;
	[tilespmem:$0x1C000] =	vst v63  }
0xb7: {  	s12 =	simm.s32 @!p1 $0x4  }
0xb8: {  	_ =	swait.ge @!p1 [sflag:s12], $0x80  }
0xb9: {  	[sflag:s12] =	ssyncset.done @!p1 $0x0  }
0xba: {  	[sflag:s12] =	ssyncadd.s32 @!p1 $0xFFFFFF80  }
0xbb: {  	_ =	swait.ge @!p1 [sflag:s12], $0x80  }
0xbc: {  	s10 =	simm.s32 @!p1 $0x4400;
	s13 =	simm.s32 @!p2 $0x5;
	[sflag:s12] =	ssyncset.done @!p1 $0x0  }
0xbd: {  	s14 =	simm.s32 @!p1 $0x180;
	[sflag:s12] =	ssyncadd.s32 @!p1 $0xFFFFFF80;
	s12 =	simm.s32 @!p1 $0x80  }
0xbe: {  	[tilespmem:s10], [sflag:$0x6] =	stream.indirect.gather @!p1 [hbm4b:s4+s12], $0x80, s14, s12, $0xb8;
	[tilespmem:$0x1C000] =	vst v63  }
0xbf: {  	_ =	swait.ge @!p2 [sflag:s13], $0x4000  }
0xc0: {  	[sflag:s13] =	ssyncset.done @!p2 $0x0  }
0xc1: {  	s15 =	simm.s32 @!p2 $0x7;
	s14 =	simm.s32 @!p2 $0x300;
	[sflag:s13] =	ssyncadd.s32 @!p2 $0xFFFFC000  }
0xc2: {  	[spmem:s2] =	stream.indirect.scatter.add.f32 @!p2 [tilespmem:s9], [sflag:$0x7], $0x80, s14, s11, $0xb8;
	[tilespmem:$0x1C000] =	vst v63  }
0xc3: {  	_ =	swait.ge @!p2 [sflag:s15], $0x4000  }
0xc4: {  	s9 =	rddreg [dreg:$0x9]  }
0xc5: {  	p4 =	por p4, p2;
	[sflag:s15] =	ssyncset.done @!p2 $0x0;
	s11 =	rddreg [dreg:$0x5]  }
0xc6: {  	s14 =	simm.s32 @!p4 $0x0;
	s13 =	rddreg [dreg:$0xa];
	[sflag:s15] =	ssyncadd.s32 @!p2 $0xFFFFC000  }
0xc7: {  	s9 =	sadd.s32 @!p4 s6, s9;
	s15 =	simm.s32 @!p4 $0x100;
	p5 =	sge.u32 @!p2 s7, s11  }
0xc8: {  	[tilespmem:s15], [sflag:$0x3] =	stream.linear.gather @!p4 [hbm4b:s9+s14], $0x80, $0x38;
	[tilespmem:$0x1C000] =	vst v63  }
0xc9: {  	s9 =	sadd.s32 @!p4 s6, s13;
	s13 =	simm.s32 @!p4 $0x300;
	p2 =	por p5, p2  }
0xca: {  	[tilespmem:s13], [sflag:$0x3] =	stream.linear.gather @!p4 [hbm4b:s9+s14], $0x80, $0x38;
	[tilespmem:$0x1C000] =	vst v63  }
0xcb: {  	s9 =	simm.s32 @!p2 $0x1  }
0xcc: {  	_ =	swait.ge @!p2 [sflag:s9], $0x80  }
0xcd: {  	[sflag:s9] =	ssyncset.done @!p2 $0x0  }
0xce: {  	[sflag:s9] =	ssyncadd.s32 @!p2 $0xFFFFFF80  }
0xcf: {  	_ =	swait.ge @!p2 [sflag:s9], $0x80  }
0xd0: {  	s11 =	simm.s32 @!p2 $0x400;
	s13 =	simm.s32 @!p1 $0x6;
	[sflag:s9] =	ssyncset.done @!p2 $0x0  }
0xd1: {  	s14 =	simm.s32 @!p2 $0x0;
	[sflag:s9] =	ssyncadd.s32 @!p2 $0xFFFFFF80;
	s9 =	simm.s32 @!p2 $0x80  }
0xd2: {  	[tilespmem:s11], [sflag:$0x5] =	stream.indirect.gather @!p2 [hbm4b:s4+s9], $0x80, s14, s9, $0xb8;
	[tilespmem:$0x1C000] =	vst v63  }
0xd3: {  	s24 =	sadd.s32 $0x40, s24;
	_ =	swait.ge @!p1 [sflag:s13], $0x4000  }
0xd4: {  	p3 =	sge.u32 @!p1 s25, s5;
	s9 =	simm.s32 @!p1 $0x380;
	[sflag:s13] =	ssyncset.done @!p1 $0x0  }
0xd5: {  	s11 =	simm.s32 @!p1 $0x7;
	p2 =	por p3, p1;
	[sflag:s13] =	ssyncadd.s32 @!p1 $0xFFFFC000  }
0xd6: {  	[spmem:s2] =	stream.indirect.scatter.add.f32 @!p1 [tilespmem:s10], [sflag:$0x7], $0x80, s9, s12, $0xb8;
	[tilespmem:$0x1C000] =	vst v63  }
0xd7: {  	p0 =	sne.s32 s24, $0x500;
	s13 =	simm.s32 @!p2 $0x180;
	_ =	swait.ge @!p1 [sflag:s11], $0x4000  }
0xd8: {  	s12 =	simm.s32 @!p2 $0x0;
	[sflag:s11] =	ssyncset.done @!p1 $0x0;
	s9 =	rddreg [dreg:$0x7]  }
.Ltmp0:
0xd9: {  	s10 =	rddreg [dreg:$0x6];
	[sflag:s11] =	ssyncadd.s32 @!p1 $0xFFFFC000;
	(pc) =	sbr.rel @p0 .LBB2_2-.Ltmp0, $4  }
0xda: {  	s11 =	rddreg [dreg:$0x8];
	s9 =	sadd.s32 @!p2 s6, s9;
	p3 =	sge.u32 @!p1 s7, s10  }
0xdb: {  	[tilespmem:s13], [sflag:$0x4] =	stream.linear.gather @!p2 [hbm4b:s9+s12], $0x80, $0x38;
	[tilespmem:$0x1C000] =	vst v63  }
0xdc: {  	s6 =	sadd.s32 @!p2 s6, s11;
	s9 =	simm.s32 @!p2 $0x380;
	p1 =	por p3, p1  }
0xdd: {  	[tilespmem:s9], [sflag:$0x4] =	stream.linear.gather @!p2 [hbm4b:s6+s12], $0x80, $0x38;
	[tilespmem:$0x1C000] =	vst v63  }
0xde: {  	s6 =	simm.s32 @!p1 $0x2  }
0xdf: {  	_ =	swait.ge @!p1 [sflag:s6], $0x80  }
0xe0: {  	[sflag:s6] =	ssyncset.done @!p1 $0x0  }
0xe1: {  	[sflag:s6] =	ssyncadd.s32 @!p1 $0xFFFFFF80  }
0xe2: {  	_ =	swait.ge @!p1 [sflag:s6], $0x80  }
0xe3: {  	s7 =	simm.s32 @!p1 $0x4400;
	s22 =	sadd.s32 $0x1, s22;
	[sflag:s6] =	ssyncset.done @!p1 $0x0  }
0xe4: {  	p0 =	sne.s32 s22, s18;
	[sflag:s6] =	ssyncadd.s32 @!p1 $0xFFFFFF80;
	s6 =	simm.s32 @!p1 $0x80  }
0xe5: {  	[tilespmem:s7], [sflag:$0x6] =	stream.indirect.gather @!p1 [hbm4b:s4+s6], $0x80, s6, s6, $0xb8;
	[tilespmem:$0x1C000] =	vst v63  }
.Ltmp1:
0xe6: {  	[bflag:$0x0] =	sbarrier.arrive $0xFFFF;
	(pc) =	sbr.rel @p0 .LBB2_1-.Ltmp1, $4  }
0xe7: {  	[hbm:s17], [sflag:s8] =	dma.local [spmem:s23], $0x2780  }
0xe8: {  	_ =	swait.ge [sflag:s0], $0x2780  }
0xe9: {  	[sflag:s0] =	ssyncset.done $0x0  }
0xea: {  	[sflag:s0] =	ssyncadd.s32 $0xFFFFD880  }
0xeb: {  	_ =	sfence.sel $0x180000  }
0xec: {  	[bflag:$0x0] =	sbarrier.arrive $0xFFFF  }
0xed: {  	_ =	strace $0x9000004A  }
0xee: {  	s0 =	stileid.u32;
	[bflag:$0x2] =	sbarrier.arrive $0xFFFF  }
0xef: {  	p0 =	sne.s32 s0, $0x0;
	s0 =	rddreg [dreg:$0x2]  }
0xf0: {  	s0 =	sadd.s32 @!p0 $0x100000, s0  }
0xf1: {  	[sflag:s0] =	ssyncadd.tile.s32 @!p0 $0x1;
	_ =	shalt  }
.Lfunc_end2:
_tile_overlayer_lowered:
.L_overlay_start_2:
0xf2: {  	(tag) =	ssettag $0x2  }
0xf3: {  	s0 =	rddreg [dreg:$0x0];
	s2 =	stileid.u32  }
0xf4: {  	s1 =	rddreg [dreg:$0x1];
	p0 =	sne.s32 s2, $0x0  }
0xf5: {  	s3 =	rddreg [dreg:$0x2];
	[bflag:$0x3] =	sbarrier.arrive $0xFFFF;
	s2 =	simm.s32 @!p0 $0x1C07  }
0xf6: {  	[timem:s3], [sflag:s2] =	dma.local @!p0 [hbm:s0], s1  }
0xf7: {  	s0 =	simm.s32 @!p0 $0x7  }
0xf8: {  	_ =	swait.ge @!p0 [sflag:s0], s1  }
0xf9: {  	s1 =	ssub.s32 @!p0 $0x0, s1;
	[sflag:s0] =	ssyncset.done @!p0 $0x0  }
0xfa: {  	[sflag:s0] =	ssyncadd.s32 @!p0 s1  }
0xfb: {  	[bflag:$0x3] =	sbarrier.arrive $0xFFFF  }
0xfc: {  	_ =	shalt  }

// kernel: kernel.7.cloned.1.call-start
scs
__scs_entry_jumppad:
0x0: {  	(pc) =	sbr.rel $0x88, $3  }
0x1: {  	(tag) =	ssettag $0x0;
	lr =	simm.s32 $0x1  }
0x2: {  	[smem:$0x3F89] =	sst lr;
	_ =	strace $0xD0000000  }
0x3: {  	_ = 	snop  }
0x4: {  	_ = 	snop  }
0x5: {  	_ = 	snop  }
0x6: {  	_ = 	snop  }
0x7: {  	_ = 	snop  }
__scs_overlays_trampoline_lowered:
0x8: {  	[smem:$0x3F98] =	sst s0  }
0x9: {  	[smem:$0x3F99] =	sst s1  }
0xa: {  	[smem:$0x3F9A] =	sst s2  }
0xb: {  	[smem:$0x3F9B] =	sst s3  }
0xc: {  	[smem:$0x3F9C] =	sst s4  }
0xd: {  	[smem:$0x3F9D] =	sst s5  }
0xe: {  	[smem:$0x3F9E] =	sst s6  }
0xf: {  	[smem:$0x3F9F] =	sst s7  }
0x10: {  	[smem:$0x3FA0] =	sst s8  }
0x11: {  	[smem:$0x3FA1] =	sst s9;
	s0 =	simm.s32 @!p0 $0x0  }
0x12: {  	s1 =	sld [smem:$0x3F87];
	s0 =	simm.s32 @p0 $0x1  }
0x13: {  	[smem:$0x3FA2] =	sst s0;
	s0 =	simm.s32 @!p1 $0x0  }
0x14: {  	s2 =	sld [smem:$0x3F86];
	s0 =	simm.s32 @p1 $0x1  }
0x15: {  	[smem:$0x3FA3] =	sst s0;
	s0 =	simm.s32 @!p2 $0x0  }
0x16: {  	s3 =	sld [smem:$0x3FDB];
	s0 =	simm.s32 @p2 $0x1  }
0x17: {  	s4 =	simm.s32 $0x1BF5;
	[smem:$0x3FA5] =	sst s0  }
0x18: {  	s0 =	sld [smem:$0x3F88];
	_ =	swait.ge [sflag:s4], $0x0  }
0x19: {  	s7 =	sld [smem:$0x3F89]  }
0x1a: {  	s8 =	sadd.s32 $0xFFFFE003, lr  }
0x1b: {  	s9 =	sadd.s32 $0xFFFFFEF7, lr;
	s5 =	simm.s32 $0xFFFFFFFF;
	p2 =	slt.u32 s8, $0xFFFFF086  }
0x1c: {  	p1 =	slt.u32 s9, $0xF7A;
	s5 =	simm.s32 @!p2 $0x0  }
0x1d: {  	s5 =	simm.s32 @p1 $0x1;
	p0 =	seq.s32 s7, s2  }
0x1e: {  	s7 =	smul.u32 @!p0 $0xF7A, s2;
	p2 =	seq.s32 @!p0 s5, $0x0  }
0x1f: {  	s9 =	smul.u32 $0xF7A, s1;
	s8 =	simm.s32 @!p0 $0x1BF5;
	p2 =	por !p2, p0  }
0x20: {  	[sflag:s8] =	ssyncset.s32 @!p0 $0xFFFFF086;
	s6 =	sadd.s32 @!p0 s3, s7;
	s7 =	simm.s32 @!p0 $0x108  }
0x21: {  	s3 =	sadd.s32 s3, s9;
	s6 =	sadd.s32 @!p0 $0x88, s6;
	s7 =	simm.s32 @p2 $0x1082  }
0x22: {  	[simem:s7], [sflag:s8] =	dma.local @!p0 [hbm:s6], $0xF7A  }
0x23: {  	s9 =	sor.u32 $0xD0000000, s2;
	s6 =	simm.s32 $0x108;
	_ =	swait.ge @!p0 [sflag:s8], $0x0  }
0x24: {  	s3 =	sadd.s32 $0x88, s3;
	s6 =	simm.s32 @!p1 $0x1082;
	[sflag:s4] =	ssyncset.s32 $0xFFFFF086  }
0x25: {  	[simem:s6], [sflag:s4] =	dma.local [hbm:s3], $0xF7A  }
0x26: {  	[smem:$0x3F89] =	sst s1;
	(tag) =	ssettag s2;
	_ =	strace s9  }
0x27: {  	s1 =	sld [smem:$0x3F99]  }
0x28: {  	s2 =	sld [smem:$0x3F9A]  }
0x29: {  	s4 =	sld [smem:$0x3F9C]  }
0x2a: {  	p0 =	seq.s32 s5, $0x0;
	s5 =	sld [smem:$0x3F9D]  }
0x2b: {  	s6 =	sld [smem:$0x3F9E]  }
0x2c: {  	s7 =	sld [smem:$0x3F9F]  }
0x2d: {  	s3 =	simm.s32 $0x108;
	s8 =	sld [smem:$0x3FA0]  }
0x2e: {  	s3 =	simm.s32 @!p0 $0x1082;
	s9 =	sld [smem:$0x3FA1]  }
0x2f: {  	lr =	sadd.s32 s0, s3;
	s0 =	sld [smem:$0x3F98]  }
0x30: {  	s3 =	sld [smem:$0x3F9B]  }
0x31: {  	[smem:$0x3FA4] =	sst s10  }
0x32: {  	s10 =	sld [smem:$0x3FA2];
	_ =	sdelay $0x3  }
0x33: {  	p0 =	seq.s32 s10, $0x1;
	s10 =	sld [smem:$0x3FA4];
	_ =	sdelay $0x3  }
0x34: {  	[smem:$0x3FA4] =	sst s10  }
0x35: {  	s10 =	sld [smem:$0x3FA3];
	_ =	sdelay $0x3  }
0x36: {  	p1 =	seq.s32 s10, $0x1;
	s10 =	sld [smem:$0x3FA4];
	_ =	sdelay $0x3  }
0x37: {  	[smem:$0x3FA4] =	sst s10  }
0x38: {  	s10 =	sld [smem:$0x3FA5]  }
0x39: {  	_ = 	snop;
	(pc) =	sbr.ind lr, $3  }
0x3a: {  	_ = 	snop  }
0x3b: {  	_ = 	snop  }
0x3c: {  	p2 =	seq.s32 s10, $0x1;
	s10 =	sld [smem:$0x3FA4]  }
0x3d: {  	_ =	shalt  }
0x3e: {  	_ =	shalt  }
0x3f: {  	_ =	shalt  }
0x40: {  	_ =	shalt  }
0x41: {  	_ =	shalt  }
0x42: {  	_ =	shalt  }
0x43: {  	_ =	shalt  }
0x44: {  	_ =	shalt  }
0x45: {  	_ =	shalt  }
0x46: {  	_ =	shalt  }
0x47: {  	_ =	shalt  }
0x48: {  	_ =	shalt  }
0x49: {  	_ =	shalt  }
0x4a: {  	_ =	shalt  }
0x4b: {  	_ =	shalt  }
0x4c: {  	_ =	shalt  }
0x4d: {  	_ =	shalt  }
0x4e: {  	_ =	shalt  }
0x4f: {  	_ =	shalt  }
0x50: {  	_ =	shalt  }
0x51: {  	_ =	shalt  }
0x52: {  	_ =	shalt  }
0x53: {  	_ =	shalt  }
0x54: {  	_ =	shalt  }
0x55: {  	_ =	shalt  }
0x56: {  	_ =	shalt  }
0x57: {  	_ =	shalt  }
0x58: {  	_ =	shalt  }
0x59: {  	_ =	shalt  }
0x5a: {  	_ =	shalt  }
0x5b: {  	_ =	shalt  }
0x5c: {  	_ =	shalt  }
0x5d: {  	_ =	shalt  }
0x5e: {  	_ =	shalt  }
0x5f: {  	_ =	shalt  }
0x60: {  	_ =	shalt  }
0x61: {  	_ =	shalt  }
0x62: {  	_ =	shalt  }
0x63: {  	_ =	shalt  }
0x64: {  	_ =	shalt  }
0x65: {  	_ =	shalt  }
0x66: {  	_ =	shalt  }
0x67: {  	_ =	shalt  }
0x68: {  	_ =	shalt  }
0x69: {  	_ =	shalt  }
0x6a: {  	_ =	shalt  }
0x6b: {  	_ =	shalt  }
0x6c: {  	_ =	shalt  }
0x6d: {  	_ =	shalt  }
0x6e: {  	_ =	shalt  }
0x6f: {  	_ =	shalt  }
0x70: {  	_ =	shalt  }
0x71: {  	_ =	shalt  }
0x72: {  	_ =	shalt  }
0x73: {  	_ =	shalt  }
0x74: {  	_ =	shalt  }
0x75: {  	_ =	shalt  }
0x76: {  	_ =	shalt  }
0x77: {  	_ =	shalt  }
0x78: {  	_ =	shalt  }
0x79: {  	_ =	shalt  }
0x7a: {  	_ =	shalt  }
0x7b: {  	_ =	shalt  }
0x7c: {  	_ =	shalt  }
0x7d: {  	_ =	shalt  }
0x7e: {  	_ =	shalt  }
0x7f: {  	_ =	shalt  }
0x80: {  	_ =	shalt  }
0x81: {  	_ =	shalt  }
0x82: {  	_ =	shalt  }
0x83: {  	_ =	shalt  }
0x84: {  	_ =	shalt  }
0x85: {  	_ =	shalt  }
0x86: {  	_ =	shalt  }
0x87: {  	_ =	shalt  }
.Lfunc_end0:
.L_simem_size_0:
called_computation_lowered:
.L_overlay_start_0:
0x88: {  	s2 =	sld [smem:$0x3FD9]  }
0x89: {  	s3 =	sld [smem:$0x3FFE];
	_ =	sdelay $0x1  }
0x8a: {  	s1 =	srdreg.scid  }
0x8b: {  	s0 =	sand.u32 $0x1, s1  }
0x8c: {  	s16 =	sshll.u32 s0, $0xA;
	s2 =	sadd.s32 s3, s2  }
0x8d: {  	s2 =	sadd.s32 s2, s16  }
0x8e: {  	[smem:$0x3FB0] =	sst s2  }
0x8f: {  	_ = 	snop  }
0x90: {  	(tm) =	ssettm $0x1  }
0x91: {  	s17 =	sld [smem:$0x3FFB];
	_ =	sdelay $0x3  }
0x92: {  	_ =	strace s17  }
0x93: {  	s2 =	sld [smem:$0x3FFC];
	_ =	sdelay $0x3  }
0x94: {  	_ =	strace s2  }
0x95: {  	s2 =	sld [smem:$0x3FFD];
	_ =	sdelay $0x3  }
0x96: {  	_ =	strace s2  }
0x97: {  	_ =	strace $0x8FFFFFFF  }
0x98: {  	s18 =	sld [smem:$0x3FDB];
	_ =	sdelay $0x1  }
0x99: {  	s19 =	simm.s32 $_scs_section_size  }
0x9a: {  	s4 =	simm.s32 $_size__tile_overlayer_lowered;
	s5 =	simm.s32 $_tile_overlayer_lowered  }
0x9b: {  	s22 =	simm.s32 $0x1BFF;
	s21 =	sshll.u32 s5, $0x1;
	s2 =	sadd.s32 s19, s18  }
0x9c: {  	s6 =	simm.s32 $0x0;
	s20 =	sshll.u32 s4, $0x1;
	s4 =	sadd.s32 s21, s2  }
0x9d: {  	[timem:s6], [sflag:s22] =	dma.local [hbm:s4], s20  }
0x9e: {  	_ =	swait.ge [sflag:s22], s20  }
0x9f: {  	s3 =	ssub.s32 $0x0, s20;
	[sflag:s22] =	ssyncset.done $0x0  }
0xa0: {  	[sflag:s22] =	ssyncadd.s32 s3;
	_ =	sdelay $0x1  }
0xa1: {  	s23 =	simm.s32 $0x1B8B  }
0xa2: {  	_ =	swait.ge [sflag:s23], $0x1  }
0xa3: {  	[sflag:s23] =	ssyncset.done $0x0  }
0xa4: {  	s25 =	simm.s32 $0x1B8E;
	s24 =	sld [smem:$0x3FFE];
	[sflag:s23] =	ssyncadd.s32 $0xFFFFFFFF  }
0xa5: {  	s26 =	simm.s32 $execute0_lowered;
	[smem:$0x3FD2] =	sst s25  }
0xa6: {  	s4 =	sshll.u32 s26, $0x1;
	_ =	strace $0x80000046;
	[dreg:$0x1] =	wrdreg $0xFFFFFFFF  }
0xa7: {  	s28 =	simm.s32 $_size_execute0_lowered;
	s2 =	sadd.s32 s2, s4;
	[dreg:$0x0] =	wrdreg $0x0  }
0xa8: {  	s4 =	sshll.u32 s28, $0x1;
	[dreg:$0x2] =	wrdreg s2  }
0xa9: {  	[dreg:$0x3] =	wrdreg s4  }
0xaa: {  	[dreg:$0x4] =	wrdreg $0xC0  }
0xab: {  	_ =	task [dreg:s6], $0x5FFFF  }
0xac: {  	[dreg:$0x1] =	wrdreg $0xFFFFFFFF  }
0xad: {  	[dreg:$0x0] =	wrdreg $0x60  }
0xae: {  	[dreg:$0x2] =	wrdreg s24  }
0xaf: {  	[dreg:$0x3] =	wrdreg $0x8F000  }
0xb0: {  	[dreg:$0x4] =	wrdreg $0x9  }
0xb1: {  	_ =	task.clear_ibuf [dreg:s6], $0x5FFFF;
	_ =	strace $0x90000046  }
0xb2: {  	s29 =	simm.s32 $0x9;
	_ =	strace $0x80000048  }
0xb3: {  	_ =	swait.ge [sflag:s29], $0x1  }
0xb4: {  	[sflag:s29] =	ssyncadd.s32 $0xFFFFFFFF  }
0xb5: {  	_ =	strace $0x90000048  }
0xb6: {  	_ =	sfence  }
0xb7: {  	s30 =	sld [smem:$0x0];
	_ =	sdelay $0x2  }
0xb8: {  	s31 =	sshll.u32 s1, $0xD;
	s1 =	sshrl.u32 s1, $0x2  }
0xb9: {  	s3 =	sand.u32 $0x4000, s31;
	s1 =	sadd.s32 s1, s30  }
0xba: {  	s0 =	sor.u32 s3, s0;
	s1 =	sshll.u32 s1, $0x11  }
0xbb: {  	s0 =	sor.u32 s1, s0  }
0xbc: {  	s0 =	sadd.s32 $0x8F2B, s0  }
0xbd: {  	[sflag:s0] =	ssyncadd.remote.s32 $0x1  }
0xbe: {  	_ =	sfence.sel $0xFFFF  }
0xbf: {  	[dreg:$0x0] =	wrdreg $0xFFFFFFFF;
	(pc) =	sbr.abs _section_cstart, $3  }
0xc0: {  	[dreg:$0x1] =	wrdreg $0xFFFFFFFF  }
0xc1: {  	_ =	task.clear_ibuf [dreg:s6], $0x2FFFF;
	_ =	strace $0x9FFFFFFF  }
0xc2: {  	(tm) =	ssettm $0x7FFFFFFF  }
0xc3: {  	_ =	shalt  }
tec
execute0_lowered:
.L_overlay_start_1:
0x0: {  	(tag) =	ssettag $0x1  }
0x1: {  	s0 =	rddreg [dreg:$0x0]  }
0x2: {  	s2 =	rddreg [dreg:$0x1]  }
0x3: {  	s1 =	simm.s32 $0x0;
	s3 =	stileid.u32;
	s5 =	srdreg.scid  }
0x4: {  	s28 =	simm.s32 $0x5700;
	s29 =	simm.s32 $0x7700;
	s30 =	simm.s32 $0x6  }
0x5: {  	s31 =	simm.s32 $0x0;
	[smem:$0x7FF] =	sst s1;
	s20 =	smul.u32 $0x2780, s3  }
0x6: {  	s4 =	sadd.s32 $0xB4200, s0;
	s6 =	sadd.s32 $0xE000, s0;
	s7 =	sand.u32 $0x1, s5  }
0x7: {  	s8 =	sadd.s32 $0x4200, s0;
	s10 =	sadd.s32 $0x17E00, s0;
	s22 =	sshll.u32 s3, $0x1  }
0x8: {  	p0 =	slt.u32 s3, $0x2;
	_ =	strace $0x80000047;
	s9 =	smul.u32 $0x27800, s7  }
0x9: {  	s12 =	ssub.s32 $0x2, s7;
	s5 =	sor.u32 s7, s22;
	s21 =	sshrl.u32 s20, $0x3  }
0xa: {  	s13 =	sshrl.u32 s12, $0x1;
	s14 =	smul.u32 $0x4E, s5;
	s24 =	smin.u32 s5, $0x4  }
0xb: {  	s1 =	sadd.s32 s20, s2;
	s11 =	sadd.s32 s21, s0;
	s9 =	sadd.s32 s20, s9  }
0xc: {  	s23 =	ssub.s32 s12, s13;
	[dreg:$0x7] =	wrdreg s1;
	s25 =	sadd.s32 s24, s14  }
0xd: {  	s9 =	sshrl.u32 s9, $0x3;
	s22 =	smax.u32 s23, $0x1;
	s14 =	sshll.u32 s25, $0x4  }
0xe: {  	s0 =	sadd.s32 s9, s0;
	[dreg:$0xe] =	wrdreg s22;
	s16 =	sadd.s32 s6, s14  }
0xf: {  	s26 =	sadd.s32 $0x4E0, s14;
	s14 =	sadd.s32 s8, s14;
	[dreg:$0x3] =	wrdreg s16  }
0x10: {  	s15 =	smul.u32 $0x9C, s3;
	s0 =	sadd.s32 $0xBE200, s0;
	[dreg:$0x4] =	wrdreg s14  }
0x11: {  	s7 =	smul.u32 $0x4E, s7;
	s6 =	sadd.s32 s6, s26;
	[dreg:$0xd] =	wrdreg s0  }
0x12: {  	s13 =	sshll.u32 s25, $0x8;
	s8 =	sadd.s32 s8, s26;
	[dreg:$0x5] =	wrdreg s6  }
0x13: {  	s14 =	sadd.s32 s7, s15;
	s15 =	sadd.s32 $0xB9200, s11;
	[dreg:$0x6] =	wrdreg s8  }
0x14: {  	s5 =	simm.s32 $0x4F;
	s16 =	sadd.s32 s10, s13;
	[dreg:$0x8] =	wrdreg s15  }
0x15: {  	s5 =	simm.s32 @!p0 $0x4E;
	s18 =	sadd.s32 $0x100, s16;
	[dreg:$0x9] =	wrdreg s16  }
0x16: {  	p0 =	sgt.u32 s3, $0x1;
	s19 =	sadd.s32 $0x200, s16;
	[dreg:$0xa] =	wrdreg s18  }
0x17: {  	s17 =	sadd.s32 s24, s14;
	s20 =	sadd.s32 $0x300, s16;
	[dreg:$0xb] =	wrdreg s19  }
0x18: {  	s22 =	simm.s32 $0x9;
	s1 =	sshll.u32 s17, $0x8;
	[dreg:$0xc] =	wrdreg s20  }
0x19: {  	s21 =	sadd.s32 s1, s10;
	s23 =	sadd.s32 $0x500, s1;
	s24 =	sadd.s32 $0x600, s1  }
0x1a: {  	s1 =	sadd.s32 $0x700, s1;
	s0 =	sadd.s32 $0x400, s21;
	s25 =	sand.u32 $0x1FFF00, s24  }
0x1b: {  	s1 =	sand.u32 $0x1FFF00, s1;
	s24 =	simm.s32 $0x80;
	[dreg:$0xf] =	wrdreg s0  }
0x1c: {  	s0 =	sand.u32 $0x1FFF00, s23;
	s26 =	sadd.s32 s1, s10;
	s1 =	simm.s32 $0x5  }
0x1d: {  	s23 =	simm.s32 $0x2;
	s0 =	sadd.s32 s0, s10;
	[dreg:$0x12] =	wrdreg s26  }
0x1e: {  	s26 =	simm.s32 $0x6F00;
	[dreg:$0x10] =	wrdreg s0;
	s0 =	sadd.s32 s25, s10  }
0x1f: {  	s25 =	simm.s32 $0x4F00;
	[dreg:$0x11] =	wrdreg s0;
	s0 =	simm.s32 $0x1  }
.LBB2_1:
0x20: {  	s9 =	simm.s32 $0x0;
	s3 =	rddreg [dreg:$0x3]  }
0x21: {  	[tilespmem:s9], [sflag:$0x9] =	stream.linear.gather [hbm4b:s3+s9], $0x2700, $0x38;
	[tilespmem:$0xB680] =	vst v63  }
0x22: {  	_ =	swait.ge [sflag:s22], $0x2700  }
0x23: {  	[sflag:s22] =	ssyncset.done $0x0  }
0x24: {  	s6 =	simm.s32 $0x2780;
	s20 =	rddreg [dreg:$0x4];
	[sflag:s22] =	ssyncadd.s32 $0xFFFFD900  }
0x25: {  	[tilespmem:s6], [sflag:$0x9] =	stream.linear.gather [hbm4b:s20+s9], $0x2700, $0x38;
	[tilespmem:$0xB680] =	vst v63  }
0x26: {  	_ =	swait.ge [sflag:s22], $0x2700  }
0x27: {  	s7 =	simm.s32 @!p0 $0x2700;
	[sflag:s22] =	ssyncset.done $0x0  }
0x28: {  	s6 =	simm.s32 @!p0 $0x0;
	s3 =	rddreg [dreg:$0x5];
	[sflag:s22] =	ssyncadd.s32 $0xFFFFD900  }
0x29: {  	[tilespmem:s7], [sflag:$0x9] =	stream.linear.gather @!p0 [hbm4b:s3+s6], $0x80, $0x38;
	[tilespmem:$0xB680] =	vst v63  }
0x2a: {  	s7 =	simm.s32 @!p0 $0x9  }
0x2b: {  	_ =	swait.ge @!p0 [sflag:s7], $0x80  }
0x2c: {  	[sflag:s7] =	ssyncset.done @!p0 $0x0  }
0x2d: {  	s8 =	simm.s32 @!p0 $0x4E80;
	s3 =	rddreg [dreg:$0x6];
	[sflag:s7] =	ssyncadd.s32 @!p0 $0xFFFFFF80  }
0x2e: {  	[tilespmem:s8], [sflag:$0x9] =	stream.linear.gather @!p0 [hbm4b:s3+s6], $0x80, $0x38;
	[tilespmem:$0xB680] =	vst v63  }
0x2f: {  	_ =	swait.ge @!p0 [sflag:s7], $0x80  }
0x30: {  	s21 =	stileid.u32;
	[sflag:s7] =	ssyncset.done @!p0 $0x0  }
0x31: {  	s3 =	sshll.u32 s21, $0x6;
	[sflag:s7] =	ssyncadd.s32 @!p0 $0xFFFFFF80;
	s7 =	rddreg [dreg:$0x7]  }
0x32: {  	s6 =	sor.u32 $0x1C09, s3;
	s8 =	rddreg [dreg:$0x8];
	s7 =	sshrl.u32 s7, $0x3  }
0x33: {  	[spmem:s7], [sflag:s6] =	dma.local [hbm:s8], $0x4F0  }
0x34: {  	_ =	swait.ge [sflag:s22], $0x4F0  }
0x35: {  	[sflag:s22] =	ssyncset.done $0x0  }
0x36: {  	[sflag:s22] =	ssyncadd.s32 $0xFFFFFB10  }
0x37: {  	[bflag:$0x0] =	sbarrier.arrive $0xFFFF  }
0x38: {  	[tilespmem:s25], [sflag:$0x1] =	stream.indirect.gather [hbm4b:s4+s24], $0x10, s9, s24, $0xb8;
	[tilespmem:$0xB680] =	vst v63  }
0x39: {  	s10 =	rddreg [dreg:$0x9]  }
0x3a: {  	[tilespmem:s26], [sflag:$0x5] =	stream.linear.gather [hbm4b:s10+s9], $0x800, $0x38;
	[tilespmem:$0xB680] =	vst v63  }
0x3b: {  	_ = 	snop  }
0x3c: {  	[tilespmem:s28], [sflag:$0x2] =	stream.indirect.gather [hbm4b:s4+s24], $0x10, s24, s24, $0xb8;
	[tilespmem:$0xB680] =	vst v63  }
0x3d: {  	s11 =	rddreg [dreg:$0xa]  }
0x3e: {  	[tilespmem:s29], [sflag:$0x6] =	stream.linear.gather [hbm4b:s11+s9], $0x800, $0x38;
	[tilespmem:$0xB680] =	vst v63  }
0x3f: {  	s12 =	simm.s32 $0x100;
	s13 =	simm.s32 $0x5F00  }
0x40: {  	[tilespmem:s13], [sflag:$0x3] =	stream.indirect.gather [hbm4b:s4+s24], $0x10, s12, s24, $0xb8;
	[tilespmem:$0xB680] =	vst v63  }
0x41: {  	s15 =	simm.s32 $0x7F00;
	s14 =	rddreg [dreg:$0xb]  }
0x42: {  	[tilespmem:s15], [sflag:$0x7] =	stream.linear.gather [hbm4b:s14+s9], $0x800, $0x38;
	[tilespmem:$0xB680] =	vst v63  }
0x43: {  	s16 =	simm.s32 $0x180;
	s17 =	simm.s32 $0x6700  }
0x44: {  	[tilespmem:s17], [sflag:$0x4] =	stream.indirect.gather [hbm4b:s4+s24], $0x10, s16, s24, $0xb8;
	[tilespmem:$0xB680] =	vst v63  }
0x45: {  	s19 =	simm.s32 $0x8700;
	s18 =	rddreg [dreg:$0xc]  }
0x46: {  	[tilespmem:s19], [sflag:$0x8] =	stream.linear.gather [hbm4b:s18+s9], $0x800, $0x38;
	[tilespmem:$0xB680] =	vst v63  }
0x47: {  	_ =	swait.ge [sflag:s0], $0x800  }
0x48: {  	[sflag:s0] =	ssyncset.done $0x0  }
0x49: {  	s20 =	simm.s32 $0x2780;
	[sflag:s0] =	ssyncadd.s32 $0xFFFFF800  }
0x4a: {  	[spmem:s2] =	stream.indirect.scatter.add.f32 [tilespmem:s25], [sflag:$0x9], $0x10, s20, s24, $0xb8;
	[tilespmem:$0xB680] =	vst v63  }
0x4b: {  	_ =	swait.ge [sflag:s22], $0x800  }
0x4c: {  	[sflag:s22] =	ssyncset.done $0x0  }
0x4d: {  	[sflag:s22] =	ssyncadd.s32 $0xFFFFF800  }
0x4e: {  	_ =	swait.ge [sflag:s1], $0x800  }
0x4f: {  	[sflag:s1] =	ssyncset.done $0x0  }
0x50: {  	[sflag:s1] =	ssyncadd.s32 $0xFFFFF800  }
0x51: {  	[spmem:s2] =	stream.indirect.scatter.add.f32 [tilespmem:s26], [sflag:$0x9], $0x10, s20, s24, $0xb8;
	[tilespmem:$0xB680] =	vst v63  }
0x52: {  	p1 =	sle.u32 s5, $0x4;
	_ =	swait.ge [sflag:s22], $0x800  }
0x53: {  	s8 =	simm.s32 @!p1 $0x200;
	[sflag:s22] =	ssyncset.done $0x0  }
0x54: {  	s10 =	simm.s32 @!p1 $0x80;
	s9 =	simm.s32 @!p1 $0x4F00;
	[sflag:s22] =	ssyncadd.s32 $0xFFFFF800  }
0x55: {  	[tilespmem:s9], [sflag:$0x1] =	stream.indirect.gather @!p1 [hbm4b:s4+s10], $0x10, s8, s10, $0xb8;
	[tilespmem:$0xB680] =	vst v63  }
0x56: {  	s18 =	rddreg [dreg:$0xf];
	s8 =	simm.s32 @!p1 $0x0;
	s9 =	simm.s32 @!p1 $0x6F00  }
0x57: {  	[tilespmem:s9], [sflag:$0x5] =	stream.linear.gather @!p1 [hbm4b:s18+s8], $0x800, $0x38;
	[tilespmem:$0xB680] =	vst v63  }
0x58: {  	_ =	swait.ge [sflag:s23], $0x800  }
0x59: {  	[sflag:s23] =	ssyncset.done $0x0  }
0x5a: {  	s21 =	simm.s32 $0x2800;
	[sflag:s23] =	ssyncadd.s32 $0xFFFFF800  }
0x5b: {  	[spmem:s2] =	stream.indirect.scatter.add.f32 [tilespmem:s28], [sflag:$0x9], $0x10, s21, s24, $0xb8;
	[tilespmem:$0xB680] =	vst v63  }
0x5c: {  	_ =	swait.ge [sflag:s22], $0x800  }
0x5d: {  	[sflag:s22] =	ssyncset.done $0x0  }
0x5e: {  	[sflag:s22] =	ssyncadd.s32 $0xFFFFF800  }
0x5f: {  	_ =	swait.ge [sflag:s30], $0x800  }
0x60: {  	[sflag:s30] =	ssyncset.done $0x0  }
0x61: {  	p2 =	sle.u32 s5, $0x5;
	[sflag:s30] =	ssyncadd.s32 $0xFFFFF800  }
0x62: {  	[spmem:s2] =	stream.indirect.scatter.add.f32 [tilespmem:s29], [sflag:$0x9], $0x10, s21, s24, $0xb8;
	[tilespmem:$0xB680] =	vst v63  }
0x63: {  	s10 =	simm.s32 @!p2 $0x80;
	_ =	swait.ge [sflag:s22], $0x800  }
0x64: {  	s8 =	simm.s32 @!p2 $0x280;
	s9 =	simm.s32 @!p2 $0x5700;
	[sflag:s22] =	ssyncset.done $0x0  }
0x65: {  	p1 =	sle.u32 s5, $0x2;
	s3 =	rddreg [dreg:$0x10];
	[sflag:s22] =	ssyncadd.s32 $0xFFFFF800  }
0x66: {  	[tilespmem:s9], [sflag:$0x2] =	stream.indirect.gather @!p2 [hbm4b:s4+s10], $0x10, s8, s10, $0xb8;
	[tilespmem:$0xB680] =	vst v63  }
0x67: {  	s8 =	simm.s32 @!p2 $0x7700;
	s9 =	simm.s32 @!p2 $0x0;
	s10 =	simm.s32 @!p1 $0x3  }
0x68: {  	[tilespmem:s8], [sflag:$0x6] =	stream.linear.gather @!p2 [hbm4b:s3+s9], $0x800, $0x38;
	[tilespmem:$0xB680] =	vst v63  }
0x69: {  	_ =	swait.ge @!p1 [sflag:s10], $0x800  }
0x6a: {  	s11 =	simm.s32 @!p1 $0x80;
	s8 =	simm.s32 @!p1 $0x9;
	[sflag:s10] =	ssyncset.done @!p1 $0x0  }
0x6b: {  	s9 =	simm.s32 @!p1 $0x5F00;
	[sflag:s10] =	ssyncadd.s32 @!p1 $0xFFFFF800;
	s10 =	simm.s32 @!p1 $0x2880  }
0x6c: {  	[spmem:s2] =	stream.indirect.scatter.add.f32 @!p1 [tilespmem:s9], [sflag:$0x9], $0x10, s10, s11, $0xb8;
	[tilespmem:$0xB680] =	vst v63  }
0x6d: {  	_ =	swait.ge @!p1 [sflag:s8], $0x800  }
0x6e: {  	[sflag:s8] =	ssyncset.done @!p1 $0x0  }
0x6f: {  	s9 =	simm.s32 @!p1 $0x7;
	[sflag:s8] =	ssyncadd.s32 @!p1 $0xFFFFF800  }
0x70: {  	_ =	swait.ge @!p1 [sflag:s9], $0x800  }
0x71: {  	[sflag:s9] =	ssyncset.done @!p1 $0x0  }
0x72: {  	s12 =	simm.s32 @!p1 $0x7F00;
	p2 =	sle.u32 @!p1 s5, $0x6;
	[sflag:s9] =	ssyncadd.s32 @!p1 $0xFFFFF800  }
0x73: {  	[spmem:s2] =	stream.indirect.scatter.add.f32 @!p1 [tilespmem:s12], [sflag:$0x9], $0x10, s10, s11, $0xb8;
	[tilespmem:$0xB680] =	vst v63  }
0x74: {  	p3 =	por p2, p1;
	p2 =	sle.u32 s5, $0x3;
	_ =	swait.ge @!p1 [sflag:s8], $0x800  }
0x75: {  	s9 =	simm.s32 @!p3 $0x300;
	s10 =	simm.s32 @!p3 $0x5F00;
	[sflag:s8] =	ssyncset.done @!p1 $0x0  }
0x76: {  	s11 =	rddreg [dreg:$0x11];
	[sflag:s8] =	ssyncadd.s32 @!p1 $0xFFFFF800;
	s8 =	simm.s32 @!p3 $0x80  }
0x77: {  	[tilespmem:s10], [sflag:$0x3] =	stream.indirect.gather @!p3 [hbm4b:s4+s8], $0x10, s9, s8, $0xb8;
	[tilespmem:$0xB680] =	vst v63  }
0x78: {  	s8 =	simm.s32 @!p3 $0x0;
	s9 =	simm.s32 @!p3 $0x7F00;
	s10 =	simm.s32 @!p2 $0x4  }
0x79: {  	[tilespmem:s9], [sflag:$0x7] =	stream.linear.gather @!p3 [hbm4b:s11+s8], $0x800, $0x38;
	[tilespmem:$0xB680] =	vst v63  }
0x7a: {  	_ =	swait.ge @!p2 [sflag:s10], $0x800  }
0x7b: {  	s17 =	simm.s32 @!p2 $0x9;
	s13 =	simm.s32 @!p2 $0x80;
	[sflag:s10] =	ssyncset.done @!p2 $0x0  }
0x7c: {  	s12 =	simm.s32 @!p2 $0x2900;
	s8 =	simm.s32 @!p2 $0x6700;
	[sflag:s10] =	ssyncadd.s32 @!p2 $0xFFFFF800  }
0x7d: {  	[spmem:s2] =	stream.indirect.scatter.add.f32 @!p2 [tilespmem:s8], [sflag:$0x9], $0x10, s12, s13, $0xb8;
	[tilespmem:$0xB680] =	vst v63  }
0x7e: {  	s15 =	simm.s32 @!p2 $0x8;
	p1 =	sle.u32 @!p2 s5, $0x7;
	_ =	swait.ge @!p2 [sflag:s17], $0x800  }
0x7f: {  	s16 =	simm.s32 @!p2 $0x8700;
	p3 =	por p1, p2;
	[sflag:s17] =	ssyncset.done @!p2 $0x0  }
0x80: {  	s19 =	simm.s32 @!p3 $0x0;
	s20 =	simm.s32 @!p3 $0x8700;
	[sflag:s17] =	ssyncadd.s32 @!p2 $0xFFFFF800  }
0x81: {  	s10 =	sadd.s32 $0x400, s11;
	s21 =	rddreg [dreg:$0x12];
	_ =	swait.ge @!p2 [sflag:s15], $0x800  }
0x82: {  	s11 =	sadd.s32 $0x400, s3;
	s8 =	simm.s32 $0x800;
	[sflag:s15] =	ssyncset.done @!p2 $0x0  }
0x83: {  	s9 =	sadd.s32 $0x400, s21;
	[sflag:s15] =	ssyncadd.s32 @!p2 $0xFFFFF800;
	s15 =	simm.s32 @!p3 $0x380  }
0x84: {  	[spmem:s2] =	stream.indirect.scatter.add.f32 @!p2 [tilespmem:s16], [sflag:$0x9], $0x10, s12, s13, $0xb8;
	[tilespmem:$0xB680] =	vst v63  }
0x85: {  	s12 =	simm.s32 @!p3 $0x6700;
	s13 =	simm.s32 $0xB;
	_ =	swait.ge @!p2 [sflag:s17], $0x800  }
.LBB2_2:
0x86: {  	[sflag:s17] =	ssyncset.done @!p2 $0x0  }
0x87: {  	s18 =	sadd.s32 $0x400, s18;
	s16 =	smov.u32 s8;
	s8 =	sadd.s32 $0x800, s8  }
0x88: {  	p1 =	sne.s32 s8, $0xA000;
	[sflag:s17] =	ssyncadd.s32 @!p2 $0xFFFFF800;
	s17 =	simm.s32 @!p3 $0x80  }
0x89: {  	[tilespmem:s12], [sflag:$0x4] =	stream.indirect.gather @!p3 [hbm4b:s4+s17], $0x10, s15, s17, $0xb8;
	[tilespmem:$0xB680] =	vst v63  }
0x8a: {  	_ = 	snop  }
0x8b: {  	[tilespmem:s20], [sflag:$0x8] =	stream.linear.gather @!p3 [hbm4b:s21+s19], $0x800, $0x38;
	[tilespmem:$0xB680] =	vst v63  }
0x8c: {  	s21 =	smov.u32 s9;
	_ =	swait.ge [sflag:s0], $0x800  }
0x8d: {  	s12 =	sshra.s32 s16, $0x2;
	[sflag:s0] =	ssyncset.done $0x0  }
0x8e: {  	s15 =	sadd.s32 $0x2780, s12;
	[sflag:s0] =	ssyncadd.s32 $0xFFFFF800  }
0x8f: {  	[spmem:s2] =	stream.indirect.scatter.add.f32 [tilespmem:s25], [sflag:$0x9], $0x10, s15, s24, $0xb8;
	[tilespmem:$0xB680] =	vst v63  }
0x90: {  	_ =	swait.ge [sflag:s22], $0x800  }
0x91: {  	[sflag:s22] =	ssyncset.done $0x0  }
0x92: {  	s17 =	sadd.s32 $0xFFFFFFFD, s13;
	[sflag:s22] =	ssyncadd.s32 $0xFFFFF800  }
0x93: {  	p2 =	sge.u32 s17, s5;
	_ =	swait.ge [sflag:s1], $0x800  }
0x94: {  	s17 =	sshra.s32 @!p2 s16, $0x2;
	[sflag:s1] =	ssyncset.done $0x0  }
0x95: {  	s17 =	sadd.s32 @!p2 $0x200, s17;
	[sflag:s1] =	ssyncadd.s32 $0xFFFFF800  }
0x96: {  	[spmem:s2] =	stream.indirect.scatter.add.f32 [tilespmem:s26], [sflag:$0x9], $0x10, s15, s24, $0xb8;
	[tilespmem:$0xB680] =	vst v63  }
0x97: {  	_ =	swait.ge [sflag:s22], $0x800  }
0x98: {  	s15 =	simm.s32 @!p2 $0x4F00;
	[sflag:s22] =	ssyncset.done $0x0  }
0x99: {  	s19 =	simm.s32 @!p2 $0x80;
	[sflag:s22] =	ssyncadd.s32 $0xFFFFF800  }
0x9a: {  	[tilespmem:s15], [sflag:$0x1] =	stream.indirect.gather @!p2 [hbm4b:s4+s19], $0x10, s17, s19, $0xb8;
	[tilespmem:$0xB680] =	vst v63  }
0x9b: {  	s15 =	simm.s32 @!p2 $0x0;
	s17 =	simm.s32 @!p2 $0x6F00  }
0x9c: {  	[tilespmem:s17], [sflag:$0x5] =	stream.linear.gather @!p2 [hbm4b:s18+s15], $0x800, $0x38;
	[tilespmem:$0xB680] =	vst v63  }
0x9d: {  	_ =	swait.ge [sflag:s23], $0x800  }
0x9e: {  	[sflag:s23] =	ssyncset.done $0x0  }
0x9f: {  	s12 =	sadd.s32 $0x2800, s12;
	[sflag:s23] =	ssyncadd.s32 $0xFFFFF800  }
0xa0: {  	[spmem:s2] =	stream.indirect.scatter.add.f32 [tilespmem:s28], [sflag:$0x9], $0x10, s12, s24, $0xb8;
	[tilespmem:$0xB680] =	vst v63  }
0xa1: {  	_ =	swait.ge [sflag:s22], $0x800  }
0xa2: {  	[sflag:s22] =	ssyncset.done $0x0  }
0xa3: {  	s15 =	sadd.s32 $0xFFFFFFFE, s13;
	[sflag:s22] =	ssyncadd.s32 $0xFFFFF800  }
0xa4: {  	p3 =	sge.u32 s15, s5;
	_ =	swait.ge [sflag:s30], $0x800  }
0xa5: {  	s15 =	sshra.s32 @!p3 s16, $0x2;
	[sflag:s30] =	ssyncset.done $0x0  }
0xa6: {  	s15 =	sadd.s32 @!p3 $0x280, s15;
	[sflag:s30] =	ssyncadd.s32 $0xFFFFF800  }
0xa7: {  	[spmem:s2] =	stream.indirect.scatter.add.f32 [tilespmem:s29], [sflag:$0x9], $0x10, s12, s24, $0xb8;
	[tilespmem:$0xB680] =	vst v63  }
0xa8: {  	s12 =	sadd.s32 $0xFFFFFFFB, s13;
	_ =	swait.ge [sflag:s22], $0x800  }
0xa9: {  	s17 =	simm.s32 @!p3 $0x5700;
	s19 =	simm.s32 @!p3 $0x7700;
	[sflag:s22] =	ssyncset.done $0x0  }
0xaa: {  	s20 =	simm.s32 @!p3 $0x80;
	p2 =	sge.u32 s12, s5;
	[sflag:s22] =	ssyncadd.s32 $0xFFFFF800  }
0xab: {  	[tilespmem:s17], [sflag:$0x2] =	stream.indirect.gather @!p3 [hbm4b:s4+s20], $0x10, s15, s20, $0xb8;
	[tilespmem:$0xB680] =	vst v63  }
0xac: {  	s12 =	simm.s32 @!p3 $0x0;
	s15 =	simm.s32 @!p2 $0x3;
	s17 =	sshra.s32 @!p2 s16, $0x2  }
0xad: {  	[tilespmem:s19], [sflag:$0x6] =	stream.linear.gather @!p3 [hbm4b:s11+s12], $0x800, $0x38;
	[tilespmem:$0xB680] =	vst v63  }
0xae: {  	s12 =	simm.s32 @!p2 $0x9;
	s19 =	sadd.s32 @!p2 $0xFFFFFFFF, s13;
	_ =	swait.ge @!p2 [sflag:s15], $0x800  }
0xaf: {  	s20 =	simm.s32 @!p2 $0x5F00;
	p3 =	sge.u32 @!p2 s19, s5;
	[sflag:s15] =	ssyncset.done @!p2 $0x0  }
0xb0: {  	[sflag:s15] =	ssyncadd.s32 @!p2 $0xFFFFF800;
	s15 =	sadd.s32 @!p2 $0x2880, s17;
	s17 =	simm.s32 @!p2 $0x80  }
0xb1: {  	[spmem:s2] =	stream.indirect.scatter.add.f32 @!p2 [tilespmem:s20], [sflag:$0x9], $0x10, s15, s17, $0xb8;
	[tilespmem:$0xB680] =	vst v63  }
0xb2: {  	_ =	swait.ge @!p2 [sflag:s12], $0x800  }
0xb3: {  	[sflag:s12] =	ssyncset.done @!p2 $0x0  }
0xb4: {  	s19 =	simm.s32 @!p2 $0x7;
	s20 =	simm.s32 @!p2 $0x7F00;
	[sflag:s12] =	ssyncadd.s32 @!p2 $0xFFFFF800  }
0xb5: {  	s14 =	sadd.s32 $0xFFFFFFFC, s13;
	p3 =	por p3, p2;
	_ =	swait.ge @!p2 [sflag:s19], $0x800  }
0xb6: {  	s3 =	sshra.s32 @!p3 s16, $0x2;
	[sflag:s19] =	ssyncset.done @!p2 $0x0  }
0xb7: {  	s3 =	sadd.s32 @!p3 $0x300, s3;
	[sflag:s19] =	ssyncadd.s32 @!p2 $0xFFFFF800  }
0xb8: {  	[spmem:s2] =	stream.indirect.scatter.add.f32 @!p2 [tilespmem:s20], [sflag:$0x9], $0x10, s15, s17, $0xb8;
	[tilespmem:$0xB680] =	vst v63  }
0xb9: {  	s15 =	simm.s32 @!p3 $0x0;
	s17 =	simm.s32 @!p3 $0x7F00;
	_ =	swait.ge @!p2 [sflag:s12], $0x800  }
0xba: {  	s19 =	simm.s32 @!p3 $0x5F00;
	[sflag:s12] =	ssyncset.done @!p2 $0x0  }
0xbb: {  	[sflag:s12] =	ssyncadd.s32 @!p2 $0xFFFFF800;
	s12 =	simm.s32 @!p3 $0x80  }
0xbc: {  	[tilespmem:s19], [sflag:$0x3] =	stream.indirect.gather @!p3 [hbm4b:s4+s12], $0x10, s3, s12, $0xb8;
	[tilespmem:$0xB680] =	vst v63  }
0xbd: {  	p2 =	sge.u32 s14, s5  }
0xbe: {  	s3 =	simm.s32 @!p2 $0x4;
	s12 =	sshra.s32 @!p2 s16, $0x2  }
0xbf: {  	[tilespmem:s17], [sflag:$0x7] =	stream.linear.gather @!p3 [hbm4b:s10+s15], $0x800, $0x38;
	[tilespmem:$0xB680] =	vst v63  }
0xc0: {  	s17 =	simm.s32 @!p2 $0x9;
	_ =	swait.ge @!p2 [sflag:s3], $0x800  }
0xc1: {  	s14 =	simm.s32 @!p2 $0x6700;
	[sflag:s3] =	ssyncset.done @!p2 $0x0  }
0xc2: {  	s19 =	simm.s32 @!p2 $0x80;
	[sflag:s3] =	ssyncadd.s32 @!p2 $0xFFFFF800;
	s3 =	sadd.s32 @!p2 $0x2900, s12  }
0xc3: {  	[spmem:s2] =	stream.indirect.scatter.add.f32 @!p2 [tilespmem:s14], [sflag:$0x9], $0x10, s3, s19, $0xb8;
	[tilespmem:$0xB680] =	vst v63  }
0xc4: {  	s9 =	sadd.s32 $0x400, s9;
	s11 =	sadd.s32 $0x400, s11;
	_ =	swait.ge @!p2 [sflag:s17], $0x800  }
0xc5: {  	p3 =	sge.u32 @!p2 s13, s5;
	s10 =	sadd.s32 $0x400, s10;
	[sflag:s17] =	ssyncset.done @!p2 $0x0  }
0xc6: {  	s20 =	simm.s32 @!p2 $0x8700;
	s14 =	simm.s32 @!p2 $0x8;
	[sflag:s17] =	ssyncadd.s32 @!p2 $0xFFFFF800  }
.Ltmp0:
0xc7: {  	p3 =	por p3, p2;
	_ =	swait.ge @!p2 [sflag:s14], $0x800;
	(pc) =	sbr.rel @p1 .LBB2_2-.Ltmp0, $4  }
0xc8: {  	s15 =	sshra.s32 @!p3 s16, $0x2;
	s12 =	simm.s32 @!p3 $0x6700;
	[sflag:s14] =	ssyncset.done @!p2 $0x0  }
0xc9: {  	s13 =	sadd.s32 $0x4, s13;
	s15 =	sadd.s32 @!p3 $0x380, s15;
	[sflag:s14] =	ssyncadd.s32 @!p2 $0xFFFFF800  }
0xca: {  	[spmem:s2] =	stream.indirect.scatter.add.f32 @!p2 [tilespmem:s20], [sflag:$0x9], $0x10, s3, s19, $0xb8;
	[tilespmem:$0xB680] =	vst v63  }
0xcb: {  	s19 =	simm.s32 @!p3 $0x0;
	s20 =	simm.s32 @!p3 $0x8700;
	_ =	swait.ge @!p2 [sflag:s17], $0x800  }
0xcc: {  	[sflag:s17] =	ssyncset.done @!p2 $0x0  }
0xcd: {  	s3 =	simm.s32 @!p3 $0x80;
	[sflag:s17] =	ssyncadd.s32 @!p2 $0xFFFFF800  }
0xce: {  	[tilespmem:s12], [sflag:$0x4] =	stream.indirect.gather @!p3 [hbm4b:s4+s3], $0x10, s15, s3, $0xb8;
	[tilespmem:$0xB680] =	vst v63  }
0xcf: {  	_ = 	snop  }
0xd0: {  	[tilespmem:s20], [sflag:$0x8] =	stream.linear.gather @!p3 [hbm4b:s21+s19], $0x800, $0x38;
	[tilespmem:$0xB680] =	vst v63  }
0xd1: {  	[bflag:$0x0] =	sbarrier.arrive $0xFFFF  }
0xd2: {  	s20 =	rddreg [dreg:$0xd]  }
0xd3: {  	[hbm:s20], [sflag:s6] =	dma.local [spmem:s7], $0x4F0  }
0xd4: {  	_ =	swait.ge [sflag:s22], $0x4F0  }
0xd5: {  	s31 =	sadd.s32 $0x1, s31;
	s21 =	rddreg [dreg:$0xe]  }
0xd6: {  	p1 =	sne.s32 s31, s21  }
.Ltmp1:
0xd7: {  	_ = 	snop;
	(pc) =	sbr.rel @p1 .LBB2_1-.Ltmp1, $3  }
0xd8: {  	_ =	sdelay $0x1  }
0xd9: {  	[sflag:s22] =	ssyncset.done $0x0  }
0xda: {  	[sflag:s22] =	ssyncadd.s32 $0xFFFFFB10  }
0xdb: {  	_ =	sfence.sel $0x180000  }
0xdc: {  	[bflag:$0x0] =	sbarrier.arrive $0xFFFF  }
0xdd: {  	_ =	strace $0x90000047  }
0xde: {  	s0 =	stileid.u32;
	[bflag:$0x2] =	sbarrier.arrive $0xFFFF  }
0xdf: {  	p0 =	sne.s32 s0, $0x0;
	s0 =	rddreg [dreg:$0x2]  }
0xe0: {  	s0 =	sadd.s32 @!p0 $0x100000, s0  }
0xe1: {  	[sflag:s0] =	ssyncadd.tile.s32 @!p0 $0x1;
	_ =	shalt  }
.Lfunc_end2:
_tile_overlayer_lowered:
.L_overlay_start_2:
0xe2: {  	(tag) =	ssettag $0x2  }
0xe3: {  	s0 =	rddreg [dreg:$0x0];
	s2 =	stileid.u32  }
0xe4: {  	s1 =	rddreg [dreg:$0x1];
	p0 =	sne.s32 s2, $0x0  }
0xe5: {  	s3 =	rddreg [dreg:$0x2];
	[bflag:$0x3] =	sbarrier.arrive $0xFFFF;
	s2 =	simm.s32 @!p0 $0x1C09  }
0xe6: {  	[timem:s3], [sflag:s2] =	dma.local @!p0 [hbm:s0], s1  }
0xe7: {  	s0 =	simm.s32 @!p0 $0x9  }
0xe8: {  	_ =	swait.ge @!p0 [sflag:s0], s1  }
0xe9: {  	s1 =	ssub.s32 @!p0 $0x0, s1;
	[sflag:s0] =	ssyncset.done @!p0 $0x0  }
0xea: {  	[sflag:s0] =	ssyncadd.s32 @!p0 s1  }
0xeb: {  	[bflag:$0x3] =	sbarrier.arrive $0xFFFF  }
0xec: {  	_ =	shalt  }

</sc_bundles>
